<compile_context>
chip_gen: v7x
topology: tpu7x:2x2x1
jax: 0.10.2.dev20260603
libtpu: 0.0.44.dev20260713+nightly
codegen_flags: <defaults>
</compile_context>

<pallas_src>
import functools

import jax
import jax.numpy as jnp
from jax import lax
from jax.experimental import pallas as pl
from jax.experimental.pallas import tpu as pltpu
from jax.experimental.pallas import tpu_sc as plsc

_CH = 128
_RB = 4


@functools.lru_cache(maxsize=None)
def _make_sc_gather(B):
    info = plsc.get_sparse_core_info()
    NC = info.num_cores
    NW = NC * info.num_subcores
    assert B % (NW * _CH) == 0
    n_ch = B // (NW * _CH)
    rows = B // _CH

    mesh = plsc.VectorSubcoreMesh(core_axis_name="c", subcore_axis_name="s")

    @functools.partial(
        pl.kernel,
        mesh=mesh,
        out_type=jax.ShapeDtypeStruct((rows, _CH), jnp.float32),
        scratch_types=[
            pltpu.VMEM((n_ch, _CH), jnp.int32),
            pltpu.VMEM((n_ch, _CH), jnp.float32),
            pltpu.SemaphoreType.DMA,
            pltpu.SemaphoreType.DMA,
        ],
    )
    def gather_k(table_hbm, idx_hbm, out_hbm, idx_v, vals_v, sem, wsem):
        wid = lax.axis_index("s") * NC + lax.axis_index("c")
        base = wid * n_ch
        pltpu.sync_copy(idx_hbm.at[pl.ds(base, n_ch)], idx_v)
        copies = [
            pltpu.async_copy(table_hbm.at[idx_v.at[j]], vals_v.at[j], sem)
            for j in range(n_ch)
        ]
        writes = []
        for j, c in enumerate(copies):
            c.wait()
            writes.append(
                pltpu.async_copy(vals_v.at[j], out_hbm.at[base + j], wsem)
            )
        for w in writes:
            w.wait()

    return gather_k


@functools.lru_cache(maxsize=None)
def _make_bcast(n_users, B):
    n_dma = n_users // _RB

    def _bcast_body(r_ref, o_ref, buf, sem):
        buf[...] = jnp.broadcast_to(r_ref[...], buf.shape)
        copies = [
            pltpu.make_async_copy(buf, o_ref.at[pl.ds(i * _RB, _RB), :], sem)
            for i in range(n_dma)
        ]
        for c in copies:
            c.start()
        for c in copies:
            c.wait()

    return pl.pallas_call(
        _bcast_body,
        in_specs=[pl.BlockSpec(memory_space=pltpu.VMEM)],
        out_specs=pl.BlockSpec(memory_space=pl.ANY),
        out_shape=jax.ShapeDtypeStruct((n_users, B), jnp.float32),
        scratch_shapes=[
            pltpu.VMEM((_RB, B), jnp.float32),
            pltpu.SemaphoreType.DMA,
        ],
    )


def kernel(user_ids, item_ids, items_count):
    n_users = user_ids.shape[0]
    B = item_ids.shape[0]
    idx2d = item_ids.reshape(-1, _CH)
    ratings = _make_sc_gather(B)(items_count, idx2d)
    return _make_bcast(n_users, B)(ratings.reshape(1, B))

# --- scband reference (transcript-rebuilt; emitter-appended) ---
"""Pipeline reference for scband-popular-recommender-65360812311233 (READ-ONLY COPY).

The authoritative reference and input builder live on the scoring server;
editing this copy changes nothing except your own understanding.
"""

import jax, jax.numpy as jnp
import numpy as np

N_USERS = 1000000
N_ITEMS = 1000000

def setup_inputs(seed: int = 0) -> dict:
    key = jax.random.key(seed)
    k1, k2, k3 = jax.random.split(key, 3)
    user_ids = jax.random.randint(k1, (1024,), 0, N_USERS, dtype=jnp.int64 if jax.config.jax_enable_x64 else jnp.int32).astype(jnp.int32)
    item_ids = jax.random.randint(k2, (16384,), 0, N_ITEMS, dtype=jnp.int32)
    # learned/fitted parameter: per-item popularity counts
    items_count = jax.random.uniform(k3, (N_ITEMS,), dtype=jnp.float32) * 1000.0
    return {"user_ids": user_ids, "item_ids": item_ids, "items_count": items_count}

def reference(user_ids, item_ids, items_count):
    # Faithful translation of PopularRecommender.forward:
    #   n_users = len(user_ids); ratings = items_count[item_ids]; ratings.repeat(n_users, 1)
    n_users = user_ids.shape[0]
    ratings = jnp.take(items_count, item_ids, axis=0)  # gather [16384]
    ratings = jnp.tile(ratings[None, :], (n_users, 1))  # [n_users, 16384]
    return ratings

if __name__ == "__main__":
    import jax
    _d = setup_inputs()
    print(jax.jit(kernel)(*tuple(_d.values())))

</pallas_src>

<mosaic_0001>
#map = affine_map<(d0, d1) -> (0)>
#map1 = affine_map<(d0, d1) -> (0, 0)>
module attributes {stable_mosaic.version = 14 : i64} {
  func.func @gather_k(%arg0: i32, %arg1: i32, %arg2: memref<1000000xf32, #tpu.memory_space<hbm>>, %arg3: memref<128x128xi32, #tpu.memory_space<hbm>>, %arg4: memref<128x128xf32, #tpu.memory_space<hbm>>, %arg5: memref<4x128xi32, #tpu.memory_space<vmem>>, %arg6: memref<4x128xf32, #tpu.memory_space<vmem>>, %arg7: memref<!tpu.dma_semaphore, #tpu.memory_space<semaphore_mem>>, %arg8: memref<!tpu.dma_semaphore, #tpu.memory_space<semaphore_mem>>) attributes {dimension_semantics = [#tpu.dimension_semantics<core_parallel>, #tpu.dimension_semantics<subcore_parallel>], iteration_bounds = array<i64: 2, 16>, scalar_prefetch = 0 : i64, scratch_operands = 4 : i64, tpu.core_type = #tpu.core_type<sc_vector_subcore>, window_params = [{transform_indices = #map}, {transform_indices = #map1}, {transform_indices = #map1}]} {
    %mul3A = arith.constant 2 : i32
    %mul3A_0 = arith.muli %arg1, %mul3A : i32
    %add3A = arith.addi %mul3A_0, %arg0 : i32
    %mul3A_1 = arith.constant 4 : i32
    %mul3A_2 = arith.muli %add3A, %mul3A_1 : i32
    "tpu.region"() ({
      %run_scoped3A = tpu.sem_alloc : memref<!tpu.dma_semaphore, #tpu.memory_space<semaphore_mem>>
      %dma_start3A_193 = arith.constant 0 : i32
      %dma_start3A_194 = tpu.memref_slice %arg3[%mul3A_2, %dma_start3A_193] : memref<128x128xi32, #tpu.memory_space<hbm>> -> memref<4x128xi32, #tpu.memory_space<hbm>>
      %dma_start3A_195 = arith.constant 0 : i32
      %dma_start3A_196 = tpu.memref_slice %arg3[%mul3A_2, %dma_start3A_195] : memref<128x128xi32, #tpu.memory_space<hbm>> -> memref<4x128xi32, #tpu.memory_space<hbm>>
      tpu.enqueue_dma source(%dma_start3A_196 : memref<4x128xi32, #tpu.memory_space<hbm>>) target(%arg5 : memref<4x128xi32, #tpu.memory_space<vmem>>) target_semaphore(%run_scoped3A : memref<!tpu.dma_semaphore, #tpu.memory_space<semaphore_mem>>)
      %dma_wait3A_197 = arith.constant 0 : i32
      %dma_wait3A_198 = tpu.memref_slice %arg3[%mul3A_2, %dma_wait3A_197] : memref<128x128xi32, #tpu.memory_space<hbm>> -> memref<4x128xi32, #tpu.memory_space<hbm>>
      %dma_wait3A_199 = arith.constant 0 : i32
      %dma_wait3A_200 = tpu.memref_slice %arg3[%mul3A_2, %dma_wait3A_199] : memref<128x128xi32, #tpu.memory_space<hbm>> -> memref<4x128xi32, #tpu.memory_space<hbm>>
      tpu.wait_dma2 semaphore(%run_scoped3A : memref<!tpu.dma_semaphore, #tpu.memory_space<semaphore_mem>>) src(%dma_wait3A_200 : memref<4x128xi32, #tpu.memory_space<hbm>>) dst(%arg5 : memref<4x128xi32, #tpu.memory_space<vmem>>)
      tpu.yield
    }) : () -> ()
    %dma_start3A = arith.constant 0 : i32
    %dma_start3A_3 = arith.constant 0 : i32
    %dma_start3A_4 = arith.constant 0 : i32
    %dma_start3A_5 = tpu.memref_slice %arg6[%dma_start3A_3, %dma_start3A_4] : memref<4x128xf32, #tpu.memory_space<vmem>> -> memref<1x128xf32, #tpu.memory_space<vmem>>
    %dma_start3A_6 = tpu.memref_squeeze %dma_start3A_5 : memref<1x128xf32, #tpu.memory_space<vmem>> -> memref<128xf32, #tpu.memory_space<vmem>>
    %dma_start3A_7 = arith.constant 0 : i32
    %dma_start3A_8 = tpu.memref_slice %arg5[%dma_start3A, %dma_start3A_7] : memref<4x128xi32, #tpu.memory_space<vmem>> -> memref<1x128xi32, #tpu.memory_space<vmem>>
    %dma_start3A_9 = tpu.memref_squeeze %dma_start3A_8 : memref<1x128xi32, #tpu.memory_space<vmem>> -> memref<128xi32, #tpu.memory_space<vmem>>
    %dma_start3A_10 = arith.constant 0 : i32
    %dma_start3A_11 = tpu.memref_slice %arg2[%dma_start3A_10] : memref<1000000xf32, #tpu.memory_space<hbm>> -> memref<1000000xf32, #tpu.memory_space<hbm>>
    tpu.enqueue_indirect_dma source(%dma_start3A_11 : memref<1000000xf32, #tpu.memory_space<hbm>>) target(%dma_start3A_6 : memref<128xf32, #tpu.memory_space<vmem>>) offsets(%dma_start3A_9 : memref<128xi32, #tpu.memory_space<vmem>>) semaphore(%arg7 : memref<!tpu.dma_semaphore, #tpu.memory_space<semaphore_mem>>)
    %dma_start3A_12 = arith.constant 1 : i32
    %dma_start3A_13 = arith.constant 1 : i32
    %dma_start3A_14 = arith.constant 0 : i32
    %dma_start3A_15 = tpu.memref_slice %arg6[%dma_start3A_13, %dma_start3A_14] : memref<4x128xf32, #tpu.memory_space<vmem>> -> memref<1x128xf32, #tpu.memory_space<vmem>>
    %dma_start3A_16 = tpu.memref_squeeze %dma_start3A_15 : memref<1x128xf32, #tpu.memory_space<vmem>> -> memref<128xf32, #tpu.memory_space<vmem>>
    %dma_start3A_17 = arith.constant 0 : i32
    %dma_start3A_18 = tpu.memref_slice %arg5[%dma_start3A_12, %dma_start3A_17] : memref<4x128xi32, #tpu.memory_space<vmem>> -> memref<1x128xi32, #tpu.memory_space<vmem>>
    %dma_start3A_19 = tpu.memref_squeeze %dma_start3A_18 : memref<1x128xi32, #tpu.memory_space<vmem>> -> memref<128xi32, #tpu.memory_space<vmem>>
    %dma_start3A_20 = arith.constant 0 : i32
    %dma_start3A_21 = tpu.memref_slice %arg2[%dma_start3A_20] : memref<1000000xf32, #tpu.memory_space<hbm>> -> memref<1000000xf32, #tpu.memory_space<hbm>>
    tpu.enqueue_indirect_dma source(%dma_start3A_21 : memref<1000000xf32, #tpu.memory_space<hbm>>) target(%dma_start3A_16 : memref<128xf32, #tpu.memory_space<vmem>>) offsets(%dma_start3A_19 : memref<128xi32, #tpu.memory_space<vmem>>) semaphore(%arg7 : memref<!tpu.dma_semaphore, #tpu.memory_space<semaphore_mem>>)
    %dma_start3A_22 = arith.constant 2 : i32
    %dma_start3A_23 = arith.constant 2 : i32
    %dma_start3A_24 = arith.constant 0 : i32
    %dma_start3A_25 = tpu.memref_slice %arg6[%dma_start3A_23, %dma_start3A_24] : memref<4x128xf32, #tpu.memory_space<vmem>> -> memref<1x128xf32, #tpu.memory_space<vmem>>
    %dma_start3A_26 = tpu.memref_squeeze %dma_start3A_25 : memref<1x128xf32, #tpu.memory_space<vmem>> -> memref<128xf32, #tpu.memory_space<vmem>>
    %dma_start3A_27 = arith.constant 0 : i32
    %dma_start3A_28 = tpu.memref_slice %arg5[%dma_start3A_22, %dma_start3A_27] : memref<4x128xi32, #tpu.memory_space<vmem>> -> memref<1x128xi32, #tpu.memory_space<vmem>>
    %dma_start3A_29 = tpu.memref_squeeze %dma_start3A_28 : memref<1x128xi32, #tpu.memory_space<vmem>> -> memref<128xi32, #tpu.memory_space<vmem>>
    %dma_start3A_30 = arith.constant 0 : i32
    %dma_start3A_31 = tpu.memref_slice %arg2[%dma_start3A_30] : memref<1000000xf32, #tpu.memory_space<hbm>> -> memref<1000000xf32, #tpu.memory_space<hbm>>
    tpu.enqueue_indirect_dma source(%dma_start3A_31 : memref<1000000xf32, #tpu.memory_space<hbm>>) target(%dma_start3A_26 : memref<128xf32, #tpu.memory_space<vmem>>) offsets(%dma_start3A_29 : memref<128xi32, #tpu.memory_space<vmem>>) semaphore(%arg7 : memref<!tpu.dma_semaphore, #tpu.memory_space<semaphore_mem>>)
    %dma_start3A_32 = arith.constant 3 : i32
    %dma_start3A_33 = arith.constant 3 : i32
    %dma_start3A_34 = arith.constant 0 : i32
    %dma_start3A_35 = tpu.memref_slice %arg6[%dma_start3A_33, %dma_start3A_34] : memref<4x128xf32, #tpu.memory_space<vmem>> -> memref<1x128xf32, #tpu.memory_space<vmem>>
    %dma_start3A_36 = tpu.memref_squeeze %dma_start3A_35 : memref<1x128xf32, #tpu.memory_space<vmem>> -> memref<128xf32, #tpu.memory_space<vmem>>
    %dma_start3A_37 = arith.constant 0 : i32
    %dma_start3A_38 = tpu.memref_slice %arg5[%dma_start3A_32, %dma_start3A_37] : memref<4x128xi32, #tpu.memory_space<vmem>> -> memref<1x128xi32, #tpu.memory_space<vmem>>
    %dma_start3A_39 = tpu.memref_squeeze %dma_start3A_38 : memref<1x128xi32, #tpu.memory_space<vmem>> -> memref<128xi32, #tpu.memory_space<vmem>>
    %dma_start3A_40 = arith.constant 0 : i32
    %dma_start3A_41 = tpu.memref_slice %arg2[%dma_start3A_40] : memref<1000000xf32, #tpu.memory_space<hbm>> -> memref<1000000xf32, #tpu.memory_space<hbm>>
    tpu.enqueue_indirect_dma source(%dma_start3A_41 : memref<1000000xf32, #tpu.memory_space<hbm>>) target(%dma_start3A_36 : memref<128xf32, #tpu.memory_space<vmem>>) offsets(%dma_start3A_39 : memref<128xi32, #tpu.memory_space<vmem>>) semaphore(%arg7 : memref<!tpu.dma_semaphore, #tpu.memory_space<semaphore_mem>>)
    %dma_wait3A = arith.constant 0 : i32
    %dma_wait3A_42 = arith.constant 0 : i32
    %dma_wait3A_43 = arith.constant 0 : i32
    %dma_wait3A_44 = tpu.memref_slice %arg6[%dma_wait3A_42, %dma_wait3A_43] : memref<4x128xf32, #tpu.memory_space<vmem>> -> memref<1x128xf32, #tpu.memory_space<vmem>>
    %dma_wait3A_45 = tpu.memref_squeeze %dma_wait3A_44 : memref<1x128xf32, #tpu.memory_space<vmem>> -> memref<128xf32, #tpu.memory_space<vmem>>
    %dma_wait3A_46 = arith.constant 0 : i32
    %dma_wait3A_47 = tpu.memref_slice %arg5[%dma_wait3A, %dma_wait3A_46] : memref<4x128xi32, #tpu.memory_space<vmem>> -> memref<1x128xi32, #tpu.memory_space<vmem>>
    %dma_wait3A_48 = tpu.memref_squeeze %dma_wait3A_47 : memref<1x128xi32, #tpu.memory_space<vmem>> -> memref<128xi32, #tpu.memory_space<vmem>>
    %dma_wait3A_49 = arith.constant 0 : i32
    %dma_wait3A_50 = tpu.memref_slice %arg2[%dma_wait3A_49] : memref<1000000xf32, #tpu.memory_space<hbm>> -> memref<1000000xf32, #tpu.memory_space<hbm>>
    tpu.wait_indirect_dma semaphore(%arg7 : memref<!tpu.dma_semaphore, #tpu.memory_space<semaphore_mem>>) src(%dma_wait3A_50 : memref<1000000xf32, #tpu.memory_space<hbm>>) dst(%dma_wait3A_45 : memref<128xf32, #tpu.memory_space<vmem>>)
    %add3A_51 = arith.constant 0 : i32
    %add3A_52 = arith.addi %mul3A_2, %add3A_51 : i32
    %dma_start3A_53 = arith.constant 0 : i32
    %dma_start3A_54 = arith.constant 0 : i32
    %dma_start3A_55 = tpu.memref_slice %arg6[%dma_start3A_53, %dma_start3A_54] : memref<4x128xf32, #tpu.memory_space<vmem>> -> memref<1x128xf32, #tpu.memory_space<vmem>>
    %dma_start3A_56 = tpu.memref_squeeze %dma_start3A_55 : memref<1x128xf32, #tpu.memory_space<vmem>> -> memref<128xf32, #tpu.memory_space<vmem>>
    %dma_start3A_57 = arith.constant 0 : i32
    %dma_start3A_58 = tpu.memref_slice %arg4[%add3A_52, %dma_start3A_57] : memref<128x128xf32, #tpu.memory_space<hbm>> -> memref<1x128xf32, #tpu.memory_space<hbm>>
    %dma_start3A_59 = tpu.memref_squeeze %dma_start3A_58 : memref<1x128xf32, #tpu.memory_space<hbm>> -> memref<128xf32, #tpu.memory_space<hbm>>
    %dma_start3A_60 = arith.constant 0 : i32
    %dma_start3A_61 = tpu.memref_slice %arg4[%add3A_52, %dma_start3A_60] : memref<128x128xf32, #tpu.memory_space<hbm>> -> memref<1x128xf32, #tpu.memory_space<hbm>>
    %dma_start3A_62 = tpu.memref_squeeze %dma_start3A_61 : memref<1x128xf32, #tpu.memory_space<hbm>> -> memref<128xf32, #tpu.memory_space<hbm>>
    %dma_start3A_63 = arith.constant 0 : i32
    %dma_start3A_64 = tpu.memref_slice %arg6[%dma_start3A_53, %dma_start3A_63] : memref<4x128xf32, #tpu.memory_space<vmem>> -> memref<1x128xf32, #tpu.memory_space<vmem>>
    %dma_start3A_65 = tpu.memref_squeeze %dma_start3A_64 : memref<1x128xf32, #tpu.memory_space<vmem>> -> memref<128xf32, #tpu.memory_space<vmem>>
    tpu.enqueue_dma source(%dma_start3A_65 : memref<128xf32, #tpu.memory_space<vmem>>) target(%dma_start3A_62 : memref<128xf32, #tpu.memory_space<hbm>>) target_semaphore(%arg8 : memref<!tpu.dma_semaphore, #tpu.memory_space<semaphore_mem>>)
    %dma_wait3A_66 = arith.constant 1 : i32
    %dma_wait3A_67 = arith.constant 1 : i32
    %dma_wait3A_68 = arith.constant 0 : i32
    %dma_wait3A_69 = tpu.memref_slice %arg6[%dma_wait3A_67, %dma_wait3A_68] : memref<4x128xf32, #tpu.memory_space<vmem>> -> memref<1x128xf32, #tpu.memory_space<vmem>>
    %dma_wait3A_70 = tpu.memref_squeeze %dma_wait3A_69 : memref<1x128xf32, #tpu.memory_space<vmem>> -> memref<128xf32, #tpu.memory_space<vmem>>
    %dma_wait3A_71 = arith.constant 0 : i32
    %dma_wait3A_72 = tpu.memref_slice %arg5[%dma_wait3A_66, %dma_wait3A_71] : memref<4x128xi32, #tpu.memory_space<vmem>> -> memref<1x128xi32, #tpu.memory_space<vmem>>
    %dma_wait3A_73 = tpu.memref_squeeze %dma_wait3A_72 : memref<1x128xi32, #tpu.memory_space<vmem>> -> memref<128xi32, #tpu.memory_space<vmem>>
    %dma_wait3A_74 = arith.constant 0 : i32
    %dma_wait3A_75 = tpu.memref_slice %arg2[%dma_wait3A_74] : memref<1000000xf32, #tpu.memory_space<hbm>> -> memref<1000000xf32, #tpu.memory_space<hbm>>
    tpu.wait_indirect_dma semaphore(%arg7 : memref<!tpu.dma_semaphore, #tpu.memory_space<semaphore_mem>>) src(%dma_wait3A_75 : memref<1000000xf32, #tpu.memory_space<hbm>>) dst(%dma_wait3A_70 : memref<128xf32, #tpu.memory_space<vmem>>)
    %add3A_76 = arith.constant 1 : i32
    %add3A_77 = arith.addi %mul3A_2, %add3A_76 : i32
    %dma_start3A_78 = arith.constant 1 : i32
    %dma_start3A_79 = arith.constant 0 : i32
    %dma_start3A_80 = tpu.memref_slice %arg6[%dma_start3A_78, %dma_start3A_79] : memref<4x128xf32, #tpu.memory_space<vmem>> -> memref<1x128xf32, #tpu.memory_space<vmem>>
    %dma_start3A_81 = tpu.memref_squeeze %dma_start3A_80 : memref<1x128xf32, #tpu.memory_space<vmem>> -> memref<128xf32, #tpu.memory_space<vmem>>
    %dma_start3A_82 = arith.constant 0 : i32
    %dma_start3A_83 = tpu.memref_slice %arg4[%add3A_77, %dma_start3A_82] : memref<128x128xf32, #tpu.memory_space<hbm>> -> memref<1x128xf32, #tpu.memory_space<hbm>>
    %dma_start3A_84 = tpu.memref_squeeze %dma_start3A_83 : memref<1x128xf32, #tpu.memory_space<hbm>> -> memref<128xf32, #tpu.memory_space<hbm>>
    %dma_start3A_85 = arith.constant 0 : i32
    %dma_start3A_86 = tpu.memref_slice %arg4[%add3A_77, %dma_start3A_85] : memref<128x128xf32, #tpu.memory_space<hbm>> -> memref<1x128xf32, #tpu.memory_space<hbm>>
    %dma_start3A_87 = tpu.memref_squeeze %dma_start3A_86 : memref<1x128xf32, #tpu.memory_space<hbm>> -> memref<128xf32, #tpu.memory_space<hbm>>
    %dma_start3A_88 = arith.constant 0 : i32
    %dma_start3A_89 = tpu.memref_slice %arg6[%dma_start3A_78, %dma_start3A_88] : memref<4x128xf32, #tpu.memory_space<vmem>> -> memref<1x128xf32, #tpu.memory_space<vmem>>
    %dma_start3A_90 = tpu.memref_squeeze %dma_start3A_89 : memref<1x128xf32, #tpu.memory_space<vmem>> -> memref<128xf32, #tpu.memory_space<vmem>>
    tpu.enqueue_dma source(%dma_start3A_90 : memref<128xf32, #tpu.memory_space<vmem>>) target(%dma_start3A_87 : memref<128xf32, #tpu.memory_space<hbm>>) target_semaphore(%arg8 : memref<!tpu.dma_semaphore, #tpu.memory_space<semaphore_mem>>)
    %dma_wait3A_91 = arith.constant 2 : i32
    %dma_wait3A_92 = arith.constant 2 : i32
    %dma_wait3A_93 = arith.constant 0 : i32
    %dma_wait3A_94 = tpu.memref_slice %arg6[%dma_wait3A_92, %dma_wait3A_93] : memref<4x128xf32, #tpu.memory_space<vmem>> -> memref<1x128xf32, #tpu.memory_space<vmem>>
    %dma_wait3A_95 = tpu.memref_squeeze %dma_wait3A_94 : memref<1x128xf32, #tpu.memory_space<vmem>> -> memref<128xf32, #tpu.memory_space<vmem>>
    %dma_wait3A_96 = arith.constant 0 : i32
    %dma_wait3A_97 = tpu.memref_slice %arg5[%dma_wait3A_91, %dma_wait3A_96] : memref<4x128xi32, #tpu.memory_space<vmem>> -> memref<1x128xi32, #tpu.memory_space<vmem>>
    %dma_wait3A_98 = tpu.memref_squeeze %dma_wait3A_97 : memref<1x128xi32, #tpu.memory_space<vmem>> -> memref<128xi32, #tpu.memory_space<vmem>>
    %dma_wait3A_99 = arith.constant 0 : i32
    %dma_wait3A_100 = tpu.memref_slice %arg2[%dma_wait3A_99] : memref<1000000xf32, #tpu.memory_space<hbm>> -> memref<1000000xf32, #tpu.memory_space<hbm>>
    tpu.wait_indirect_dma semaphore(%arg7 : memref<!tpu.dma_semaphore, #tpu.memory_space<semaphore_mem>>) src(%dma_wait3A_100 : memref<1000000xf32, #tpu.memory_space<hbm>>) dst(%dma_wait3A_95 : memref<128xf32, #tpu.memory_space<vmem>>)
    %add3A_101 = arith.constant 2 : i32
    %add3A_102 = arith.addi %mul3A_2, %add3A_101 : i32
    %dma_start3A_103 = arith.constant 2 : i32
    %dma_start3A_104 = arith.constant 0 : i32
    %dma_start3A_105 = tpu.memref_slice %arg6[%dma_start3A_103, %dma_start3A_104] : memref<4x128xf32, #tpu.memory_space<vmem>> -> memref<1x128xf32, #tpu.memory_space<vmem>>
    %dma_start3A_106 = tpu.memref_squeeze %dma_start3A_105 : memref<1x128xf32, #tpu.memory_space<vmem>> -> memref<128xf32, #tpu.memory_space<vmem>>
    %dma_start3A_107 = arith.constant 0 : i32
    %dma_start3A_108 = tpu.memref_slice %arg4[%add3A_102, %dma_start3A_107] : memref<128x128xf32, #tpu.memory_space<hbm>> -> memref<1x128xf32, #tpu.memory_space<hbm>>
    %dma_start3A_109 = tpu.memref_squeeze %dma_start3A_108 : memref<1x128xf32, #tpu.memory_space<hbm>> -> memref<128xf32, #tpu.memory_space<hbm>>
    %dma_start3A_110 = arith.constant 0 : i32
    %dma_start3A_111 = tpu.memref_slice %arg4[%add3A_102, %dma_start3A_110] : memref<128x128xf32, #tpu.memory_space<hbm>> -> memref<1x128xf32, #tpu.memory_space<hbm>>
    %dma_start3A_112 = tpu.memref_squeeze %dma_start3A_111 : memref<1x128xf32, #tpu.memory_space<hbm>> -> memref<128xf32, #tpu.memory_space<hbm>>
    %dma_start3A_113 = arith.constant 0 : i32
    %dma_start3A_114 = tpu.memref_slice %arg6[%dma_start3A_103, %dma_start3A_113] : memref<4x128xf32, #tpu.memory_space<vmem>> -> memref<1x128xf32, #tpu.memory_space<vmem>>
    %dma_start3A_115 = tpu.memref_squeeze %dma_start3A_114 : memref<1x128xf32, #tpu.memory_space<vmem>> -> memref<128xf32, #tpu.memory_space<vmem>>
    tpu.enqueue_dma source(%dma_start3A_115 : memref<128xf32, #tpu.memory_space<vmem>>) target(%dma_start3A_112 : memref<128xf32, #tpu.memory_space<hbm>>) target_semaphore(%arg8 : memref<!tpu.dma_semaphore, #tpu.memory_space<semaphore_mem>>)
    %dma_wait3A_116 = arith.constant 3 : i32
    %dma_wait3A_117 = arith.constant 3 : i32
    %dma_wait3A_118 = arith.constant 0 : i32
    %dma_wait3A_119 = tpu.memref_slice %arg6[%dma_wait3A_117, %dma_wait3A_118] : memref<4x128xf32, #tpu.memory_space<vmem>> -> memref<1x128xf32, #tpu.memory_space<vmem>>
    %dma_wait3A_120 = tpu.memref_squeeze %dma_wait3A_119 : memref<1x128xf32, #tpu.memory_space<vmem>> -> memref<128xf32, #tpu.memory_space<vmem>>
    %dma_wait3A_121 = arith.constant 0 : i32
    %dma_wait3A_122 = tpu.memref_slice %arg5[%dma_wait3A_116, %dma_wait3A_121] : memref<4x128xi32, #tpu.memory_space<vmem>> -> memref<1x128xi32, #tpu.memory_space<vmem>>
    %dma_wait3A_123 = tpu.memref_squeeze %dma_wait3A_122 : memref<1x128xi32, #tpu.memory_space<vmem>> -> memref<128xi32, #tpu.memory_space<vmem>>
    %dma_wait3A_124 = arith.constant 0 : i32
    %dma_wait3A_125 = tpu.memref_slice %arg2[%dma_wait3A_124] : memref<1000000xf32, #tpu.memory_space<hbm>> -> memref<1000000xf32, #tpu.memory_space<hbm>>
    tpu.wait_indirect_dma semaphore(%arg7 : memref<!tpu.dma_semaphore, #tpu.memory_space<semaphore_mem>>) src(%dma_wait3A_125 : memref<1000000xf32, #tpu.memory_space<hbm>>) dst(%dma_wait3A_120 : memref<128xf32, #tpu.memory_space<vmem>>)
    %add3A_126 = arith.constant 3 : i32
    %add3A_127 = arith.addi %mul3A_2, %add3A_126 : i32
    %dma_start3A_128 = arith.constant 3 : i32
    %dma_start3A_129 = arith.constant 0 : i32
    %dma_start3A_130 = tpu.memref_slice %arg6[%dma_start3A_128, %dma_start3A_129] : memref<4x128xf32, #tpu.memory_space<vmem>> -> memref<1x128xf32, #tpu.memory_space<vmem>>
    %dma_start3A_131 = tpu.memref_squeeze %dma_start3A_130 : memref<1x128xf32, #tpu.memory_space<vmem>> -> memref<128xf32, #tpu.memory_space<vmem>>
    %dma_start3A_132 = arith.constant 0 : i32
    %dma_start3A_133 = tpu.memref_slice %arg4[%add3A_127, %dma_start3A_132] : memref<128x128xf32, #tpu.memory_space<hbm>> -> memref<1x128xf32, #tpu.memory_space<hbm>>
    %dma_start3A_134 = tpu.memref_squeeze %dma_start3A_133 : memref<1x128xf32, #tpu.memory_space<hbm>> -> memref<128xf32, #tpu.memory_space<hbm>>
    %dma_start3A_135 = arith.constant 0 : i32
    %dma_start3A_136 = tpu.memref_slice %arg4[%add3A_127, %dma_start3A_135] : memref<128x128xf32, #tpu.memory_space<hbm>> -> memref<1x128xf32, #tpu.memory_space<hbm>>
    %dma_start3A_137 = tpu.memref_squeeze %dma_start3A_136 : memref<1x128xf32, #tpu.memory_space<hbm>> -> memref<128xf32, #tpu.memory_space<hbm>>
    %dma_start3A_138 = arith.constant 0 : i32
    %dma_start3A_139 = tpu.memref_slice %arg6[%dma_start3A_128, %dma_start3A_138] : memref<4x128xf32, #tpu.memory_space<vmem>> -> memref<1x128xf32, #tpu.memory_space<vmem>>
    %dma_start3A_140 = tpu.memref_squeeze %dma_start3A_139 : memref<1x128xf32, #tpu.memory_space<vmem>> -> memref<128xf32, #tpu.memory_space<vmem>>
    tpu.enqueue_dma source(%dma_start3A_140 : memref<128xf32, #tpu.memory_space<vmem>>) target(%dma_start3A_137 : memref<128xf32, #tpu.memory_space<hbm>>) target_semaphore(%arg8 : memref<!tpu.dma_semaphore, #tpu.memory_space<semaphore_mem>>)
    %dma_wait3A_141 = arith.constant 0 : i32
    %dma_wait3A_142 = arith.constant 0 : i32
    %dma_wait3A_143 = tpu.memref_slice %arg6[%dma_wait3A_141, %dma_wait3A_142] : memref<4x128xf32, #tpu.memory_space<vmem>> -> memref<1x128xf32, #tpu.memory_space<vmem>>
    %dma_wait3A_144 = tpu.memref_squeeze %dma_wait3A_143 : memref<1x128xf32, #tpu.memory_space<vmem>> -> memref<128xf32, #tpu.memory_space<vmem>>
    %dma_wait3A_145 = arith.constant 0 : i32
    %dma_wait3A_146 = tpu.memref_slice %arg4[%add3A_52, %dma_wait3A_145] : memref<128x128xf32, #tpu.memory_space<hbm>> -> memref<1x128xf32, #tpu.memory_space<hbm>>
    %dma_wait3A_147 = tpu.memref_squeeze %dma_wait3A_146 : memref<1x128xf32, #tpu.memory_space<hbm>> -> memref<128xf32, #tpu.memory_space<hbm>>
    %dma_wait3A_148 = arith.constant 0 : i32
    %dma_wait3A_149 = tpu.memref_slice %arg4[%add3A_52, %dma_wait3A_148] : memref<128x128xf32, #tpu.memory_space<hbm>> -> memref<1x128xf32, #tpu.memory_space<hbm>>
    %dma_wait3A_150 = tpu.memref_squeeze %dma_wait3A_149 : memref<1x128xf32, #tpu.memory_space<hbm>> -> memref<128xf32, #tpu.memory_space<hbm>>
    %dma_wait3A_151 = arith.constant 0 : i32
    %dma_wait3A_152 = tpu.memref_slice %arg6[%dma_wait3A_141, %dma_wait3A_151] : memref<4x128xf32, #tpu.memory_space<vmem>> -> memref<1x128xf32, #tpu.memory_space<vmem>>
    %dma_wait3A_153 = tpu.memref_squeeze %dma_wait3A_152 : memref<1x128xf32, #tpu.memory_space<vmem>> -> memref<128xf32, #tpu.memory_space<vmem>>
    tpu.wait_dma2 semaphore(%arg8 : memref<!tpu.dma_semaphore, #tpu.memory_space<semaphore_mem>>) src(%dma_wait3A_153 : memref<128xf32, #tpu.memory_space<vmem>>) dst(%dma_wait3A_150 : memref<128xf32, #tpu.memory_space<hbm>>)
    %dma_wait3A_154 = arith.constant 1 : i32
    %dma_wait3A_155 = arith.constant 0 : i32
    %dma_wait3A_156 = tpu.memref_slice %arg6[%dma_wait3A_154, %dma_wait3A_155] : memref<4x128xf32, #tpu.memory_space<vmem>> -> memref<1x128xf32, #tpu.memory_space<vmem>>
    %dma_wait3A_157 = tpu.memref_squeeze %dma_wait3A_156 : memref<1x128xf32, #tpu.memory_space<vmem>> -> memref<128xf32, #tpu.memory_space<vmem>>
    %dma_wait3A_158 = arith.constant 0 : i32
    %dma_wait3A_159 = tpu.memref_slice %arg4[%add3A_77, %dma_wait3A_158] : memref<128x128xf32, #tpu.memory_space<hbm>> -> memref<1x128xf32, #tpu.memory_space<hbm>>
    %dma_wait3A_160 = tpu.memref_squeeze %dma_wait3A_159 : memref<1x128xf32, #tpu.memory_space<hbm>> -> memref<128xf32, #tpu.memory_space<hbm>>
    %dma_wait3A_161 = arith.constant 0 : i32
    %dma_wait3A_162 = tpu.memref_slice %arg4[%add3A_77, %dma_wait3A_161] : memref<128x128xf32, #tpu.memory_space<hbm>> -> memref<1x128xf32, #tpu.memory_space<hbm>>
    %dma_wait3A_163 = tpu.memref_squeeze %dma_wait3A_162 : memref<1x128xf32, #tpu.memory_space<hbm>> -> memref<128xf32, #tpu.memory_space<hbm>>
    %dma_wait3A_164 = arith.constant 0 : i32
    %dma_wait3A_165 = tpu.memref_slice %arg6[%dma_wait3A_154, %dma_wait3A_164] : memref<4x128xf32, #tpu.memory_space<vmem>> -> memref<1x128xf32, #tpu.memory_space<vmem>>
    %dma_wait3A_166 = tpu.memref_squeeze %dma_wait3A_165 : memref<1x128xf32, #tpu.memory_space<vmem>> -> memref<128xf32, #tpu.memory_space<vmem>>
    tpu.wait_dma2 semaphore(%arg8 : memref<!tpu.dma_semaphore, #tpu.memory_space<semaphore_mem>>) src(%dma_wait3A_166 : memref<128xf32, #tpu.memory_space<vmem>>) dst(%dma_wait3A_163 : memref<128xf32, #tpu.memory_space<hbm>>)
    %dma_wait3A_167 = arith.constant 2 : i32
    %dma_wait3A_168 = arith.constant 0 : i32
    %dma_wait3A_169 = tpu.memref_slice %arg6[%dma_wait3A_167, %dma_wait3A_168] : memref<4x128xf32, #tpu.memory_space<vmem>> -> memref<1x128xf32, #tpu.memory_space<vmem>>
    %dma_wait3A_170 = tpu.memref_squeeze %dma_wait3A_169 : memref<1x128xf32, #tpu.memory_space<vmem>> -> memref<128xf32, #tpu.memory_space<vmem>>
    %dma_wait3A_171 = arith.constant 0 : i32
    %dma_wait3A_172 = tpu.memref_slice %arg4[%add3A_102, %dma_wait3A_171] : memref<128x128xf32, #tpu.memory_space<hbm>> -> memref<1x128xf32, #tpu.memory_space<hbm>>
    %dma_wait3A_173 = tpu.memref_squeeze %dma_wait3A_172 : memref<1x128xf32, #tpu.memory_space<hbm>> -> memref<128xf32, #tpu.memory_space<hbm>>
    %dma_wait3A_174 = arith.constant 0 : i32
    %dma_wait3A_175 = tpu.memref_slice %arg4[%add3A_102, %dma_wait3A_174] : memref<128x128xf32, #tpu.memory_space<hbm>> -> memref<1x128xf32, #tpu.memory_space<hbm>>
    %dma_wait3A_176 = tpu.memref_squeeze %dma_wait3A_175 : memref<1x128xf32, #tpu.memory_space<hbm>> -> memref<128xf32, #tpu.memory_space<hbm>>
    %dma_wait3A_177 = arith.constant 0 : i32
    %dma_wait3A_178 = tpu.memref_slice %arg6[%dma_wait3A_167, %dma_wait3A_177] : memref<4x128xf32, #tpu.memory_space<vmem>> -> memref<1x128xf32, #tpu.memory_space<vmem>>
    %dma_wait3A_179 = tpu.memref_squeeze %dma_wait3A_178 : memref<1x128xf32, #tpu.memory_space<vmem>> -> memref<128xf32, #tpu.memory_space<vmem>>
    tpu.wait_dma2 semaphore(%arg8 : memref<!tpu.dma_semaphore, #tpu.memory_space<semaphore_mem>>) src(%dma_wait3A_179 : memref<128xf32, #tpu.memory_space<vmem>>) dst(%dma_wait3A_176 : memref<128xf32, #tpu.memory_space<hbm>>)
    %dma_wait3A_180 = arith.constant 3 : i32
    %dma_wait3A_181 = arith.constant 0 : i32
    %dma_wait3A_182 = tpu.memref_slice %arg6[%dma_wait3A_180, %dma_wait3A_181] : memref<4x128xf32, #tpu.memory_space<vmem>> -> memref<1x128xf32, #tpu.memory_space<vmem>>
    %dma_wait3A_183 = tpu.memref_squeeze %dma_wait3A_182 : memref<1x128xf32, #tpu.memory_space<vmem>> -> memref<128xf32, #tpu.memory_space<vmem>>
    %dma_wait3A_184 = arith.constant 0 : i32
    %dma_wait3A_185 = tpu.memref_slice %arg4[%add3A_127, %dma_wait3A_184] : memref<128x128xf32, #tpu.memory_space<hbm>> -> memref<1x128xf32, #tpu.memory_space<hbm>>
    %dma_wait3A_186 = tpu.memref_squeeze %dma_wait3A_185 : memref<1x128xf32, #tpu.memory_space<hbm>> -> memref<128xf32, #tpu.memory_space<hbm>>
    %dma_wait3A_187 = arith.constant 0 : i32
    %dma_wait3A_188 = tpu.memref_slice %arg4[%add3A_127, %dma_wait3A_187] : memref<128x128xf32, #tpu.memory_space<hbm>> -> memref<1x128xf32, #tpu.memory_space<hbm>>
    %dma_wait3A_189 = tpu.memref_squeeze %dma_wait3A_188 : memref<1x128xf32, #tpu.memory_space<hbm>> -> memref<128xf32, #tpu.memory_space<hbm>>
    %dma_wait3A_190 = arith.constant 0 : i32
    %dma_wait3A_191 = tpu.memref_slice %arg6[%dma_wait3A_180, %dma_wait3A_190] : memref<4x128xf32, #tpu.memory_space<vmem>> -> memref<1x128xf32, #tpu.memory_space<vmem>>
    %dma_wait3A_192 = tpu.memref_squeeze %dma_wait3A_191 : memref<1x128xf32, #tpu.memory_space<vmem>> -> memref<128xf32, #tpu.memory_space<vmem>>
    tpu.wait_dma2 semaphore(%arg8 : memref<!tpu.dma_semaphore, #tpu.memory_space<semaphore_mem>>) src(%dma_wait3A_192 : memref<128xf32, #tpu.memory_space<vmem>>) dst(%dma_wait3A_189 : memref<128xf32, #tpu.memory_space<hbm>>)
    return
  }
}

module attributes {stable_mosaic.version = 14 : i64} {
  func.func @_bcast_body(%arg0: memref<1x16384xf32, #tpu.memory_space<vmem>>, %arg1: memref<1024x16384xf32, #tpu.memory_space<any>>, %arg2: memref<4x16384xf32, #tpu.memory_space<vmem>>, %arg3: memref<!tpu.dma_semaphore, #tpu.memory_space<semaphore_mem>>) attributes {dimension_semantics = [], scalar_prefetch = 0 : i64, scratch_operands = 2 : i64, tpu.core_type = #tpu.core_type<tc>} {
    %get3A = arith.constant 0 : index
    %get3A_0 = arith.constant 0 : index
    %get3A_1 = vector.load %arg0[%get3A, %get3A_0] : memref<1x16384xf32, #tpu.memory_space<vmem>>, vector<1x16384xf32>
    %broadcast_in_dim3A = vector.shape_cast %get3A_1 : vector<1x16384xf32> to vector<1x16384xf32>
    %broadcast_in_dim3A_2 = vector.broadcast %broadcast_in_dim3A : vector<1x16384xf32> to vector<4x16384xf32>
    %swap3A = arith.constant 0 : index
    %swap3A_3 = arith.constant 0 : index
    %swap3A_4 = vector.load %arg2[%swap3A, %swap3A_3] : memref<4x16384xf32, #tpu.memory_space<vmem>>, vector<4x16384xf32>
    tpu.vector_store %arg2[%swap3A, %swap3A_3], %broadcast_in_dim3A_2 {strides = array<i32>} : memref<4x16384xf32, #tpu.memory_space<vmem>>, vector<4x16384xf32>,
    %dma_start3A = arith.constant 0 : i32
    %dma_start3A_5 = arith.constant 0 : i32
    %dma_start3A_6 = tpu.memref_slice %arg1[%dma_start3A, %dma_start3A_5] : memref<1024x16384xf32, #tpu.memory_space<any>> -> memref<4x16384xf32, #tpu.memory_space<any>>
    tpu.enqueue_dma source(%arg2 : memref<4x16384xf32, #tpu.memory_space<vmem>>) target(%dma_start3A_6 : memref<4x16384xf32, #tpu.memory_space<any>>) target_semaphore(%arg3 : memref<!tpu.dma_semaphore, #tpu.memory_space<semaphore_mem>>)
    %dma_start3A_7 = arith.constant 4 : i32
    %dma_start3A_8 = arith.constant 0 : i32
    %dma_start3A_9 = tpu.memref_slice %arg1[%dma_start3A_7, %dma_start3A_8] : memref<1024x16384xf32, #tpu.memory_space<any>> -> memref<4x16384xf32, #tpu.memory_space<any>>
    tpu.enqueue_dma source(%arg2 : memref<4x16384xf32, #tpu.memory_space<vmem>>) target(%dma_start3A_9 : memref<4x16384xf32, #tpu.memory_space<any>>) target_semaphore(%arg3 : memref<!tpu.dma_semaphore, #tpu.memory_space<semaphore_mem>>)
    %dma_start3A_10 = arith.constant 8 : i32
    %dma_start3A_11 = arith.constant 0 : i32
    %dma_start3A_12 = tpu.memref_slice %arg1[%dma_start3A_10, %dma_start3A_11] : memref<1024x16384xf32, #tpu.memory_space<any>> -> memref<4x16384xf32, #tpu.memory_space<any>>
    tpu.enqueue_dma source(%arg2 : memref<4x16384xf32, #tpu.memory_space<vmem>>) target(%dma_start3A_12 : memref<4x16384xf32, #tpu.memory_space<any>>) target_semaphore(%arg3 : memref<!tpu.dma_semaphore, #tpu.memory_space<semaphore_mem>>)
    %dma_start3A_13 = arith.constant 12 : i32
    %dma_start3A_14 = arith.constant 0 : i32
    %dma_start3A_15 = tpu.memref_slice %arg1[%dma_start3A_13, %dma_start3A_14] : memref<1024x16384xf32, #tpu.memory_space<any>> -> memref<4x16384xf32, #tpu.memory_space<any>>
    tpu.enqueue_dma source(%arg2 : memref<4x16384xf32, #tpu.memory_space<vmem>>) target(%dma_start3A_15 : memref<4x16384xf32, #tpu.memory_space<any>>) target_semaphore(%arg3 : memref<!tpu.dma_semaphore, #tpu.memory_space<semaphore_mem>>)
    %dma_start3A_16 = arith.constant 16 : i32
    %dma_start3A_17 = arith.constant 0 : i32
    %dma_start3A_18 = tpu.memref_slice %arg1[%dma_start3A_16, %dma_start3A_17] : memref<1024x16384xf32, #tpu.memory_space<any>> -> memref<4x16384xf32, #tpu.memory_space<any>>
    tpu.enqueue_dma source(%arg2 : memref<4x16384xf32, #tpu.memory_space<vmem>>) target(%dma_start3A_18 : memref<4x16384xf32, #tpu.memory_space<any>>) target_semaphore(%arg3 : memref<!tpu.dma_semaphore, #tpu.memory_space<semaphore_mem>>)
    %dma_start3A_19 = arith.constant 20 : i32
    %dma_start3A_20 = arith.constant 0 : i32
    %dma_start3A_21 = tpu.memref_slice %arg1[%dma_start3A_19, %dma_start3A_20] : memref<1024x16384xf32, #tpu.memory_space<any>> -> memref<4x16384xf32, #tpu.memory_space<any>>
    tpu.enqueue_dma source(%arg2 : memref<4x16384xf32, #tpu.memory_space<vmem>>) target(%dma_start3A_21 : memref<4x16384xf32, #tpu.memory_space<any>>) target_semaphore(%arg3 : memref<!tpu.dma_semaphore, #tpu.memory_space<semaphore_mem>>)
    %dma_start3A_22 = arith.constant 24 : i32
    %dma_start3A_23 = arith.constant 0 : i32
    %dma_start3A_24 = tpu.memref_slice %arg1[%dma_start3A_22, %dma_start3A_23] : memref<1024x16384xf32, #tpu.memory_space<any>> -> memref<4x16384xf32, #tpu.memory_space<any>>
    tpu.enqueue_dma source(%arg2 : memref<4x16384xf32, #tpu.memory_space<vmem>>) target(%dma_start3A_24 : memref<4x16384xf32, #tpu.memory_space<any>>) target_semaphore(%arg3 : memref<!tpu.dma_semaphore, #tpu.memory_space<semaphore_mem>>)
    %dma_start3A_25 = arith.constant 28 : i32
    %dma_start3A_26 = arith.constant 0 : i32
    %dma_start3A_27 = tpu.memref_slice %arg1[%dma_start3A_25, %dma_start3A_26] : memref<1024x16384xf32, #tpu.memory_space<any>> -> memref<4x16384xf32, #tpu.memory_space<any>>
    tpu.enqueue_dma source(%arg2 : memref<4x16384xf32, #tpu.memory_space<vmem>>) target(%dma_start3A_27 : memref<4x16384xf32, #tpu.memory_space<any>>) target_semaphore(%arg3 : memref<!tpu.dma_semaphore, #tpu.memory_space<semaphore_mem>>)
    %dma_start3A_28 = arith.constant 32 : i32
    %dma_start3A_29 = arith.constant 0 : i32
    %dma_start3A_30 = tpu.memref_slice %arg1[%dma_start3A_28, %dma_start3A_29] : memref<1024x16384xf32, #tpu.memory_space<any>> -> memref<4x16384xf32, #tpu.memory_space<any>>
    tpu.enqueue_dma source(%arg2 : memref<4x16384xf32, #tpu.memory_space<vmem>>) target(%dma_start3A_30 : memref<4x16384xf32, #tpu.memory_space<any>>) target_semaphore(%arg3 : memref<!tpu.dma_semaphore, #tpu.memory_space<semaphore_mem>>)
    %dma_start3A_31 = arith.constant 36 : i32
    %dma_start3A_32 = arith.constant 0 : i32
    %dma_start3A_33 = tpu.memref_slice %arg1[%dma_start3A_31, %dma_start3A_32] : memref<1024x16384xf32, #tpu.memory_space<any>> -> memref<4x16384xf32, #tpu.memory_space<any>>
    tpu.enqueue_dma source(%arg2 : memref<4x16384xf32, #tpu.memory_space<vmem>>) target(%dma_start3A_33 : memref<4x16384xf32, #tpu.memory_space<any>>) target_semaphore(%arg3 : memref<!tpu.dma_semaphore, #tpu.memory_space<semaphore_mem>>)
    %dma_start3A_34 = arith.constant 40 : i32
    %dma_start3A_35 = arith.constant 0 : i32
    %dma_start3A_36 = tpu.memref_slice %arg1[%dma_start3A_34, %dma_start3A_35] : memref<1024x16384xf32, #tpu.memory_space<any>> -> memref<4x16384xf32, #tpu.memory_space<any>>
    tpu.enqueue_dma source(%arg2 : memref<4x16384xf32, #tpu.memory_space<vmem>>) target(%dma_start3A_36 : memref<4x16384xf32, #tpu.memory_space<any>>) target_semaphore(%arg3 : memref<!tpu.dma_semaphore, #tpu.memory_space<semaphore_mem>>)
    %dma_start3A_37 = arith.constant 44 : i32
    %dma_start3A_38 = arith.constant 0 : i32
    %dma_start3A_39 = tpu.memref_slice %arg1[%dma_start3A_37, %dma_start3A_38] : memref<1024x16384xf32, #tpu.memory_space<any>> -> memref<4x16384xf32, #tpu.memory_space<any>>
    tpu.enqueue_dma source(%arg2 : memref<4x16384xf32, #tpu.memory_space<vmem>>) target(%dma_start3A_39 : memref<4x16384xf32, #tpu.memory_space<any>>) target_semaphore(%arg3 : memref<!tpu.dma_semaphore, #tpu.memory_space<semaphore_mem>>)
    %dma_start3A_40 = arith.constant 48 : i32
    %dma_start3A_41 = arith.constant 0 : i32
    %dma_start3A_42 = tpu.memref_slice %arg1[%dma_start3A_40, %dma_start3A_41] : memref<1024x16384xf32, #tpu.memory_space<any>> -> memref<4x16384xf32, #tpu.memory_space<any>>
    tpu.enqueue_dma source(%arg2 : memref<4x16384xf32, #tpu.memory_space<vmem>>) target(%dma_start3A_42 : memref<4x16384xf32, #tpu.memory_space<any>>) target_semaphore(%arg3 : memref<!tpu.dma_semaphore, #tpu.memory_space<semaphore_mem>>)
    %dma_start3A_43 = arith.constant 52 : i32
    %dma_start3A_44 = arith.constant 0 : i32
    %dma_start3A_45 = tpu.memref_slice %arg1[%dma_start3A_43, %dma_start3A_44] : memref<1024x16384xf32, #tpu.memory_space<any>> -> memref<4x16384xf32, #tpu.memory_space<any>>
    tpu.enqueue_dma source(%arg2 : memref<4x16384xf32, #tpu.memory_space<vmem>>) target(%dma_start3A_45 : memref<4x16384xf32, #tpu.memory_space<any>>) target_semaphore(%arg3 : memref<!tpu.dma_semaphore, #tpu.memory_space<semaphore_mem>>)
    %dma_start3A_46 = arith.constant 56 : i32
    %dma_start3A_47 = arith.constant 0 : i32
    %dma_start3A_48 = tpu.memref_slice %arg1[%dma_start3A_46, %dma_start3A_47] : memref<1024x16384xf32, #tpu.memory_space<any>> -> memref<4x16384xf32, #tpu.memory_space<any>>
    tpu.enqueue_dma source(%arg2 : memref<4x16384xf32, #tpu.memory_space<vmem>>) target(%dma_start3A_48 : memref<4x16384xf32, #tpu.memory_space<any>>) target_semaphore(%arg3 : memref<!tpu.dma_semaphore, #tpu.memory_space<semaphore_mem>>)
    %dma_start3A_49 = arith.constant 60 : i32
    %dma_start3A_50 = arith.constant 0 : i32
    %dma_start3A_51 = tpu.memref_slice %arg1[%dma_start3A_49, %dma_start3A_50] : memref<1024x16384xf32, #tpu.memory_space<any>> -> memref<4x16384xf32, #tpu.memory_space<any>>
    tpu.enqueue_dma source(%arg2 : memref<4x16384xf32, #tpu.memory_space<vmem>>) target(%dma_start3A_51 : memref<4x16384xf32, #tpu.memory_space<any>>) target_semaphore(%arg3 : memref<!tpu.dma_semaphore, #tpu.memory_space<semaphore_mem>>)
    %dma_start3A_52 = arith.constant 64 : i32
    %dma_start3A_53 = arith.constant 0 : i32
    %dma_start3A_54 = tpu.memref_slice %arg1[%dma_start3A_52, %dma_start3A_53] : memref<1024x16384xf32, #tpu.memory_space<any>> -> memref<4x16384xf32, #tpu.memory_space<any>>
    tpu.enqueue_dma source(%arg2 : memref<4x16384xf32, #tpu.memory_space<vmem>>) target(%dma_start3A_54 : memref<4x16384xf32, #tpu.memory_space<any>>) target_semaphore(%arg3 : memref<!tpu.dma_semaphore, #tpu.memory_space<semaphore_mem>>)
    %dma_start3A_55 = arith.constant 68 : i32
    %dma_start3A_56 = arith.constant 0 : i32
    %dma_start3A_57 = tpu.memref_slice %arg1[%dma_start3A_55, %dma_start3A_56] : memref<1024x16384xf32, #tpu.memory_space<any>> -> memref<4x16384xf32, #tpu.memory_space<any>>
    tpu.enqueue_dma source(%arg2 : memref<4x16384xf32, #tpu.memory_space<vmem>>) target(%dma_start3A_57 : memref<4x16384xf32, #tpu.memory_space<any>>) target_semaphore(%arg3 : memref<!tpu.dma_semaphore, #tpu.memory_space<semaphore_mem>>)
    %dma_start3A_58 = arith.constant 72 : i32
    %dma_start3A_59 = arith.constant 0 : i32
    %dma_start3A_60 = tpu.memref_slice %arg1[%dma_start3A_58, %dma_start3A_59] : memref<1024x16384xf32, #tpu.memory_space<any>> -> memref<4x16384xf32, #tpu.memory_space<any>>
    tpu.enqueue_dma source(%arg2 : memref<4x16384xf32, #tpu.memory_space<vmem>>) target(%dma_start3A_60 : memref<4x16384xf32, #tpu.memory_space<any>>) target_semaphore(%arg3 : memref<!tpu.dma_semaphore, #tpu.memory_space<semaphore_mem>>)
    %dma_start3A_61 = arith.constant 76 : i32
    %dma_start3A_62 = arith.constant 0 : i32
    %dma_start3A_63 = tpu.memref_slice %arg1[%dma_start3A_61, %dma_start3A_62] : memref<1024x16384xf32, #tpu.memory_space<any>> -> memref<4x16384xf32, #tpu.memory_space<any>>
    tpu.enqueue_dma source(%arg2 : memref<4x16384xf32, #tpu.memory_space<vmem>>) target(%dma_start3A_63 : memref<4x16384xf32, #tpu.memory_space<any>>) target_semaphore(%arg3 : memref<!tpu.dma_semaphore, #tpu.memory_space<semaphore_mem>>)
    %dma_start3A_64 = arith.constant 80 : i32
    %dma_start3A_65 = arith.constant 0 : i32
    %dma_start3A_66 = tpu.memref_slice %arg1[%dma_start3A_64, %dma_start3A_65] : memref<1024x16384xf32, #tpu.memory_space<any>> -> memref<4x16384xf32, #tpu.memory_space<any>>
    tpu.enqueue_dma source(%arg2 : memref<4x16384xf32, #tpu.memory_space<vmem>>) target(%dma_start3A_66 : memref<4x16384xf32, #tpu.memory_space<any>>) target_semaphore(%arg3 : memref<!tpu.dma_semaphore, #tpu.memory_space<semaphore_mem>>)
    %dma_start3A_67 = arith.constant 84 : i32
    %dma_start3A_68 = arith.constant 0 : i32
    %dma_start3A_69 = tpu.memref_slice %arg1[%dma_start3A_67, %dma_start3A_68] : memref<1024x16384xf32, #tpu.memory_space<any>> -> memref<4x16384xf32, #tpu.memory_space<any>>
    tpu.enqueue_dma source(%arg2 : memref<4x16384xf32, #tpu.memory_space<vmem>>) target(%dma_start3A_69 : memref<4x16384xf32, #tpu.memory_space<any>>) target_semaphore(%arg3 : memref<!tpu.dma_semaphore, #tpu.memory_space<semaphore_mem>>)
    %dma_start3A_70 = arith.constant 88 : i32
    %dma_start3A_71 = arith.constant 0 : i32
    %dma_start3A_72 = tpu.memref_slice %arg1[%dma_start3A_70, %dma_start3A_71] : memref<1024x16384xf32, #tpu.memory_space<any>> -> memref<4x16384xf32, #tpu.memory_space<any>>
    tpu.enqueue_dma source(%arg2 : memref<4x16384xf32, #tpu.memory_space<vmem>>) target(%dma_start3A_72 : memref<4x16384xf32, #tpu.memory_space<any>>) target_semaphore(%arg3 : memref<!tpu.dma_semaphore, #tpu.memory_space<semaphore_mem>>)
    %dma_start3A_73 = arith.constant 92 : i32
    %dma_start3A_74 = arith.constant 0 : i32
    %dma_start3A_75 = tpu.memref_slice %arg1[%dma_start3A_73, %dma_start3A_74] : memref<1024x16384xf32, #tpu.memory_space<any>> -> memref<4x16384xf32, #tpu.memory_space<any>>
    tpu.enqueue_dma source(%arg2 : memref<4x16384xf32, #tpu.memory_space<vmem>>) target(%dma_start3A_75 : memref<4x16384xf32, #tpu.memory_space<any>>) target_semaphore(%arg3 : memref<!tpu.dma_semaphore, #tpu.memory_space<semaphore_mem>>)
    %dma_start3A_76 = arith.constant 96 : i32
    %dma_start3A_77 = arith.constant 0 : i32
    %dma_start3A_78 = tpu.memref_slice %arg1[%dma_start3A_76, %dma_start3A_77] : memref<1024x16384xf32, #tpu.memory_space<any>> -> memref<4x16384xf32, #tpu.memory_space<any>>
    tpu.enqueue_dma source(%arg2 : memref<4x16384xf32, #tpu.memory_space<vmem>>) target(%dma_start3A_78 : memref<4x16384xf32, #tpu.memory_space<any>>) target_semaphore(%arg3 : memref<!tpu.dma_semaphore, #tpu.memory_space<semaphore_mem>>)
    %dma_start3A_79 = arith.constant 100 : i32
    %dma_start3A_80 = arith.constant 0 : i32
    %dma_start3A_81 = tpu.memref_slice %arg1[%dma_start3A_79, %dma_start3A_80] : memref<1024x16384xf32, #tpu.memory_space<any>> -> memref<4x16384xf32, #tpu.memory_space<any>>
    tpu.enqueue_dma source(%arg2 : memref<4x16384xf32, #tpu.memory_space<vmem>>) target(%dma_start3A_81 : memref<4x16384xf32, #tpu.memory_space<any>>) target_semaphore(%arg3 : memref<!tpu.dma_semaphore, #tpu.memory_space<semaphore_mem>>)
    %dma_start3A_82 = arith.constant 104 : i32
    %dma_start3A_83 = arith.constant 0 : i32
    %dma_start3A_84 = tpu.memref_slice %arg1[%dma_start3A_82, %dma_start3A_83] : memref<1024x16384xf32, #tpu.memory_space<any>> -> memref<4x16384xf32, #tpu.memory_space<any>>
    tpu.enqueue_dma source(%arg2 : memref<4x16384xf32, #tpu.memory_space<vmem>>) target(%dma_start3A_84 : memref<4x16384xf32, #tpu.memory_space<any>>) target_semaphore(%arg3 : memref<!tpu.dma_semaphore, #tpu.memory_space<semaphore_mem>>)
    %dma_start3A_85 = arith.constant 108 : i32
    %dma_start3A_86 = arith.constant 0 : i32
    %dma_start3A_87 = tpu.memref_slice %arg1[%dma_start3A_85, %dma_start3A_86] : memref<1024x16384xf32, #tpu.memory_space<any>> -> memref<4x16384xf32, #tpu.memory_space<any>>
    tpu.enqueue_dma source(%arg2 : memref<4x16384xf32, #tpu.memory_space<vmem>>) target(%dma_start3A_87 : memref<4x16384xf32, #tpu.memory_space<any>>) target_semaphore(%arg3 : memref<!tpu.dma_semaphore, #tpu.memory_space<semaphore_mem>>)
    %dma_start3A_88 = arith.constant 112 : i32
    %dma_start3A_89 = arith.constant 0 : i32
    %dma_start3A_90 = tpu.memref_slice %arg1[%dma_start3A_88, %dma_start3A_89] : memref<1024x16384xf32, #tpu.memory_space<any>> -> memref<4x16384xf32, #tpu.memory_space<any>>
    tpu.enqueue_dma source(%arg2 : memref<4x16384xf32, #tpu.memory_space<vmem>>) target(%dma_start3A_90 : memref<4x16384xf32, #tpu.memory_space<any>>) target_semaphore(%arg3 : memref<!tpu.dma_semaphore, #tpu.memory_space<semaphore_mem>>)
    %dma_start3A_91 = arith.constant 116 : i32
    %dma_start3A_92 = arith.constant 0 : i32
    %dma_start3A_93 = tpu.memref_slice %arg1[%dma_start3A_91, %dma_start3A_92] : memref<1024x16384xf32, #tpu.memory_space<any>> -> memref<4x16384xf32, #tpu.memory_space<any>>
    tpu.enqueue_dma source(%arg2 : memref<4x16384xf32, #tpu.memory_space<vmem>>) target(%dma_start3A_93 : memref<4x16384xf32, #tpu.memory_space<any>>) target_semaphore(%arg3 : memref<!tpu.dma_semaphore, #tpu.memory_space<semaphore_mem>>)
    %dma_start3A_94 = arith.constant 120 : i32
    %dma_start3A_95 = arith.constant 0 : i32
    %dma_start3A_96 = tpu.memref_slice %arg1[%dma_start3A_94, %dma_start3A_95] : memref<1024x16384xf32, #tpu.memory_space<any>> -> memref<4x16384xf32, #tpu.memory_space<any>>
    tpu.enqueue_dma source(%arg2 : memref<4x16384xf32, #tpu.memory_space<vmem>>) target(%dma_start3A_96 : memref<4x16384xf32, #tpu.memory_space<any>>) target_semaphore(%arg3 : memref<!tpu.dma_semaphore, #tpu.memory_space<semaphore_mem>>)
    %dma_start3A_97 = arith.constant 124 : i32
    %dma_start3A_98 = arith.constant 0 : i32
    %dma_start3A_99 = tpu.memref_slice %arg1[%dma_start3A_97, %dma_start3A_98] : memref<1024x16384xf32, #tpu.memory_space<any>> -> memref<4x16384xf32, #tpu.memory_space<any>>
    tpu.enqueue_dma source(%arg2 : memref<4x16384xf32, #tpu.memory_space<vmem>>) target(%dma_start3A_99 : memref<4x16384xf32, #tpu.memory_space<any>>) target_semaphore(%arg3 : memref<!tpu.dma_semaphore, #tpu.memory_space<semaphore_mem>>)
    %dma_start3A_100 = arith.constant 128 : i32
    %dma_start3A_101 = arith.constant 0 : i32
    %dma_start3A_102 = tpu.memref_slice %arg1[%dma_start3A_100, %dma_start3A_101] : memref<1024x16384xf32, #tpu.memory_space<any>> -> memref<4x16384xf32, #tpu.memory_space<any>>
    tpu.enqueue_dma source(%arg2 : memref<4x16384xf32, #tpu.memory_space<vmem>>) target(%dma_start3A_102 : memref<4x16384xf32, #tpu.memory_space<any>>) target_semaphore(%arg3 : memref<!tpu.dma_semaphore, #tpu.memory_space<semaphore_mem>>)
    %dma_start3A_103 = arith.constant 132 : i32
    %dma_start3A_104 = arith.constant 0 : i32
    %dma_start3A_105 = tpu.memref_slice %arg1[%dma_start3A_103, %dma_start3A_104] : memref<1024x16384xf32, #tpu.memory_space<any>> -> memref<4x16384xf32, #tpu.memory_space<any>>
    tpu.enqueue_dma source(%arg2 : memref<4x16384xf32, #tpu.memory_space<vmem>>) target(%dma_start3A_105 : memref<4x16384xf32, #tpu.memory_space<any>>) target_semaphore(%arg3 : memref<!tpu.dma_semaphore, #tpu.memory_space<semaphore_mem>>)
    %dma_start3A_106 = arith.constant 136 : i32
    %dma_start3A_107 = arith.constant 0 : i32
    %dma_start3A_108 = tpu.memref_slice %arg1[%dma_start3A_106, %dma_start3A_107] : memref<1024x16384xf32, #tpu.memory_space<any>> -> memref<4x16384xf32, #tpu.memory_space<any>>
    tpu.enqueue_dma source(%arg2 : memref<4x16384xf32, #tpu.memory_space<vmem>>) target(%dma_start3A_108 : memref<4x16384xf32, #tpu.memory_space<any>>) target_semaphore(%arg3 : memref<!tpu.dma_semaphore, #tpu.memory_space<semaphore_mem>>)
    %dma_start3A_109 = arith.constant 140 : i32
    %dma_start3A_110 = arith.constant 0 : i32
    %dma_start3A_111 = tpu.memref_slice %arg1[%dma_start3A_109, %dma_start3A_110] : memref<1024x16384xf32, #tpu.memory_space<any>> -> memref<4x16384xf32, #tpu.memory_space<any>>
    tpu.enqueue_dma source(%arg2 : memref<4x16384xf32, #tpu.memory_space<vmem>>) target(%dma_start3A_111 : memref<4x16384xf32, #tpu.memory_space<any>>) target_semaphore(%arg3 : memref<!tpu.dma_semaphore, #tpu.memory_space<semaphore_mem>>)
    %dma_start3A_112 = arith.constant 144 : i32
    %dma_start3A_113 = arith.constant 0 : i32
    %dma_start3A_114 = tpu.memref_slice %arg1[%dma_start3A_112, %dma_start3A_113] : memref<1024x16384xf32, #tpu.memory_space<any>> -> memref<4x16384xf32, #tpu.memory_space<any>>
    tpu.enqueue_dma source(%arg2 : memref<4x16384xf32, #tpu.memory_space<vmem>>) target(%dma_start3A_114 : memref<4x16384xf32, #tpu.memory_space<any>>) target_semaphore(%arg3 : memref<!tpu.dma_semaphore, #tpu.memory_space<semaphore_mem>>)
    %dma_start3A_115 = arith.constant 148 : i32
    %dma_start3A_116 = arith.constant 0 : i32
    %dma_start3A_117 = tpu.memref_slice %arg1[%dma_start3A_115, %dma_start3A_116] : memref<1024x16384xf32, #tpu.memory_space<any>> -> memref<4x16384xf32, #tpu.memory_space<any>>
    tpu.enqueue_dma source(%arg2 : memref<4x16384xf32, #tpu.memory_space<vmem>>) target(%dma_start3A_117 : memref<4x16384xf32, #tpu.memory_space<any>>) target_semaphore(%arg3 : memref<!tpu.dma_semaphore, #tpu.memory_space<semaphore_mem>>)
    %dma_start3A_118 = arith.constant 152 : i32
    %dma_start3A_119 = arith.constant 0 : i32
    %dma_start3A_120 = tpu.memref_slice %arg1[%dma_start3A_118, %dma_start3A_119] : memref<1024x16384xf32, #tpu.memory_space<any>> -> memref<4x16384xf32, #tpu.memory_space<any>>
    tpu.enqueue_dma source(%arg2 : memref<4x16384xf32, #tpu.memory_space<vmem>>) target(%dma_start3A_120 : memref<4x16384xf32, #tpu.memory_space<any>>) target_semaphore(%arg3 : memref<!tpu.dma_semaphore, #tpu.memory_space<semaphore_mem>>)
    %dma_start3A_121 = arith.constant 156 : i32
    %dma_start3A_122 = arith.constant 0 : i32
    %dma_start3A_123 = tpu.memref_slice %arg1[%dma_start3A_121, %dma_start3A_122] : memref<1024x16384xf32, #tpu.memory_space<any>> -> memref<4x16384xf32, #tpu.memory_space<any>>
    tpu.enqueue_dma source(%arg2 : memref<4x16384xf32, #tpu.memory_space<vmem>>) target(%dma_start3A_123 : memref<4x16384xf32, #tpu.memory_space<any>>) target_semaphore(%arg3 : memref<!tpu.dma_semaphore, #tpu.memory_space<semaphore_mem>>)
    %dma_start3A_124 = arith.constant 160 : i32
    %dma_start3A_125 = arith.constant 0 : i32
    %dma_start3A_126 = tpu.memref_slice %arg1[%dma_start3A_124, %dma_start3A_125] : memref<1024x16384xf32, #tpu.memory_space<any>> -> memref<4x16384xf32, #tpu.memory_space<any>>
    tpu.enqueue_dma source(%arg2 : memref<4x16384xf32, #tpu.memory_space<vmem>>) target(%dma_start3A_126 : memref<4x16384xf32, #tpu.memory_space<any>>) target_semaphore(%arg3 : memref<!tpu.dma_semaphore, #tpu.memory_space<semaphore_mem>>)
    %dma_start3A_127 = arith.constant 164 : i32
    %dma_start3A_128 = arith.constant 0 : i32
    %dma_start3A_129 = tpu.memref_slice %arg1[%dma_start3A_127, %dma_start3A_128] : memref<1024x16384xf32, #tpu.memory_space<any>> -> memref<4x16384xf32, #tpu.memory_space<any>>
    tpu.enqueue_dma source(%arg2 : memref<4x16384xf32, #tpu.memory_space<vmem>>) target(%dma_start3A_129 : memref<4x16384xf32, #tpu.memory_space<any>>) target_semaphore(%arg3 : memref<!tpu.dma_semaphore, #tpu.memory_space<semaphore_mem>>)
    %dma_start3A_130 = arith.constant 168 : i32
    %dma_start3A_131 = arith.constant 0 : i32
    %dma_start3A_132 = tpu.memref_slice %arg1[%dma_start3A_130, %dma_start3A_131] : memref<1024x16384xf32, #tpu.memory_space<any>> -> memref<4x16384xf32, #tpu.memory_space<any>>
    tpu.enqueue_dma source(%arg2 : memref<4x16384xf32, #tpu.memory_space<vmem>>) target(%dma_start3A_132 : memref<4x16384xf32, #tpu.memory_space<any>>) target_semaphore(%arg3 : memref<!tpu.dma_semaphore, #tpu.memory_space<semaphore_mem>>)
    %dma_start3A_133 = arith.constant 172 : i32
    %dma_start3A_134 = arith.constant 0 : i32
    %dma_start3A_135 = tpu.memref_slice %arg1[%dma_start3A_133, %dma_start3A_134] : memref<1024x16384xf32, #tpu.memory_space<any>> -> memref<4x16384xf32, #tpu.memory_space<any>>
    tpu.enqueue_dma source(%arg2 : memref<4x16384xf32, #tpu.memory_space<vmem>>) target(%dma_start3A_135 : memref<4x16384xf32, #tpu.memory_space<any>>) target_semaphore(%arg3 : memref<!tpu.dma_semaphore, #tpu.memory_space<semaphore_mem>>)
    %dma_start3A_136 = arith.constant 176 : i32
    %dma_start3A_137 = arith.constant 0 : i32
    %dma_start3A_138 = tpu.memref_slice %arg1[%dma_start3A_136, %dma_start3A_137] : memref<1024x16384xf32, #tpu.memory_space<any>> -> memref<4x16384xf32, #tpu.memory_space<any>>
    tpu.enqueue_dma source(%arg2 : memref<4x16384xf32, #tpu.memory_space<vmem>>) target(%dma_start3A_138 : memref<4x16384xf32, #tpu.memory_space<any>>) target_semaphore(%arg3 : memref<!tpu.dma_semaphore, #tpu.memory_space<semaphore_mem>>)
    %dma_start3A_139 = arith.constant 180 : i32
    %dma_start3A_140 = arith.constant 0 : i32
    %dma_start3A_141 = tpu.memref_slice %arg1[%dma_start3A_139, %dma_start3A_140] : memref<1024x16384xf32, #tpu.memory_space<any>> -> memref<4x16384xf32, #tpu.memory_space<any>>
    tpu.enqueue_dma source(%arg2 : memref<4x16384xf32, #tpu.memory_space<vmem>>) target(%dma_start3A_141 : memref<4x16384xf32, #tpu.memory_space<any>>) target_semaphore(%arg3 : memref<!tpu.dma_semaphore, #tpu.memory_space<semaphore_mem>>)
    %dma_start3A_142 = arith.constant 184 : i32
    %dma_start3A_143 = arith.constant 0 : i32
    %dma_start3A_144 = tpu.memref_slice %arg1[%dma_start3A_142, %dma_start3A_143] : memref<1024x16384xf32, #tpu.memory_space<any>> -> memref<4x16384xf32, #tpu.memory_space<any>>
    tpu.enqueue_dma source(%arg2 : memref<4x16384xf32, #tpu.memory_space<vmem>>) target(%dma_start3A_144 : memref<4x16384xf32, #tpu.memory_space<any>>) target_semaphore(%arg3 : memref<!tpu.dma_semaphore, #tpu.memory_space<semaphore_mem>>)
    %dma_start3A_145 = arith.constant 188 : i32
    %dma_start3A_146 = arith.constant 0 : i32
    %dma_start3A_147 = tpu.memref_slice %arg1[%dma_start3A_145, %dma_start3A_146] : memref<1024x16384xf32, #tpu.memory_space<any>> -> memref<4x16384xf32, #tpu.memory_space<any>>
    tpu.enqueue_dma source(%arg2 : memref<4x16384xf32, #tpu.memory_space<vmem>>) target(%dma_start3A_147 : memref<4x16384xf32, #tpu.memory_space<any>>) target_semaphore(%arg3 : memref<!tpu.dma_semaphore, #tpu.memory_space<semaphore_mem>>)
    %dma_start3A_148 = arith.constant 192 : i32
    %dma_start3A_149 = arith.constant 0 : i32
    %dma_start3A_150 = tpu.memref_slice %arg1[%dma_start3A_148, %dma_start3A_149] : memref<1024x16384xf32, #tpu.memory_space<any>> -> memref<4x16384xf32, #tpu.memory_space<any>>
    tpu.enqueue_dma source(%arg2 : memref<4x16384xf32, #tpu.memory_space<vmem>>) target(%dma_start3A_150 : memref<4x16384xf32, #tpu.memory_space<any>>) target_semaphore(%arg3 : memref<!tpu.dma_semaphore, #tpu.memory_space<semaphore_mem>>)
    %dma_start3A_151 = arith.constant 196 : i32
    %dma_start3A_152 = arith.constant 0 : i32
    %dma_start3A_153 = tpu.memref_slice %arg1[%dma_start3A_151, %dma_start3A_152] : memref<1024x16384xf32, #tpu.memory_space<any>> -> memref<4x16384xf32, #tpu.memory_space<any>>
    tpu.enqueue_dma source(%arg2 : memref<4x16384xf32, #tpu.memory_space<vmem>>) target(%dma_start3A_153 : memref<4x16384xf32, #tpu.memory_space<any>>) target_semaphore(%arg3 : memref<!tpu.dma_semaphore, #tpu.memory_space<semaphore_mem>>)
    %dma_start3A_154 = arith.constant 200 : i32
    %dma_start3A_155 = arith.constant 0 : i32
    %dma_start3A_156 = tpu.memref_slice %arg1[%dma_start3A_154, %dma_start3A_155] : memref<1024x16384xf32, #tpu.memory_space<any>> -> memref<4x16384xf32, #tpu.memory_space<any>>
    tpu.enqueue_dma source(%arg2 : memref<4x16384xf32, #tpu.memory_space<vmem>>) target(%dma_start3A_156 : memref<4x16384xf32, #tpu.memory_space<any>>) target_semaphore(%arg3 : memref<!tpu.dma_semaphore, #tpu.memory_space<semaphore_mem>>)
    %dma_start3A_157 = arith.constant 204 : i32
    %dma_start3A_158 = arith.constant 0 : i32
    %dma_start3A_159 = tpu.memref_slice %arg1[%dma_start3A_157, %dma_start3A_158] : memref<1024x16384xf32, #tpu.memory_space<any>> -> memref<4x16384xf32, #tpu.memory_space<any>>
    tpu.enqueue_dma source(%arg2 : memref<4x16384xf32, #tpu.memory_space<vmem>>) target(%dma_start3A_159 : memref<4x16384xf32, #tpu.memory_space<any>>) target_semaphore(%arg3 : memref<!tpu.dma_semaphore, #tpu.memory_space<semaphore_mem>>)
    %dma_start3A_160 = arith.constant 208 : i32
    %dma_start3A_161 = arith.constant 0 : i32
    %dma_start3A_162 = tpu.memref_slice %arg1[%dma_start3A_160, %dma_start3A_161] : memref<1024x16384xf32, #tpu.memory_space<any>> -> memref<4x16384xf32, #tpu.memory_space<any>>
    tpu.enqueue_dma source(%arg2 : memref<4x16384xf32, #tpu.memory_space<vmem>>) target(%dma_start3A_162 : memref<4x16384xf32, #tpu.memory_space<any>>) target_semaphore(%arg3 : memref<!tpu.dma_semaphore, #tpu.memory_space<semaphore_mem>>)
    %dma_start3A_163 = arith.constant 212 : i32
    %dma_start3A_164 = arith.constant 0 : i32
    %dma_start3A_165 = tpu.memref_slice %arg1[%dma_start3A_163, %dma_start3A_164] : memref<1024x16384xf32, #tpu.memory_space<any>> -> memref<4x16384xf32, #tpu.memory_space<any>>
    tpu.enqueue_dma source(%arg2 : memref<4x16384xf32, #tpu.memory_space<vmem>>) target(%dma_start3A_165 : memref<4x16384xf32, #tpu.memory_space<any>>) target_semaphore(%arg3 : memref<!tpu.dma_semaphore, #tpu.memory_space<semaphore_mem>>)
    %dma_start3A_166 = arith.constant 216 : i32
    %dma_start3A_167 = arith.constant 0 : i32
    %dma_start3A_168 = tpu.memref_slice %arg1[%dma_start3A_166, %dma_start3A_167] : memref<1024x16384xf32, #tpu.memory_space<any>> -> memref<4x16384xf32, #tpu.memory_space<any>>
    tpu.enqueue_dma source(%arg2 : memref<4x16384xf32, #tpu.memory_space<vmem>>) target(%dma_start3A_168 : memref<4x16384xf32, #tpu.memory_space<any>>) target_semaphore(%arg3 : memref<!tpu.dma_semaphore, #tpu.memory_space<semaphore_mem>>)
    %dma_start3A_169 = arith.constant 220 : i32
    %dma_start3A_170 = arith.constant 0 : i32
    %dma_start3A_171 = tpu.memref_slice %arg1[%dma_start3A_169, %dma_start3A_170] : memref<1024x16384xf32, #tpu.memory_space<any>> -> memref<4x16384xf32, #tpu.memory_space<any>>
    tpu.enqueue_dma source(%arg2 : memref<4x16384xf32, #tpu.memory_space<vmem>>) target(%dma_start3A_171 : memref<4x16384xf32, #tpu.memory_space<any>>) target_semaphore(%arg3 : memref<!tpu.dma_semaphore, #tpu.memory_space<semaphore_mem>>)
    %dma_start3A_172 = arith.constant 224 : i32
    %dma_start3A_173 = arith.constant 0 : i32
    %dma_start3A_174 = tpu.memref_slice %arg1[%dma_start3A_172, %dma_start3A_173] : memref<1024x16384xf32, #tpu.memory_space<any>> -> memref<4x16384xf32, #tpu.memory_space<any>>
    tpu.enqueue_dma source(%arg2 : memref<4x16384xf32, #tpu.memory_space<vmem>>) target(%dma_start3A_174 : memref<4x16384xf32, #tpu.memory_space<any>>) target_semaphore(%arg3 : memref<!tpu.dma_semaphore, #tpu.memory_space<semaphore_mem>>)
    %dma_start3A_175 = arith.constant 228 : i32
    %dma_start3A_176 = arith.constant 0 : i32
    %dma_start3A_177 = tpu.memref_slice %arg1[%dma_start3A_175, %dma_start3A_176] : memref<1024x16384xf32, #tpu.memory_space<any>> -> memref<4x16384xf32, #tpu.memory_space<any>>
    tpu.enqueue_dma source(%arg2 : memref<4x16384xf32, #tpu.memory_space<vmem>>) target(%dma_start3A_177 : memref<4x16384xf32, #tpu.memory_space<any>>) target_semaphore(%arg3 : memref<!tpu.dma_semaphore, #tpu.memory_space<semaphore_mem>>)
    %dma_start3A_178 = arith.constant 232 : i32
    %dma_start3A_179 = arith.constant 0 : i32
    %dma_start3A_180 = tpu.memref_slice %arg1[%dma_start3A_178, %dma_start3A_179] : memref<1024x16384xf32, #tpu.memory_space<any>> -> memref<4x16384xf32, #tpu.memory_space<any>>
    tpu.enqueue_dma source(%arg2 : memref<4x16384xf32, #tpu.memory_space<vmem>>) target(%dma_start3A_180 : memref<4x16384xf32, #tpu.memory_space<any>>) target_semaphore(%arg3 : memref<!tpu.dma_semaphore, #tpu.memory_space<semaphore_mem>>)
    %dma_start3A_181 = arith.constant 236 : i32
    %dma_start3A_182 = arith.constant 0 : i32
    %dma_start3A_183 = tpu.memref_slice %arg1[%dma_start3A_181, %dma_start3A_182] : memref<1024x16384xf32, #tpu.memory_space<any>> -> memref<4x16384xf32, #tpu.memory_space<any>>
    tpu.enqueue_dma source(%arg2 : memref<4x16384xf32, #tpu.memory_space<vmem>>) target(%dma_start3A_183 : memref<4x16384xf32, #tpu.memory_space<any>>) target_semaphore(%arg3 : memref<!tpu.dma_semaphore, #tpu.memory_space<semaphore_mem>>)
    %dma_start3A_184 = arith.constant 240 : i32
    %dma_start3A_185 = arith.constant 0 : i32
    %dma_start3A_186 = tpu.memref_slice %arg1[%dma_start3A_184, %dma_start3A_185] : memref<1024x16384xf32, #tpu.memory_space<any>> -> memref<4x16384xf32, #tpu.memory_space<any>>
    tpu.enqueue_dma source(%arg2 : memref<4x16384xf32, #tpu.memory_space<vmem>>) target(%dma_start3A_186 : memref<4x16384xf32, #tpu.memory_space<any>>) target_semaphore(%arg3 : memref<!tpu.dma_semaphore, #tpu.memory_space<semaphore_mem>>)
    %dma_start3A_187 = arith.constant 244 : i32
    %dma_start3A_188 = arith.constant 0 : i32
    %dma_start3A_189 = tpu.memref_slice %arg1[%dma_start3A_187, %dma_start3A_188] : memref<1024x16384xf32, #tpu.memory_space<any>> -> memref<4x16384xf32, #tpu.memory_space<any>>
    tpu.enqueue_dma source(%arg2 : memref<4x16384xf32, #tpu.memory_space<vmem>>) target(%dma_start3A_189 : memref<4x16384xf32, #tpu.memory_space<any>>) target_semaphore(%arg3 : memref<!tpu.dma_semaphore, #tpu.memory_space<semaphore_mem>>)
    %dma_start3A_190 = arith.constant 248 : i32
    %dma_start3A_191 = arith.constant 0 : i32
    %dma_start3A_192 = tpu.memref_slice %arg1[%dma_start3A_190, %dma_start3A_191] : memref<1024x16384xf32, #tpu.memory_space<any>> -> memref<4x16384xf32, #tpu.memory_space<any>>
    tpu.enqueue_dma source(%arg2 : memref<4x16384xf32, #tpu.memory_space<vmem>>) target(%dma_start3A_192 : memref<4x16384xf32, #tpu.memory_space<any>>) target_semaphore(%arg3 : memref<!tpu.dma_semaphore, #tpu.memory_space<semaphore_mem>>)
    %dma_start3A_193 = arith.constant 252 : i32
    %dma_start3A_194 = arith.constant 0 : i32
    %dma_start3A_195 = tpu.memref_slice %arg1[%dma_start3A_193, %dma_start3A_194] : memref<1024x16384xf32, #tpu.memory_space<any>> -> memref<4x16384xf32, #tpu.memory_space<any>>
    tpu.enqueue_dma source(%arg2 : memref<4x16384xf32, #tpu.memory_space<vmem>>) target(%dma_start3A_195 : memref<4x16384xf32, #tpu.memory_space<any>>) target_semaphore(%arg3 : memref<!tpu.dma_semaphore, #tpu.memory_space<semaphore_mem>>)
    %dma_start3A_196 = arith.constant 256 : i32
    %dma_start3A_197 = arith.constant 0 : i32
    %dma_start3A_198 = tpu.memref_slice %arg1[%dma_start3A_196, %dma_start3A_197] : memref<1024x16384xf32, #tpu.memory_space<any>> -> memref<4x16384xf32, #tpu.memory_space<any>>
    tpu.enqueue_dma source(%arg2 : memref<4x16384xf32, #tpu.memory_space<vmem>>) target(%dma_start3A_198 : memref<4x16384xf32, #tpu.memory_space<any>>) target_semaphore(%arg3 : memref<!tpu.dma_semaphore, #tpu.memory_space<semaphore_mem>>)
    %dma_start3A_199 = arith.constant 260 : i32
    %dma_start3A_200 = arith.constant 0 : i32
    %dma_start3A_201 = tpu.memref_slice %arg1[%dma_start3A_199, %dma_start3A_200] : memref<1024x16384xf32, #tpu.memory_space<any>> -> memref<4x16384xf32, #tpu.memory_space<any>>
    tpu.enqueue_dma source(%arg2 : memref<4x16384xf32, #tpu.memory_space<vmem>>) target(%dma_start3A_201 : memref<4x16384xf32, #tpu.memory_space<any>>) target_semaphore(%arg3 : memref<!tpu.dma_semaphore, #tpu.memory_space<semaphore_mem>>)
    %dma_start3A_202 = arith.constant 264 : i32
    %dma_start3A_203 = arith.constant 0 : i32
    %dma_start3A_204 = tpu.memref_slice %arg1[%dma_start3A_202, %dma_start3A_203] : memref<1024x16384xf32, #tpu.memory_space<any>> -> memref<4x16384xf32, #tpu.memory_space<any>>
    tpu.enqueue_dma source(%arg2 : memref<4x16384xf32, #tpu.memory_space<vmem>>) target(%dma_start3A_204 : memref<4x16384xf32, #tpu.memory_space<any>>) target_semaphore(%arg3 : memref<!tpu.dma_semaphore, #tpu.memory_space<semaphore_mem>>)
    %dma_start3A_205 = arith.constant 268 : i32
    %dma_start3A_206 = arith.constant 0 : i32
    %dma_start3A_207 = tpu.memref_slice %arg1[%dma_start3A_205, %dma_start3A_206] : memref<1024x16384xf32, #tpu.memory_space<any>> -> memref<4x16384xf32, #tpu.memory_space<any>>
    tpu.enqueue_dma source(%arg2 : memref<4x16384xf32, #tpu.memory_space<vmem>>) target(%dma_start3A_207 : memref<4x16384xf32, #tpu.memory_space<any>>) target_semaphore(%arg3 : memref<!tpu.dma_semaphore, #tpu.memory_space<semaphore_mem>>)
    %dma_start3A_208 = arith.constant 272 : i32
    %dma_start3A_209 = arith.constant 0 : i32
    %dma_start3A_210 = tpu.memref_slice %arg1[%dma_start3A_208, %dma_start3A_209] : memref<1024x16384xf32, #tpu.memory_space<any>> -> memref<4x16384xf32, #tpu.memory_space<any>>
    tpu.enqueue_dma source(%arg2 : memref<4x16384xf32, #tpu.memory_space<vmem>>) target(%dma_start3A_210 : memref<4x16384xf32, #tpu.memory_space<any>>) target_semaphore(%arg3 : memref<!tpu.dma_semaphore, #tpu.memory_space<semaphore_mem>>)
    %dma_start3A_211 = arith.constant 276 : i32
    %dma_start3A_212 = arith.constant 0 : i32
    %dma_start3A_213 = tpu.memref_slice %arg1[%dma_start3A_211, %dma_start3A_212] : memref<1024x16384xf32, #tpu.memory_space<any>> -> memref<4x16384xf32, #tpu.memory_space<any>>
    tpu.enqueue_dma source(%arg2 : memref<4x16384xf32, #tpu.memory_space<vmem>>) target(%dma_start3A_213 : memref<4x16384xf32, #tpu.memory_space<any>>) target_semaphore(%arg3 : memref<!tpu.dma_semaphore, #tpu.memory_space<semaphore_mem>>)
    %dma_start3A_214 = arith.constant 280 : i32
    %dma_start3A_215 = arith.constant 0 : i32
    %dma_start3A_216 = tpu.memref_slice %arg1[%dma_start3A_214, %dma_start3A_215] : memref<1024x16384xf32, #tpu.memory_space<any>> -> memref<4x16384xf32, #tpu.memory_space<any>>
    tpu.enqueue_dma source(%arg2 : memref<4x16384xf32, #tpu.memory_space<vmem>>) target(%dma_start3A_216 : memref<4x16384xf32, #tpu.memory_space<any>>) target_semaphore(%arg3 : memref<!tpu.dma_semaphore, #tpu.memory_space<semaphore_mem>>)
    %dma_start3A_217 = arith.constant 284 : i32
    %dma_start3A_218 = arith.constant 0 : i32
    %dma_start3A_219 = tpu.memref_slice %arg1[%dma_start3A_217, %dma_start3A_218] : memref<1024x16384xf32, #tpu.memory_space<any>> -> memref<4x16384xf32, #tpu.memory_space<any>>
    tpu.enqueue_dma source(%arg2 : memref<4x16384xf32, #tpu.memory_space<vmem>>) target(%dma_start3A_219 : memref<4x16384xf32, #tpu.memory_space<any>>) target_semaphore(%arg3 : memref<!tpu.dma_semaphore, #tpu.memory_space<semaphore_mem>>)
    %dma_start3A_220 = arith.constant 288 : i32
    %dma_start3A_221 = arith.constant 0 : i32
    %dma_start3A_222 = tpu.memref_slice %arg1[%dma_start3A_220, %dma_start3A_221] : memref<1024x16384xf32, #tpu.memory_space<any>> -> memref<4x16384xf32, #tpu.memory_space<any>>
    tpu.enqueue_dma source(%arg2 : memref<4x16384xf32, #tpu.memory_space<vmem>>) target(%dma_start3A_222 : memref<4x16384xf32, #tpu.memory_space<any>>) target_semaphore(%arg3 : memref<!tpu.dma_semaphore, #tpu.memory_space<semaphore_mem>>)
    %dma_start3A_223 = arith.constant 292 : i32
    %dma_start3A_224 = arith.constant 0 : i32
    %dma_start3A_225 = tpu.memref_slice %arg1[%dma_start3A_223, %dma_start3A_224] : memref<1024x16384xf32, #tpu.memory_space<any>> -> memref<4x16384xf32, #tpu.memory_space<any>>
    tpu.enqueue_dma source(%arg2 : memref<4x16384xf32, #tpu.memory_space<vmem>>) target(%dma_start3A_225 : memref<4x16384xf32, #tpu.memory_space<any>>) target_semaphore(%arg3 : memref<!tpu.dma_semaphore, #tpu.memory_space<semaphore_mem>>)
    %dma_start3A_226 = arith.constant 296 : i32
    %dma_start3A_227 = arith.constant 0 : i32
    %dma_start3A_228 = tpu.memref_slice %arg1[%dma_start3A_226, %dma_start3A_227] : memref<1024x16384xf32, #tpu.memory_space<any>> -> memref<4x16384xf32, #tpu.memory_space<any>>
    tpu.enqueue_dma source(%arg2 : memref<4x16384xf32, #tpu.memory_space<vmem>>) target(%dma_start3A_228 : memref<4x16384xf32, #tpu.memory_space<any>>) target_semaphore(%arg3 : memref<!tpu.dma_semaphore, #tpu.memory_space<semaphore_mem>>)
    %dma_start3A_229 = arith.constant 300 : i32
    %dma_start3A_230 = arith.constant 0 : i32
    %dma_start3A_231 = tpu.memref_slice %arg1[%dma_start3A_229, %dma_start3A_230] : memref<1024x16384xf32, #tpu.memory_space<any>> -> memref<4x16384xf32, #tpu.memory_space<any>>
    tpu.enqueue_dma source(%arg2 : memref<4x16384xf32, #tpu.memory_space<vmem>>) target(%dma_start3A_231 : memref<4x16384xf32, #tpu.memory_space<any>>) target_semaphore(%arg3 : memref<!tpu.dma_semaphore, #tpu.memory_space<semaphore_mem>>)
    %dma_start3A_232 = arith.constant 304 : i32
    %dma_start3A_233 = arith.constant 0 : i32
    %dma_start3A_234 = tpu.memref_slice %arg1[%dma_start3A_232, %dma_start3A_233] : memref<1024x16384xf32, #tpu.memory_space<any>> -> memref<4x16384xf32, #tpu.memory_space<any>>
    tpu.enqueue_dma source(%arg2 : memref<4x16384xf32, #tpu.memory_space<vmem>>) target(%dma_start3A_234 : memref<4x16384xf32, #tpu.memory_space<any>>) target_semaphore(%arg3 : memref<!tpu.dma_semaphore, #tpu.memory_space<semaphore_mem>>)
    %dma_start3A_235 = arith.constant 308 : i32
    %dma_start3A_236 = arith.constant 0 : i32
    %dma_start3A_237 = tpu.memref_slice %arg1[%dma_start3A_235, %dma_start3A_236] : memref<1024x16384xf32, #tpu.memory_space<any>> -> memref<4x16384xf32, #tpu.memory_space<any>>
    tpu.enqueue_dma source(%arg2 : memref<4x16384xf32, #tpu.memory_space<vmem>>) target(%dma_start3A_237 : memref<4x16384xf32, #tpu.memory_space<any>>) target_semaphore(%arg3 : memref<!tpu.dma_semaphore, #tpu.memory_space<semaphore_mem>>)
    %dma_start3A_238 = arith.constant 312 : i32
    %dma_start3A_239 = arith.constant 0 : i32
    %dma_start3A_240 = tpu.memref_slice %arg1[%dma_start3A_238, %dma_start3A_239] : memref<1024x16384xf32, #tpu.memory_space<any>> -> memref<4x16384xf32, #tpu.memory_space<any>>
    tpu.enqueue_dma source(%arg2 : memref<4x16384xf32, #tpu.memory_space<vmem>>) target(%dma_start3A_240 : memref<4x16384xf32, #tpu.memory_space<any>>) target_semaphore(%arg3 : memref<!tpu.dma_semaphore, #tpu.memory_space<semaphore_mem>>)
    %dma_start3A_241 = arith.constant 316 : i32
    %dma_start3A_242 = arith.constant 0 : i32
    %dma_start3A_243 = tpu.memref_slice %arg1[%dma_start3A_241, %dma_start3A_242] : memref<1024x16384xf32, #tpu.memory_space<any>> -> memref<4x16384xf32, #tpu.memory_space<any>>
    tpu.enqueue_dma source(%arg2 : memref<4x16384xf32, #tpu.memory_space<vmem>>) target(%dma_start3A_243 : memref<4x16384xf32, #tpu.memory_space<any>>) target_semaphore(%arg3 : memref<!tpu.dma_semaphore, #tpu.memory_space<semaphore_mem>>)
    %dma_start3A_244 = arith.constant 320 : i32
    %dma_start3A_245 = arith.constant 0 : i32
    %dma_start3A_246 = tpu.memref_slice %arg1[%dma_start3A_244, %dma_start3A_245] : memref<1024x16384xf32, #tpu.memory_space<any>> -> memref<4x16384xf32, #tpu.memory_space<any>>
    tpu.enqueue_dma source(%arg2 : memref<4x16384xf32, #tpu.memory_space<vmem>>) target(%dma_start3A_246 : memref<4x16384xf32, #tpu.memory_space<any>>) target_semaphore(%arg3 : memref<!tpu.dma_semaphore, #tpu.memory_space<semaphore_mem>>)
    %dma_start3A_247 = arith.constant 324 : i32
    %dma_start3A_248 = arith.constant 0 : i32
    %dma_start3A_249 = tpu.memref_slice %arg1[%dma_start3A_247, %dma_start3A_248] : memref<1024x16384xf32, #tpu.memory_space<any>> -> memref<4x16384xf32, #tpu.memory_space<any>>
    tpu.enqueue_dma source(%arg2 : memref<4x16384xf32, #tpu.memory_space<vmem>>) target(%dma_start3A_249 : memref<4x16384xf32, #tpu.memory_space<any>>) target_semaphore(%arg3 : memref<!tpu.dma_semaphore, #tpu.memory_space<semaphore_mem>>)
    %dma_start3A_250 = arith.constant 328 : i32
    %dma_start3A_251 = arith.constant 0 : i32
    %dma_start3A_252 = tpu.memref_slice %arg1[%dma_start3A_250, %dma_start3A_251] : memref<1024x16384xf32, #tpu.memory_space<any>> -> memref<4x16384xf32, #tpu.memory_space<any>>
    tpu.enqueue_dma source(%arg2 : memref<4x16384xf32, #tpu.memory_space<vmem>>) target(%dma_start3A_252 : memref<4x16384xf32, #tpu.memory_space<any>>) target_semaphore(%arg3 : memref<!tpu.dma_semaphore, #tpu.memory_space<semaphore_mem>>)
    %dma_start3A_253 = arith.constant 332 : i32
    %dma_start3A_254 = arith.constant 0 : i32
    %dma_start3A_255 = tpu.memref_slice %arg1[%dma_start3A_253, %dma_start3A_254] : memref<1024x16384xf32, #tpu.memory_space<any>> -> memref<4x16384xf32, #tpu.memory_space<any>>
    tpu.enqueue_dma source(%arg2 : memref<4x16384xf32, #tpu.memory_space<vmem>>) target(%dma_start3A_255 : memref<4x16384xf32, #tpu.memory_space<any>>) target_semaphore(%arg3 : memref<!tpu.dma_semaphore, #tpu.memory_space<semaphore_mem>>)
    %dma_start3A_256 = arith.constant 336 : i32
    %dma_start3A_257 = arith.constant 0 : i32
    %dma_start3A_258 = tpu.memref_slice %arg1[%dma_start3A_256, %dma_start3A_257] : memref<1024x16384xf32, #tpu.memory_space<any>> -> memref<4x16384xf32, #tpu.memory_space<any>>
    tpu.enqueue_dma source(%arg2 : memref<4x16384xf32, #tpu.memory_space<vmem>>) target(%dma_start3A_258 : memref<4x16384xf32, #tpu.memory_space<any>>) target_semaphore(%arg3 : memref<!tpu.dma_semaphore, #tpu.memory_space<semaphore_mem>>)
    %dma_start3A_259 = arith.constant 340 : i32
    %dma_start3A_260 = arith.constant 0 : i32
    %dma_start3A_261 = tpu.memref_slice %arg1[%dma_start3A_259, %dma_start3A_260] : memref<1024x16384xf32, #tpu.memory_space<any>> -> memref<4x16384xf32, #tpu.memory_space<any>>
    tpu.enqueue_dma source(%arg2 : memref<4x16384xf32, #tpu.memory_space<vmem>>) target(%dma_start3A_261 : memref<4x16384xf32, #tpu.memory_space<any>>) target_semaphore(%arg3 : memref<!tpu.dma_semaphore, #tpu.memory_space<semaphore_mem>>)
    %dma_start3A_262 = arith.constant 344 : i32
    %dma_start3A_263 = arith.constant 0 : i32
    %dma_start3A_264 = tpu.memref_slice %arg1[%dma_start3A_262, %dma_start3A_263] : memref<1024x16384xf32, #tpu.memory_space<any>> -> memref<4x16384xf32, #tpu.memory_space<any>>
    tpu.enqueue_dma source(%arg2 : memref<4x16384xf32, #tpu.memory_space<vmem>>) target(%dma_start3A_264 : memref<4x16384xf32, #tpu.memory_space<any>>) target_semaphore(%arg3 : memref<!tpu.dma_semaphore, #tpu.memory_space<semaphore_mem>>)
    %dma_start3A_265 = arith.constant 348 : i32
    %dma_start3A_266 = arith.constant 0 : i32
    %dma_start3A_267 = tpu.memref_slice %arg1[%dma_start3A_265, %dma_start3A_266] : memref<1024x16384xf32, #tpu.memory_space<any>> -> memref<4x16384xf32, #tpu.memory_space<any>>
    tpu.enqueue_dma source(%arg2 : memref<4x16384xf32, #tpu.memory_space<vmem>>) target(%dma_start3A_267 : memref<4x16384xf32, #tpu.memory_space<any>>) target_semaphore(%arg3 : memref<!tpu.dma_semaphore, #tpu.memory_space<semaphore_mem>>)
    %dma_start3A_268 = arith.constant 352 : i32
    %dma_start3A_269 = arith.constant 0 : i32
    %dma_start3A_270 = tpu.memref_slice %arg1[%dma_start3A_268, %dma_start3A_269] : memref<1024x16384xf32, #tpu.memory_space<any>> -> memref<4x16384xf32, #tpu.memory_space<any>>
    tpu.enqueue_dma source(%arg2 : memref<4x16384xf32, #tpu.memory_space<vmem>>) target(%dma_start3A_270 : memref<4x16384xf32, #tpu.memory_space<any>>) target_semaphore(%arg3 : memref<!tpu.dma_semaphore, #tpu.memory_space<semaphore_mem>>)
    %dma_start3A_271 = arith.constant 356 : i32
    %dma_start3A_272 = arith.constant 0 : i32
    %dma_start3A_273 = tpu.memref_slice %arg1[%dma_start3A_271, %dma_start3A_272] : memref<1024x16384xf32, #tpu.memory_space<any>> -> memref<4x16384xf32, #tpu.memory_space<any>>
    tpu.enqueue_dma source(%arg2 : memref<4x16384xf32, #tpu.memory_space<vmem>>) target(%dma_start3A_273 : memref<4x16384xf32, #tpu.memory_space<any>>) target_semaphore(%arg3 : memref<!tpu.dma_semaphore, #tpu.memory_space<semaphore_mem>>)
    %dma_start3A_274 = arith.constant 360 : i32
    %dma_start3A_275 = arith.constant 0 : i32
    %dma_start3A_276 = tpu.memref_slice %arg1[%dma_start3A_274, %dma_start3A_275] : memref<1024x16384xf32, #tpu.memory_space<any>> -> memref<4x16384xf32, #tpu.memory_space<any>>
    tpu.enqueue_dma source(%arg2 : memref<4x16384xf32, #tpu.memory_space<vmem>>) target(%dma_start3A_276 : memref<4x16384xf32, #tpu.memory_space<any>>) target_semaphore(%arg3 : memref<!tpu.dma_semaphore, #tpu.memory_space<semaphore_mem>>)
    %dma_start3A_277 = arith.constant 364 : i32
    %dma_start3A_278 = arith.constant 0 : i32
    %dma_start3A_279 = tpu.memref_slice %arg1[%dma_start3A_277, %dma_start3A_278] : memref<1024x16384xf32, #tpu.memory_space<any>> -> memref<4x16384xf32, #tpu.memory_space<any>>
    tpu.enqueue_dma source(%arg2 : memref<4x16384xf32, #tpu.memory_space<vmem>>) target(%dma_start3A_279 : memref<4x16384xf32, #tpu.memory_space<any>>) target_semaphore(%arg3 : memref<!tpu.dma_semaphore, #tpu.memory_space<semaphore_mem>>)
    %dma_start3A_280 = arith.constant 368 : i32
    %dma_start3A_281 = arith.constant 0 : i32
    %dma_start3A_282 = tpu.memref_slice %arg1[%dma_start3A_280, %dma_start3A_281] : memref<1024x16384xf32, #tpu.memory_space<any>> -> memref<4x16384xf32, #tpu.memory_space<any>>
    tpu.enqueue_dma source(%arg2 : memref<4x16384xf32, #tpu.memory_space<vmem>>) target(%dma_start3A_282 : memref<4x16384xf32, #tpu.memory_space<any>>) target_semaphore(%arg3 : memref<!tpu.dma_semaphore, #tpu.memory_space<semaphore_mem>>)
    %dma_start3A_283 = arith.constant 372 : i32
    %dma_start3A_284 = arith.constant 0 : i32
    %dma_start3A_285 = tpu.memref_slice %arg1[%dma_start3A_283, %dma_start3A_284] : memref<1024x16384xf32, #tpu.memory_space<any>> -> memref<4x16384xf32, #tpu.memory_space<any>>
    tpu.enqueue_dma source(%arg2 : memref<4x16384xf32, #tpu.memory_space<vmem>>) target(%dma_start3A_285 : memref<4x16384xf32, #tpu.memory_space<any>>) target_semaphore(%arg3 : memref<!tpu.dma_semaphore, #tpu.memory_space<semaphore_mem>>)
    %dma_start3A_286 = arith.constant 376 : i32
    %dma_start3A_287 = arith.constant 0 : i32
    %dma_start3A_288 = tpu.memref_slice %arg1[%dma_start3A_286, %dma_start3A_287] : memref<1024x16384xf32, #tpu.memory_space<any>> -> memref<4x16384xf32, #tpu.memory_space<any>>
    tpu.enqueue_dma source(%arg2 : memref<4x16384xf32, #tpu.memory_space<vmem>>) target(%dma_start3A_288 : memref<4x16384xf32, #tpu.memory_space<any>>) target_semaphore(%arg3 : memref<!tpu.dma_semaphore, #tpu.memory_space<semaphore_mem>>)
    %dma_start3A_289 = arith.constant 380 : i32
    %dma_start3A_290 = arith.constant 0 : i32
    %dma_start3A_291 = tpu.memref_slice %arg1[%dma_start3A_289, %dma_start3A_290] : memref<1024x16384xf32, #tpu.memory_space<any>> -> memref<4x16384xf32, #tpu.memory_space<any>>
    tpu.enqueue_dma source(%arg2 : memref<4x16384xf32, #tpu.memory_space<vmem>>) target(%dma_start3A_291 : memref<4x16384xf32, #tpu.memory_space<any>>) target_semaphore(%arg3 : memref<!tpu.dma_semaphore, #tpu.memory_space<semaphore_mem>>)
    %dma_start3A_292 = arith.constant 384 : i32
    %dma_start3A_293 = arith.constant 0 : i32
    %dma_start3A_294 = tpu.memref_slice %arg1[%dma_start3A_292, %dma_start3A_293] : memref<1024x16384xf32, #tpu.memory_space<any>> -> memref<4x16384xf32, #tpu.memory_space<any>>
    tpu.enqueue_dma source(%arg2 : memref<4x16384xf32, #tpu.memory_space<vmem>>) target(%dma_start3A_294 : memref<4x16384xf32, #tpu.memory_space<any>>) target_semaphore(%arg3 : memref<!tpu.dma_semaphore, #tpu.memory_space<semaphore_mem>>)
    %dma_start3A_295 = arith.constant 388 : i32
    %dma_start3A_296 = arith.constant 0 : i32
    %dma_start3A_297 = tpu.memref_slice %arg1[%dma_start3A_295, %dma_start3A_296] : memref<1024x16384xf32, #tpu.memory_space<any>> -> memref<4x16384xf32, #tpu.memory_space<any>>
    tpu.enqueue_dma source(%arg2 : memref<4x16384xf32, #tpu.memory_space<vmem>>) target(%dma_start3A_297 : memref<4x16384xf32, #tpu.memory_space<any>>) target_semaphore(%arg3 : memref<!tpu.dma_semaphore, #tpu.memory_space<semaphore_mem>>)
    %dma_start3A_298 = arith.constant 392 : i32
    %dma_start3A_299 = arith.constant 0 : i32
    %dma_start3A_300 = tpu.memref_slice %arg1[%dma_start3A_298, %dma_start3A_299] : memref<1024x16384xf32, #tpu.memory_space<any>> -> memref<4x16384xf32, #tpu.memory_space<any>>
    tpu.enqueue_dma source(%arg2 : memref<4x16384xf32, #tpu.memory_space<vmem>>) target(%dma_start3A_300 : memref<4x16384xf32, #tpu.memory_space<any>>) target_semaphore(%arg3 : memref<!tpu.dma_semaphore, #tpu.memory_space<semaphore_mem>>)
    %dma_start3A_301 = arith.constant 396 : i32
    %dma_start3A_302 = arith.constant 0 : i32
    %dma_start3A_303 = tpu.memref_slice %arg1[%dma_start3A_301, %dma_start3A_302] : memref<1024x16384xf32, #tpu.memory_space<any>> -> memref<4x16384xf32, #tpu.memory_space<any>>
    tpu.enqueue_dma source(%arg2 : memref<4x16384xf32, #tpu.memory_space<vmem>>) target(%dma_start3A_303 : memref<4x16384xf32, #tpu.memory_space<any>>) target_semaphore(%arg3 : memref<!tpu.dma_semaphore, #tpu.memory_space<semaphore_mem>>)
    %dma_start3A_304 = arith.constant 400 : i32
    %dma_start3A_305 = arith.constant 0 : i32
    %dma_start3A_306 = tpu.memref_slice %arg1[%dma_start3A_304, %dma_start3A_305] : memref<1024x16384xf32, #tpu.memory_space<any>> -> memref<4x16384xf32, #tpu.memory_space<any>>
    tpu.enqueue_dma source(%arg2 : memref<4x16384xf32, #tpu.memory_space<vmem>>) target(%dma_start3A_306 : memref<4x16384xf32, #tpu.memory_space<any>>) target_semaphore(%arg3 : memref<!tpu.dma_semaphore, #tpu.memory_space<semaphore_mem>>)
    %dma_start3A_307 = arith.constant 404 : i32
    %dma_start3A_308 = arith.constant 0 : i32
    %dma_start3A_309 = tpu.memref_slice %arg1[%dma_start3A_307, %dma_start3A_308] : memref<1024x16384xf32, #tpu.memory_space<any>> -> memref<4x16384xf32, #tpu.memory_space<any>>
    tpu.enqueue_dma source(%arg2 : memref<4x16384xf32, #tpu.memory_space<vmem>>) target(%dma_start3A_309 : memref<4x16384xf32, #tpu.memory_space<any>>) target_semaphore(%arg3 : memref<!tpu.dma_semaphore, #tpu.memory_space<semaphore_mem>>)
    %dma_start3A_310 = arith.constant 408 : i32
    %dma_start3A_311 = arith.constant 0 : i32
    %dma_start3A_312 = tpu.memref_slice %arg1[%dma_start3A_310, %dma_start3A_311] : memref<1024x16384xf32, #tpu.memory_space<any>> -> memref<4x16384xf32, #tpu.memory_space<any>>
    tpu.enqueue_dma source(%arg2 : memref<4x16384xf32, #tpu.memory_space<vmem>>) target(%dma_start3A_312 : memref<4x16384xf32, #tpu.memory_space<any>>) target_semaphore(%arg3 : memref<!tpu.dma_semaphore, #tpu.memory_space<semaphore_mem>>)
    %dma_start3A_313 = arith.constant 412 : i32
    %dma_start3A_314 = arith.constant 0 : i32
    %dma_start3A_315 = tpu.memref_slice %arg1[%dma_start3A_313, %dma_start3A_314] : memref<1024x16384xf32, #tpu.memory_space<any>> -> memref<4x16384xf32, #tpu.memory_space<any>>
    tpu.enqueue_dma source(%arg2 : memref<4x16384xf32, #tpu.memory_space<vmem>>) target(%dma_start3A_315 : memref<4x16384xf32, #tpu.memory_space<any>>) target_semaphore(%arg3 : memref<!tpu.dma_semaphore, #tpu.memory_space<semaphore_mem>>)
    %dma_start3A_316 = arith.constant 416 : i32
    %dma_start3A_317 = arith.constant 0 : i32
    %dma_start3A_318 = tpu.memref_slice %arg1[%dma_start3A_316, %dma_start3A_317] : memref<1024x16384xf32, #tpu.memory_space<any>> -> memref<4x16384xf32, #tpu.memory_space<any>>
    tpu.enqueue_dma source(%arg2 : memref<4x16384xf32, #tpu.memory_space<vmem>>) target(%dma_start3A_318 : memref<4x16384xf32, #tpu.memory_space<any>>) target_semaphore(%arg3 : memref<!tpu.dma_semaphore, #tpu.memory_space<semaphore_mem>>)
    %dma_start3A_319 = arith.constant 420 : i32
    %dma_start3A_320 = arith.constant 0 : i32
    %dma_start3A_321 = tpu.memref_slice %arg1[%dma_start3A_319, %dma_start3A_320] : memref<1024x16384xf32, #tpu.memory_space<any>> -> memref<4x16384xf32, #tpu.memory_space<any>>
    tpu.enqueue_dma source(%arg2 : memref<4x16384xf32, #tpu.memory_space<vmem>>) target(%dma_start3A_321 : memref<4x16384xf32, #tpu.memory_space<any>>) target_semaphore(%arg3 : memref<!tpu.dma_semaphore, #tpu.memory_space<semaphore_mem>>)
    %dma_start3A_322 = arith.constant 424 : i32
    %dma_start3A_323 = arith.constant 0 : i32
    %dma_start3A_324 = tpu.memref_slice %arg1[%dma_start3A_322, %dma_start3A_323] : memref<1024x16384xf32, #tpu.memory_space<any>> -> memref<4x16384xf32, #tpu.memory_space<any>>
    tpu.enqueue_dma source(%arg2 : memref<4x16384xf32, #tpu.memory_space<vmem>>) target(%dma_start3A_324 : memref<4x16384xf32, #tpu.memory_space<any>>) target_semaphore(%arg3 : memref<!tpu.dma_semaphore, #tpu.memory_space<semaphore_mem>>)
    %dma_start3A_325 = arith.constant 428 : i32
    %dma_start3A_326 = arith.constant 0 : i32
    %dma_start3A_327 = tpu.memref_slice %arg1[%dma_start3A_325, %dma_start3A_326] : memref<1024x16384xf32, #tpu.memory_space<any>> -> memref<4x16384xf32, #tpu.memory_space<any>>
    tpu.enqueue_dma source(%arg2 : memref<4x16384xf32, #tpu.memory_space<vmem>>) target(%dma_start3A_327 : memref<4x16384xf32, #tpu.memory_space<any>>) target_semaphore(%arg3 : memref<!tpu.dma_semaphore, #tpu.memory_space<semaphore_mem>>)
    %dma_start3A_328 = arith.constant 432 : i32
    %dma_start3A_329 = arith.constant 0 : i32
    %dma_start3A_330 = tpu.memref_slice %arg1[%dma_start3A_328, %dma_start3A_329] : memref<1024x16384xf32, #tpu.memory_space<any>> -> memref<4x16384xf32, #tpu.memory_space<any>>
    tpu.enqueue_dma source(%arg2 : memref<4x16384xf32, #tpu.memory_space<vmem>>) target(%dma_start3A_330 : memref<4x16384xf32, #tpu.memory_space<any>>) target_semaphore(%arg3 : memref<!tpu.dma_semaphore, #tpu.memory_space<semaphore_mem>>)
    %dma_start3A_331 = arith.constant 436 : i32
    %dma_start3A_332 = arith.constant 0 : i32
    %dma_start3A_333 = tpu.memref_slice %arg1[%dma_start3A_331, %dma_start3A_332] : memref<1024x16384xf32, #tpu.memory_space<any>> -> memref<4x16384xf32, #tpu.memory_space<any>>
    tpu.enqueue_dma source(%arg2 : memref<4x16384xf32, #tpu.memory_space<vmem>>) target(%dma_start3A_333 : memref<4x16384xf32, #tpu.memory_space<any>>) target_semaphore(%arg3 : memref<!tpu.dma_semaphore, #tpu.memory_space<semaphore_mem>>)
    %dma_start3A_334 = arith.constant 440 : i32
    %dma_start3A_335 = arith.constant 0 : i32
    %dma_start3A_336 = tpu.memref_slice %arg1[%dma_start3A_334, %dma_start3A_335] : memref<1024x16384xf32, #tpu.memory_space<any>> -> memref<4x16384xf32, #tpu.memory_space<any>>
    tpu.enqueue_dma source(%arg2 : memref<4x16384xf32, #tpu.memory_space<vmem>>) target(%dma_start3A_336 : memref<4x16384xf32, #tpu.memory_space<any>>) target_semaphore(%arg3 : memref<!tpu.dma_semaphore, #tpu.memory_space<semaphore_mem>>)
    %dma_start3A_337 = arith.constant 444 : i32
    %dma_start3A_338 = arith.constant 0 : i32
    %dma_start3A_339 = tpu.memref_slice %arg1[%dma_start3A_337, %dma_start3A_338] : memref<1024x16384xf32, #tpu.memory_space<any>> -> memref<4x16384xf32, #tpu.memory_space<any>>
    tpu.enqueue_dma source(%arg2 : memref<4x16384xf32, #tpu.memory_space<vmem>>) target(%dma_start3A_339 : memref<4x16384xf32, #tpu.memory_space<any>>) target_semaphore(%arg3 : memref<!tpu.dma_semaphore, #tpu.memory_space<semaphore_mem>>)
    %dma_start3A_340 = arith.constant 448 : i32
    %dma_start3A_341 = arith.constant 0 : i32
    %dma_start3A_342 = tpu.memref_slice %arg1[%dma_start3A_340, %dma_start3A_341] : memref<1024x16384xf32, #tpu.memory_space<any>> -> memref<4x16384xf32, #tpu.memory_space<any>>
    tpu.enqueue_dma source(%arg2 : memref<4x16384xf32, #tpu.memory_space<vmem>>) target(%dma_start3A_342 : memref<4x16384xf32, #tpu.memory_space<any>>) target_semaphore(%arg3 : memref<!tpu.dma_semaphore, #tpu.memory_space<semaphore_mem>>)
    %dma_start3A_343 = arith.constant 452 : i32
    %dma_start3A_344 = arith.constant 0 : i32
    %dma_start3A_345 = tpu.memref_slice %arg1[%dma_start3A_343, %dma_start3A_344] : memref<1024x16384xf32, #tpu.memory_space<any>> -> memref<4x16384xf32, #tpu.memory_space<any>>
    tpu.enqueue_dma source(%arg2 : memref<4x16384xf32, #tpu.memory_space<vmem>>) target(%dma_start3A_345 : memref<4x16384xf32, #tpu.memory_space<any>>) target_semaphore(%arg3 : memref<!tpu.dma_semaphore, #tpu.memory_space<semaphore_mem>>)
    %dma_start3A_346 = arith.constant 456 : i32
    %dma_start3A_347 = arith.constant 0 : i32
    %dma_start3A_348 = tpu.memref_slice %arg1[%dma_start3A_346, %dma_start3A_347] : memref<1024x16384xf32, #tpu.memory_space<any>> -> memref<4x16384xf32, #tpu.memory_space<any>>
    tpu.enqueue_dma source(%arg2 : memref<4x16384xf32, #tpu.memory_space<vmem>>) target(%dma_start3A_348 : memref<4x16384xf32, #tpu.memory_space<any>>) target_semaphore(%arg3 : memref<!tpu.dma_semaphore, #tpu.memory_space<semaphore_mem>>)
    %dma_start3A_349 = arith.constant 460 : i32
    %dma_start3A_350 = arith.constant 0 : i32
    %dma_start3A_351 = tpu.memref_slice %arg1[%dma_start3A_349, %dma_start3A_350] : memref<1024x16384xf32, #tpu.memory_space<any>> -> memref<4x16384xf32, #tpu.memory_space<any>>
    tpu.enqueue_dma source(%arg2 : memref<4x16384xf32, #tpu.memory_space<vmem>>) target(%dma_start3A_351 : memref<4x16384xf32, #tpu.memory_space<any>>) target_semaphore(%arg3 : memref<!tpu.dma_semaphore, #tpu.memory_space<semaphore_mem>>)
    %dma_start3A_352 = arith.constant 464 : i32
    %dma_start3A_353 = arith.constant 0 : i32
    %dma_start3A_354 = tpu.memref_slice %arg1[%dma_start3A_352, %dma_start3A_353] : memref<1024x16384xf32, #tpu.memory_space<any>> -> memref<4x16384xf32, #tpu.memory_space<any>>
    tpu.enqueue_dma source(%arg2 : memref<4x16384xf32, #tpu.memory_space<vmem>>) target(%dma_start3A_354 : memref<4x16384xf32, #tpu.memory_space<any>>) target_semaphore(%arg3 : memref<!tpu.dma_semaphore, #tpu.memory_space<semaphore_mem>>)
    %dma_start3A_355 = arith.constant 468 : i32
    %dma_start3A_356 = arith.constant 0 : i32
    %dma_start3A_357 = tpu.memref_slice %arg1[%dma_start3A_355, %dma_start3A_356] : memref<1024x16384xf32, #tpu.memory_space<any>> -> memref<4x16384xf32, #tpu.memory_space<any>>
    tpu.enqueue_dma source(%arg2 : memref<4x16384xf32, #tpu.memory_space<vmem>>) target(%dma_start3A_357 : memref<4x16384xf32, #tpu.memory_space<any>>) target_semaphore(%arg3 : memref<!tpu.dma_semaphore, #tpu.memory_space<semaphore_mem>>)
    %dma_start3A_358 = arith.constant 472 : i32
    %dma_start3A_359 = arith.constant 0 : i32
    %dma_start3A_360 = tpu.memref_slice %arg1[%dma_start3A_358, %dma_start3A_359] : memref<1024x16384xf32, #tpu.memory_space<any>> -> memref<4x16384xf32, #tpu.memory_space<any>>
    tpu.enqueue_dma source(%arg2 : memref<4x16384xf32, #tpu.memory_space<vmem>>) target(%dma_start3A_360 : memref<4x16384xf32, #tpu.memory_space<any>>) target_semaphore(%arg3 : memref<!tpu.dma_semaphore, #tpu.memory_space<semaphore_mem>>)
    %dma_start3A_361 = arith.constant 476 : i32
    %dma_start3A_362 = arith.constant 0 : i32
    %dma_start3A_363 = tpu.memref_slice %arg1[%dma_start3A_361, %dma_start3A_362] : memref<1024x16384xf32, #tpu.memory_space<any>> -> memref<4x16384xf32, #tpu.memory_space<any>>
    tpu.enqueue_dma source(%arg2 : memref<4x16384xf32, #tpu.memory_space<vmem>>) target(%dma_start3A_363 : memref<4x16384xf32, #tpu.memory_space<any>>) target_semaphore(%arg3 : memref<!tpu.dma_semaphore, #tpu.memory_space<semaphore_mem>>)
    %dma_start3A_364 = arith.constant 480 : i32
    %dma_start3A_365 = arith.constant 0 : i32
    %dma_start3A_366 = tpu.memref_slice %arg1[%dma_start3A_364, %dma_start3A_365] : memref<1024x16384xf32, #tpu.memory_space<any>> -> memref<4x16384xf32, #tpu.memory_space<any>>
    tpu.enqueue_dma source(%arg2 : memref<4x16384xf32, #tpu.memory_space<vmem>>) target(%dma_start3A_366 : memref<4x16384xf32, #tpu.memory_space<any>>) target_semaphore(%arg3 : memref<!tpu.dma_semaphore, #tpu.memory_space<semaphore_mem>>)
    %dma_start3A_367 = arith.constant 484 : i32
    %dma_start3A_368 = arith.constant 0 : i32
    %dma_start3A_369 = tpu.memref_slice %arg1[%dma_start3A_367, %dma_start3A_368] : memref<1024x16384xf32, #tpu.memory_space<any>> -> memref<4x16384xf32, #tpu.memory_space<any>>
    tpu.enqueue_dma source(%arg2 : memref<4x16384xf32, #tpu.memory_space<vmem>>) target(%dma_start3A_369 : memref<4x16384xf32, #tpu.memory_space<any>>) target_semaphore(%arg3 : memref<!tpu.dma_semaphore, #tpu.memory_space<semaphore_mem>>)
    %dma_start3A_370 = arith.constant 488 : i32
    %dma_start3A_371 = arith.constant 0 : i32
    %dma_start3A_372 = tpu.memref_slice %arg1[%dma_start3A_370, %dma_start3A_371] : memref<1024x16384xf32, #tpu.memory_space<any>> -> memref<4x16384xf32, #tpu.memory_space<any>>
    tpu.enqueue_dma source(%arg2 : memref<4x16384xf32, #tpu.memory_space<vmem>>) target(%dma_start3A_372 : memref<4x16384xf32, #tpu.memory_space<any>>) target_semaphore(%arg3 : memref<!tpu.dma_semaphore, #tpu.memory_space<semaphore_mem>>)
    %dma_start3A_373 = arith.constant 492 : i32
    %dma_start3A_374 = arith.constant 0 : i32
    %dma_start3A_375 = tpu.memref_slice %arg1[%dma_start3A_373, %dma_start3A_374] : memref<1024x16384xf32, #tpu.memory_space<any>> -> memref<4x16384xf32, #tpu.memory_space<any>>
    tpu.enqueue_dma source(%arg2 : memref<4x16384xf32, #tpu.memory_space<vmem>>) target(%dma_start3A_375 : memref<4x16384xf32, #tpu.memory_space<any>>) target_semaphore(%arg3 : memref<!tpu.dma_semaphore, #tpu.memory_space<semaphore_mem>>)
    %dma_start3A_376 = arith.constant 496 : i32
    %dma_start3A_377 = arith.constant 0 : i32
    %dma_start3A_378 = tpu.memref_slice %arg1[%dma_start3A_376, %dma_start3A_377] : memref<1024x16384xf32, #tpu.memory_space<any>> -> memref<4x16384xf32, #tpu.memory_space<any>>
    tpu.enqueue_dma source(%arg2 : memref<4x16384xf32, #tpu.memory_space<vmem>>) target(%dma_start3A_378 : memref<4x16384xf32, #tpu.memory_space<any>>) target_semaphore(%arg3 : memref<!tpu.dma_semaphore, #tpu.memory_space<semaphore_mem>>)
    %dma_start3A_379 = arith.constant 500 : i32
    %dma_start3A_380 = arith.constant 0 : i32
    %dma_start3A_381 = tpu.memref_slice %arg1[%dma_start3A_379, %dma_start3A_380] : memref<1024x16384xf32, #tpu.memory_space<any>> -> memref<4x16384xf32, #tpu.memory_space<any>>
    tpu.enqueue_dma source(%arg2 : memref<4x16384xf32, #tpu.memory_space<vmem>>) target(%dma_start3A_381 : memref<4x16384xf32, #tpu.memory_space<any>>) target_semaphore(%arg3 : memref<!tpu.dma_semaphore, #tpu.memory_space<semaphore_mem>>)
    %dma_start3A_382 = arith.constant 504 : i32
    %dma_start3A_383 = arith.constant 0 : i32
    %dma_start3A_384 = tpu.memref_slice %arg1[%dma_start3A_382, %dma_start3A_383] : memref<1024x16384xf32, #tpu.memory_space<any>> -> memref<4x16384xf32, #tpu.memory_space<any>>
    tpu.enqueue_dma source(%arg2 : memref<4x16384xf32, #tpu.memory_space<vmem>>) target(%dma_start3A_384 : memref<4x16384xf32, #tpu.memory_space<any>>) target_semaphore(%arg3 : memref<!tpu.dma_semaphore, #tpu.memory_space<semaphore_mem>>)
    %dma_start3A_385 = arith.constant 508 : i32
    %dma_start3A_386 = arith.constant 0 : i32
    %dma_start3A_387 = tpu.memref_slice %arg1[%dma_start3A_385, %dma_start3A_386] : memref<1024x16384xf32, #tpu.memory_space<any>> -> memref<4x16384xf32, #tpu.memory_space<any>>
    tpu.enqueue_dma source(%arg2 : memref<4x16384xf32, #tpu.memory_space<vmem>>) target(%dma_start3A_387 : memref<4x16384xf32, #tpu.memory_space<any>>) target_semaphore(%arg3 : memref<!tpu.dma_semaphore, #tpu.memory_space<semaphore_mem>>)
    %dma_start3A_388 = arith.constant 512 : i32
    %dma_start3A_389 = arith.constant 0 : i32
    %dma_start3A_390 = tpu.memref_slice %arg1[%dma_start3A_388, %dma_start3A_389] : memref<1024x16384xf32, #tpu.memory_space<any>> -> memref<4x16384xf32, #tpu.memory_space<any>>
    tpu.enqueue_dma source(%arg2 : memref<4x16384xf32, #tpu.memory_space<vmem>>) target(%dma_start3A_390 : memref<4x16384xf32, #tpu.memory_space<any>>) target_semaphore(%arg3 : memref<!tpu.dma_semaphore, #tpu.memory_space<semaphore_mem>>)
    %dma_start3A_391 = arith.constant 516 : i32
    %dma_start3A_392 = arith.constant 0 : i32
    %dma_start3A_393 = tpu.memref_slice %arg1[%dma_start3A_391, %dma_start3A_392] : memref<1024x16384xf32, #tpu.memory_space<any>> -> memref<4x16384xf32, #tpu.memory_space<any>>
    tpu.enqueue_dma source(%arg2 : memref<4x16384xf32, #tpu.memory_space<vmem>>) target(%dma_start3A_393 : memref<4x16384xf32, #tpu.memory_space<any>>) target_semaphore(%arg3 : memref<!tpu.dma_semaphore, #tpu.memory_space<semaphore_mem>>)
    %dma_start3A_394 = arith.constant 520 : i32
    %dma_start3A_395 = arith.constant 0 : i32
    %dma_start3A_396 = tpu.memref_slice %arg1[%dma_start3A_394, %dma_start3A_395] : memref<1024x16384xf32, #tpu.memory_space<any>> -> memref<4x16384xf32, #tpu.memory_space<any>>
    tpu.enqueue_dma source(%arg2 : memref<4x16384xf32, #tpu.memory_space<vmem>>) target(%dma_start3A_396 : memref<4x16384xf32, #tpu.memory_space<any>>) target_semaphore(%arg3 : memref<!tpu.dma_semaphore, #tpu.memory_space<semaphore_mem>>)
    %dma_start3A_397 = arith.constant 524 : i32
    %dma_start3A_398 = arith.constant 0 : i32
    %dma_start3A_399 = tpu.memref_slice %arg1[%dma_start3A_397, %dma_start3A_398] : memref<1024x16384xf32, #tpu.memory_space<any>> -> memref<4x16384xf32, #tpu.memory_space<any>>
    tpu.enqueue_dma source(%arg2 : memref<4x16384xf32, #tpu.memory_space<vmem>>) target(%dma_start3A_399 : memref<4x16384xf32, #tpu.memory_space<any>>) target_semaphore(%arg3 : memref<!tpu.dma_semaphore, #tpu.memory_space<semaphore_mem>>)
    %dma_start3A_400 = arith.constant 528 : i32
    %dma_start3A_401 = arith.constant 0 : i32
    %dma_start3A_402 = tpu.memref_slice %arg1[%dma_start3A_400, %dma_start3A_401] : memref<1024x16384xf32, #tpu.memory_space<any>> -> memref<4x16384xf32, #tpu.memory_space<any>>
    tpu.enqueue_dma source(%arg2 : memref<4x16384xf32, #tpu.memory_space<vmem>>) target(%dma_start3A_402 : memref<4x16384xf32, #tpu.memory_space<any>>) target_semaphore(%arg3 : memref<!tpu.dma_semaphore, #tpu.memory_space<semaphore_mem>>)
    %dma_start3A_403 = arith.constant 532 : i32
    %dma_start3A_404 = arith.constant 0 : i32
    %dma_start3A_405 = tpu.memref_slice %arg1[%dma_start3A_403, %dma_start3A_404] : memref<1024x16384xf32, #tpu.memory_space<any>> -> memref<4x16384xf32, #tpu.memory_space<any>>
    tpu.enqueue_dma source(%arg2 : memref<4x16384xf32, #tpu.memory_space<vmem>>) target(%dma_start3A_405 : memref<4x16384xf32, #tpu.memory_space<any>>) target_semaphore(%arg3 : memref<!tpu.dma_semaphore, #tpu.memory_space<semaphore_mem>>)
    %dma_start3A_406 = arith.constant 536 : i32
    %dma_start3A_407 = arith.constant 0 : i32
    %dma_start3A_408 = tpu.memref_slice %arg1[%dma_start3A_406, %dma_start3A_407] : memref<1024x16384xf32, #tpu.memory_space<any>> -> memref<4x16384xf32, #tpu.memory_space<any>>
    tpu.enqueue_dma source(%arg2 : memref<4x16384xf32, #tpu.memory_space<vmem>>) target(%dma_start3A_408 : memref<4x16384xf32, #tpu.memory_space<any>>) target_semaphore(%arg3 : memref<!tpu.dma_semaphore, #tpu.memory_space<semaphore_mem>>)
    %dma_start3A_409 = arith.constant 540 : i32
    %dma_start3A_410 = arith.constant 0 : i32
    %dma_start3A_411 = tpu.memref_slice %arg1[%dma_start3A_409, %dma_start3A_410] : memref<1024x16384xf32, #tpu.memory_space<any>> -> memref<4x16384xf32, #tpu.memory_space<any>>
    tpu.enqueue_dma source(%arg2 : memref<4x16384xf32, #tpu.memory_space<vmem>>) target(%dma_start3A_411 : memref<4x16384xf32, #tpu.memory_space<any>>) target_semaphore(%arg3 : memref<!tpu.dma_semaphore, #tpu.memory_space<semaphore_mem>>)
    %dma_start3A_412 = arith.constant 544 : i32
    %dma_start3A_413 = arith.constant 0 : i32
    %dma_start3A_414 = tpu.memref_slice %arg1[%dma_start3A_412, %dma_start3A_413] : memref<1024x16384xf32, #tpu.memory_space<any>> -> memref<4x16384xf32, #tpu.memory_space<any>>
    tpu.enqueue_dma source(%arg2 : memref<4x16384xf32, #tpu.memory_space<vmem>>) target(%dma_start3A_414 : memref<4x16384xf32, #tpu.memory_space<any>>) target_semaphore(%arg3 : memref<!tpu.dma_semaphore, #tpu.memory_space<semaphore_mem>>)
    %dma_start3A_415 = arith.constant 548 : i32
    %dma_start3A_416 = arith.constant 0 : i32
    %dma_start3A_417 = tpu.memref_slice %arg1[%dma_start3A_415, %dma_start3A_416] : memref<1024x16384xf32, #tpu.memory_space<any>> -> memref<4x16384xf32, #tpu.memory_space<any>>
    tpu.enqueue_dma source(%arg2 : memref<4x16384xf32, #tpu.memory_space<vmem>>) target(%dma_start3A_417 : memref<4x16384xf32, #tpu.memory_space<any>>) target_semaphore(%arg3 : memref<!tpu.dma_semaphore, #tpu.memory_space<semaphore_mem>>)
    %dma_start3A_418 = arith.constant 552 : i32
    %dma_start3A_419 = arith.constant 0 : i32
    %dma_start3A_420 = tpu.memref_slice %arg1[%dma_start3A_418, %dma_start3A_419] : memref<1024x16384xf32, #tpu.memory_space<any>> -> memref<4x16384xf32, #tpu.memory_space<any>>
    tpu.enqueue_dma source(%arg2 : memref<4x16384xf32, #tpu.memory_space<vmem>>) target(%dma_start3A_420 : memref<4x16384xf32, #tpu.memory_space<any>>) target_semaphore(%arg3 : memref<!tpu.dma_semaphore, #tpu.memory_space<semaphore_mem>>)
    %dma_start3A_421 = arith.constant 556 : i32
    %dma_start3A_422 = arith.constant 0 : i32
    %dma_start3A_423 = tpu.memref_slice %arg1[%dma_start3A_421, %dma_start3A_422] : memref<1024x16384xf32, #tpu.memory_space<any>> -> memref<4x16384xf32, #tpu.memory_space<any>>
    tpu.enqueue_dma source(%arg2 : memref<4x16384xf32, #tpu.memory_space<vmem>>) target(%dma_start3A_423 : memref<4x16384xf32, #tpu.memory_space<any>>) target_semaphore(%arg3 : memref<!tpu.dma_semaphore, #tpu.memory_space<semaphore_mem>>)
    %dma_start3A_424 = arith.constant 560 : i32
    %dma_start3A_425 = arith.constant 0 : i32
    %dma_start3A_426 = tpu.memref_slice %arg1[%dma_start3A_424, %dma_start3A_425] : memref<1024x16384xf32, #tpu.memory_space<any>> -> memref<4x16384xf32, #tpu.memory_space<any>>
    tpu.enqueue_dma source(%arg2 : memref<4x16384xf32, #tpu.memory_space<vmem>>) target(%dma_start3A_426 : memref<4x16384xf32, #tpu.memory_space<any>>) target_semaphore(%arg3 : memref<!tpu.dma_semaphore, #tpu.memory_space<semaphore_mem>>)
    %dma_start3A_427 = arith.constant 564 : i32
    %dma_start3A_428 = arith.constant 0 : i32
    %dma_start3A_429 = tpu.memref_slice %arg1[%dma_start3A_427, %dma_start3A_428] : memref<1024x16384xf32, #tpu.memory_space<any>> -> memref<4x16384xf32, #tpu.memory_space<any>>
    tpu.enqueue_dma source(%arg2 : memref<4x16384xf32, #tpu.memory_space<vmem>>) target(%dma_start3A_429 : memref<4x16384xf32, #tpu.memory_space<any>>) target_semaphore(%arg3 : memref<!tpu.dma_semaphore, #tpu.memory_space<semaphore_mem>>)
    %dma_start3A_430 = arith.constant 568 : i32
    %dma_start3A_431 = arith.constant 0 : i32
    %dma_start3A_432 = tpu.memref_slice %arg1[%dma_start3A_430, %dma_start3A_431] : memref<1024x16384xf32, #tpu.memory_space<any>> -> memref<4x16384xf32, #tpu.memory_space<any>>
    tpu.enqueue_dma source(%arg2 : memref<4x16384xf32, #tpu.memory_space<vmem>>) target(%dma_start3A_432 : memref<4x16384xf32, #tpu.memory_space<any>>) target_semaphore(%arg3 : memref<!tpu.dma_semaphore, #tpu.memory_space<semaphore_mem>>)
    %dma_start3A_433 = arith.constant 572 : i32
    %dma_start3A_434 = arith.constant 0 : i32
    %dma_start3A_435 = tpu.memref_slice %arg1[%dma_start3A_433, %dma_start3A_434] : memref<1024x16384xf32, #tpu.memory_space<any>> -> memref<4x16384xf32, #tpu.memory_space<any>>
    tpu.enqueue_dma source(%arg2 : memref<4x16384xf32, #tpu.memory_space<vmem>>) target(%dma_start3A_435 : memref<4x16384xf32, #tpu.memory_space<any>>) target_semaphore(%arg3 : memref<!tpu.dma_semaphore, #tpu.memory_space<semaphore_mem>>)
    %dma_start3A_436 = arith.constant 576 : i32
    %dma_start3A_437 = arith.constant 0 : i32
    %dma_start3A_438 = tpu.memref_slice %arg1[%dma_start3A_436, %dma_start3A_437] : memref<1024x16384xf32, #tpu.memory_space<any>> -> memref<4x16384xf32, #tpu.memory_space<any>>
    tpu.enqueue_dma source(%arg2 : memref<4x16384xf32, #tpu.memory_space<vmem>>) target(%dma_start3A_438 : memref<4x16384xf32, #tpu.memory_space<any>>) target_semaphore(%arg3 : memref<!tpu.dma_semaphore, #tpu.memory_space<semaphore_mem>>)
    %dma_start3A_439 = arith.constant 580 : i32
    %dma_start3A_440 = arith.constant 0 : i32
    %dma_start3A_441 = tpu.memref_slice %arg1[%dma_start3A_439, %dma_start3A_440] : memref<1024x16384xf32, #tpu.memory_space<any>> -> memref<4x16384xf32, #tpu.memory_space<any>>
    tpu.enqueue_dma source(%arg2 : memref<4x16384xf32, #tpu.memory_space<vmem>>) target(%dma_start3A_441 : memref<4x16384xf32, #tpu.memory_space<any>>) target_semaphore(%arg3 : memref<!tpu.dma_semaphore, #tpu.memory_space<semaphore_mem>>)
    %dma_start3A_442 = arith.constant 584 : i32
    %dma_start3A_443 = arith.constant 0 : i32
    %dma_start3A_444 = tpu.memref_slice %arg1[%dma_start3A_442, %dma_start3A_443] : memref<1024x16384xf32, #tpu.memory_space<any>> -> memref<4x16384xf32, #tpu.memory_space<any>>
    tpu.enqueue_dma source(%arg2 : memref<4x16384xf32, #tpu.memory_space<vmem>>) target(%dma_start3A_444 : memref<4x16384xf32, #tpu.memory_space<any>>) target_semaphore(%arg3 : memref<!tpu.dma_semaphore, #tpu.memory_space<semaphore_mem>>)
    %dma_start3A_445 = arith.constant 588 : i32
    %dma_start3A_446 = arith.constant 0 : i32
    %dma_start3A_447 = tpu.memref_slice %arg1[%dma_start3A_445, %dma_start3A_446] : memref<1024x16384xf32, #tpu.memory_space<any>> -> memref<4x16384xf32, #tpu.memory_space<any>>
    tpu.enqueue_dma source(%arg2 : memref<4x16384xf32, #tpu.memory_space<vmem>>) target(%dma_start3A_447 : memref<4x16384xf32, #tpu.memory_space<any>>) target_semaphore(%arg3 : memref<!tpu.dma_semaphore, #tpu.memory_space<semaphore_mem>>)
    %dma_start3A_448 = arith.constant 592 : i32
    %dma_start3A_449 = arith.constant 0 : i32
    %dma_start3A_450 = tpu.memref_slice %arg1[%dma_start3A_448, %dma_start3A_449] : memref<1024x16384xf32, #tpu.memory_space<any>> -> memref<4x16384xf32, #tpu.memory_space<any>>
    tpu.enqueue_dma source(%arg2 : memref<4x16384xf32, #tpu.memory_space<vmem>>) target(%dma_start3A_450 : memref<4x16384xf32, #tpu.memory_space<any>>) target_semaphore(%arg3 : memref<!tpu.dma_semaphore, #tpu.memory_space<semaphore_mem>>)
    %dma_start3A_451 = arith.constant 596 : i32
    %dma_start3A_452 = arith.constant 0 : i32
    %dma_start3A_453 = tpu.memref_slice %arg1[%dma_start3A_451, %dma_start3A_452] : memref<1024x16384xf32, #tpu.memory_space<any>> -> memref<4x16384xf32, #tpu.memory_space<any>>
    tpu.enqueue_dma source(%arg2 : memref<4x16384xf32, #tpu.memory_space<vmem>>) target(%dma_start3A_453 : memref<4x16384xf32, #tpu.memory_space<any>>) target_semaphore(%arg3 : memref<!tpu.dma_semaphore, #tpu.memory_space<semaphore_mem>>)
    %dma_start3A_454 = arith.constant 600 : i32
    %dma_start3A_455 = arith.constant 0 : i32
    %dma_start3A_456 = tpu.memref_slice %arg1[%dma_start3A_454, %dma_start3A_455] : memref<1024x16384xf32, #tpu.memory_space<any>> -> memref<4x16384xf32, #tpu.memory_space<any>>
    tpu.enqueue_dma source(%arg2 : memref<4x16384xf32, #tpu.memory_space<vmem>>) target(%dma_start3A_456 : memref<4x16384xf32, #tpu.memory_space<any>>) target_semaphore(%arg3 : memref<!tpu.dma_semaphore, #tpu.memory_space<semaphore_mem>>)
    %dma_start3A_457 = arith.constant 604 : i32
    %dma_start3A_458 = arith.constant 0 : i32
    %dma_start3A_459 = tpu.memref_slice %arg1[%dma_start3A_457, %dma_start3A_458] : memref<1024x16384xf32, #tpu.memory_space<any>> -> memref<4x16384xf32, #tpu.memory_space<any>>
    tpu.enqueue_dma source(%arg2 : memref<4x16384xf32, #tpu.memory_space<vmem>>) target(%dma_start3A_459 : memref<4x16384xf32, #tpu.memory_space<any>>) target_semaphore(%arg3 : memref<!tpu.dma_semaphore, #tpu.memory_space<semaphore_mem>>)
    %dma_start3A_460 = arith.constant 608 : i32
    %dma_start3A_461 = arith.constant 0 : i32
    %dma_start3A_462 = tpu.memref_slice %arg1[%dma_start3A_460, %dma_start3A_461] : memref<1024x16384xf32, #tpu.memory_space<any>> -> memref<4x16384xf32, #tpu.memory_space<any>>
    tpu.enqueue_dma source(%arg2 : memref<4x16384xf32, #tpu.memory_space<vmem>>) target(%dma_start3A_462 : memref<4x16384xf32, #tpu.memory_space<any>>) target_semaphore(%arg3 : memref<!tpu.dma_semaphore, #tpu.memory_space<semaphore_mem>>)
    %dma_start3A_463 = arith.constant 612 : i32
    %dma_start3A_464 = arith.constant 0 : i32
    %dma_start3A_465 = tpu.memref_slice %arg1[%dma_start3A_463, %dma_start3A_464] : memref<1024x16384xf32, #tpu.memory_space<any>> -> memref<4x16384xf32, #tpu.memory_space<any>>
    tpu.enqueue_dma source(%arg2 : memref<4x16384xf32, #tpu.memory_space<vmem>>) target(%dma_start3A_465 : memref<4x16384xf32, #tpu.memory_space<any>>) target_semaphore(%arg3 : memref<!tpu.dma_semaphore, #tpu.memory_space<semaphore_mem>>)
    %dma_start3A_466 = arith.constant 616 : i32
    %dma_start3A_467 = arith.constant 0 : i32
    %dma_start3A_468 = tpu.memref_slice %arg1[%dma_start3A_466, %dma_start3A_467] : memref<1024x16384xf32, #tpu.memory_space<any>> -> memref<4x16384xf32, #tpu.memory_space<any>>
    tpu.enqueue_dma source(%arg2 : memref<4x16384xf32, #tpu.memory_space<vmem>>) target(%dma_start3A_468 : memref<4x16384xf32, #tpu.memory_space<any>>) target_semaphore(%arg3 : memref<!tpu.dma_semaphore, #tpu.memory_space<semaphore_mem>>)
    %dma_start3A_469 = arith.constant 620 : i32
    %dma_start3A_470 = arith.constant 0 : i32
    %dma_start3A_471 = tpu.memref_slice %arg1[%dma_start3A_469, %dma_start3A_470] : memref<1024x16384xf32, #tpu.memory_space<any>> -> memref<4x16384xf32, #tpu.memory_space<any>>
    tpu.enqueue_dma source(%arg2 : memref<4x16384xf32, #tpu.memory_space<vmem>>) target(%dma_start3A_471 : memref<4x16384xf32, #tpu.memory_space<any>>) target_semaphore(%arg3 : memref<!tpu.dma_semaphore, #tpu.memory_space<semaphore_mem>>)
    %dma_start3A_472 = arith.constant 624 : i32
    %dma_start3A_473 = arith.constant 0 : i32
    %dma_start3A_474 = tpu.memref_slice %arg1[%dma_start3A_472, %dma_start3A_473] : memref<1024x16384xf32, #tpu.memory_space<any>> -> memref<4x16384xf32, #tpu.memory_space<any>>
    tpu.enqueue_dma source(%arg2 : memref<4x16384xf32, #tpu.memory_space<vmem>>) target(%dma_start3A_474 : memref<4x16384xf32, #tpu.memory_space<any>>) target_semaphore(%arg3 : memref<!tpu.dma_semaphore, #tpu.memory_space<semaphore_mem>>)
    %dma_start3A_475 = arith.constant 628 : i32
    %dma_start3A_476 = arith.constant 0 : i32
    %dma_start3A_477 = tpu.memref_slice %arg1[%dma_start3A_475, %dma_start3A_476] : memref<1024x16384xf32, #tpu.memory_space<any>> -> memref<4x16384xf32, #tpu.memory_space<any>>
    tpu.enqueue_dma source(%arg2 : memref<4x16384xf32, #tpu.memory_space<vmem>>) target(%dma_start3A_477 : memref<4x16384xf32, #tpu.memory_space<any>>) target_semaphore(%arg3 : memref<!tpu.dma_semaphore, #tpu.memory_space<semaphore_mem>>)
    %dma_start3A_478 = arith.constant 632 : i32
    %dma_start3A_479 = arith.constant 0 : i32
    %dma_start3A_480 = tpu.memref_slice %arg1[%dma_start3A_478, %dma_start3A_479] : memref<1024x16384xf32, #tpu.memory_space<any>> -> memref<4x16384xf32, #tpu.memory_space<any>>
    tpu.enqueue_dma source(%arg2 : memref<4x16384xf32, #tpu.memory_space<vmem>>) target(%dma_start3A_480 : memref<4x16384xf32, #tpu.memory_space<any>>) target_semaphore(%arg3 : memref<!tpu.dma_semaphore, #tpu.memory_space<semaphore_mem>>)
    %dma_start3A_481 = arith.constant 636 : i32
    %dma_start3A_482 = arith.constant 0 : i32
    %dma_start3A_483 = tpu.memref_slice %arg1[%dma_start3A_481, %dma_start3A_482] : memref<1024x16384xf32, #tpu.memory_space<any>> -> memref<4x16384xf32, #tpu.memory_space<any>>
    tpu.enqueue_dma source(%arg2 : memref<4x16384xf32, #tpu.memory_space<vmem>>) target(%dma_start3A_483 : memref<4x16384xf32, #tpu.memory_space<any>>) target_semaphore(%arg3 : memref<!tpu.dma_semaphore, #tpu.memory_space<semaphore_mem>>)
    %dma_start3A_484 = arith.constant 640 : i32
    %dma_start3A_485 = arith.constant 0 : i32
    %dma_start3A_486 = tpu.memref_slice %arg1[%dma_start3A_484, %dma_start3A_485] : memref<1024x16384xf32, #tpu.memory_space<any>> -> memref<4x16384xf32, #tpu.memory_space<any>>
    tpu.enqueue_dma source(%arg2 : memref<4x16384xf32, #tpu.memory_space<vmem>>) target(%dma_start3A_486 : memref<4x16384xf32, #tpu.memory_space<any>>) target_semaphore(%arg3 : memref<!tpu.dma_semaphore, #tpu.memory_space<semaphore_mem>>)
    %dma_start3A_487 = arith.constant 644 : i32
    %dma_start3A_488 = arith.constant 0 : i32
    %dma_start3A_489 = tpu.memref_slice %arg1[%dma_start3A_487, %dma_start3A_488] : memref<1024x16384xf32, #tpu.memory_space<any>> -> memref<4x16384xf32, #tpu.memory_space<any>>
    tpu.enqueue_dma source(%arg2 : memref<4x16384xf32, #tpu.memory_space<vmem>>) target(%dma_start3A_489 : memref<4x16384xf32, #tpu.memory_space<any>>) target_semaphore(%arg3 : memref<!tpu.dma_semaphore, #tpu.memory_space<semaphore_mem>>)
    %dma_start3A_490 = arith.constant 648 : i32
    %dma_start3A_491 = arith.constant 0 : i32
    %dma_start3A_492 = tpu.memref_slice %arg1[%dma_start3A_490, %dma_start3A_491] : memref<1024x16384xf32, #tpu.memory_space<any>> -> memref<4x16384xf32, #tpu.memory_space<any>>
    tpu.enqueue_dma source(%arg2 : memref<4x16384xf32, #tpu.memory_space<vmem>>) target(%dma_start3A_492 : memref<4x16384xf32, #tpu.memory_space<any>>) target_semaphore(%arg3 : memref<!tpu.dma_semaphore, #tpu.memory_space<semaphore_mem>>)
    %dma_start3A_493 = arith.constant 652 : i32
    %dma_start3A_494 = arith.constant 0 : i32
    %dma_start3A_495 = tpu.memref_slice %arg1[%dma_start3A_493, %dma_start3A_494] : memref<1024x16384xf32, #tpu.memory_space<any>> -> memref<4x16384xf32, #tpu.memory_space<any>>
    tpu.enqueue_dma source(%arg2 : memref<4x16384xf32, #tpu.memory_space<vmem>>) target(%dma_start3A_495 : memref<4x16384xf32, #tpu.memory_space<any>>) target_semaphore(%arg3 : memref<!tpu.dma_semaphore, #tpu.memory_space<semaphore_mem>>)
    %dma_start3A_496 = arith.constant 656 : i32
    %dma_start3A_497 = arith.constant 0 : i32
    %dma_start3A_498 = tpu.memref_slice %arg1[%dma_start3A_496, %dma_start3A_497] : memref<1024x16384xf32, #tpu.memory_space<any>> -> memref<4x16384xf32, #tpu.memory_space<any>>
    tpu.enqueue_dma source(%arg2 : memref<4x16384xf32, #tpu.memory_space<vmem>>) target(%dma_start3A_498 : memref<4x16384xf32, #tpu.memory_space<any>>) target_semaphore(%arg3 : memref<!tpu.dma_semaphore, #tpu.memory_space<semaphore_mem>>)
    %dma_start3A_499 = arith.constant 660 : i32
    %dma_start3A_500 = arith.constant 0 : i32
    %dma_start3A_501 = tpu.memref_slice %arg1[%dma_start3A_499, %dma_start3A_500] : memref<1024x16384xf32, #tpu.memory_space<any>> -> memref<4x16384xf32, #tpu.memory_space<any>>
    tpu.enqueue_dma source(%arg2 : memref<4x16384xf32, #tpu.memory_space<vmem>>) target(%dma_start3A_501 : memref<4x16384xf32, #tpu.memory_space<any>>) target_semaphore(%arg3 : memref<!tpu.dma_semaphore, #tpu.memory_space<semaphore_mem>>)
    %dma_start3A_502 = arith.constant 664 : i32
    %dma_start3A_503 = arith.constant 0 : i32
    %dma_start3A_504 = tpu.memref_slice %arg1[%dma_start3A_502, %dma_start3A_503] : memref<1024x16384xf32, #tpu.memory_space<any>> -> memref<4x16384xf32, #tpu.memory_space<any>>
    tpu.enqueue_dma source(%arg2 : memref<4x16384xf32, #tpu.memory_space<vmem>>) target(%dma_start3A_504 : memref<4x16384xf32, #tpu.memory_space<any>>) target_semaphore(%arg3 : memref<!tpu.dma_semaphore, #tpu.memory_space<semaphore_mem>>)
    %dma_start3A_505 = arith.constant 668 : i32
    %dma_start3A_506 = arith.constant 0 : i32
    %dma_start3A_507 = tpu.memref_slice %arg1[%dma_start3A_505, %dma_start3A_506] : memref<1024x16384xf32, #tpu.memory_space<any>> -> memref<4x16384xf32, #tpu.memory_space<any>>
    tpu.enqueue_dma source(%arg2 : memref<4x16384xf32, #tpu.memory_space<vmem>>) target(%dma_start3A_507 : memref<4x16384xf32, #tpu.memory_space<any>>) target_semaphore(%arg3 : memref<!tpu.dma_semaphore, #tpu.memory_space<semaphore_mem>>)
    %dma_start3A_508 = arith.constant 672 : i32
    %dma_start3A_509 = arith.constant 0 : i32
    %dma_start3A_510 = tpu.memref_slice %arg1[%dma_start3A_508, %dma_start3A_509] : memref<1024x16384xf32, #tpu.memory_space<any>> -> memref<4x16384xf32, #tpu.memory_space<any>>
    tpu.enqueue_dma source(%arg2 : memref<4x16384xf32, #tpu.memory_space<vmem>>) target(%dma_start3A_510 : memref<4x16384xf32, #tpu.memory_space<any>>) target_semaphore(%arg3 : memref<!tpu.dma_semaphore, #tpu.memory_space<semaphore_mem>>)
    %dma_start3A_511 = arith.constant 676 : i32
    %dma_start3A_512 = arith.constant 0 : i32
    %dma_start3A_513 = tpu.memref_slice %arg1[%dma_start3A_511, %dma_start3A_512] : memref<1024x16384xf32, #tpu.memory_space<any>> -> memref<4x16384xf32, #tpu.memory_space<any>>
    tpu.enqueue_dma source(%arg2 : memref<4x16384xf32, #tpu.memory_space<vmem>>) target(%dma_start3A_513 : memref<4x16384xf32, #tpu.memory_space<any>>) target_semaphore(%arg3 : memref<!tpu.dma_semaphore, #tpu.memory_space<semaphore_mem>>)
    %dma_start3A_514 = arith.constant 680 : i32
    %dma_start3A_515 = arith.constant 0 : i32
    %dma_start3A_516 = tpu.memref_slice %arg1[%dma_start3A_514, %dma_start3A_515] : memref<1024x16384xf32, #tpu.memory_space<any>> -> memref<4x16384xf32, #tpu.memory_space<any>>
    tpu.enqueue_dma source(%arg2 : memref<4x16384xf32, #tpu.memory_space<vmem>>) target(%dma_start3A_516 : memref<4x16384xf32, #tpu.memory_space<any>>) target_semaphore(%arg3 : memref<!tpu.dma_semaphore, #tpu.memory_space<semaphore_mem>>)
    %dma_start3A_517 = arith.constant 684 : i32
    %dma_start3A_518 = arith.constant 0 : i32
    %dma_start3A_519 = tpu.memref_slice %arg1[%dma_start3A_517, %dma_start3A_518] : memref<1024x16384xf32, #tpu.memory_space<any>> -> memref<4x16384xf32, #tpu.memory_space<any>>
    tpu.enqueue_dma source(%arg2 : memref<4x16384xf32, #tpu.memory_space<vmem>>) target(%dma_start3A_519 : memref<4x16384xf32, #tpu.memory_space<any>>) target_semaphore(%arg3 : memref<!tpu.dma_semaphore, #tpu.memory_space<semaphore_mem>>)
    %dma_start3A_520 = arith.constant 688 : i32
    %dma_start3A_521 = arith.constant 0 : i32
    %dma_start3A_522 = tpu.memref_slice %arg1[%dma_start3A_520, %dma_start3A_521] : memref<1024x16384xf32, #tpu.memory_space<any>> -> memref<4x16384xf32, #tpu.memory_space<any>>
    tpu.enqueue_dma source(%arg2 : memref<4x16384xf32, #tpu.memory_space<vmem>>) target(%dma_start3A_522 : memref<4x16384xf32, #tpu.memory_space<any>>) target_semaphore(%arg3 : memref<!tpu.dma_semaphore, #tpu.memory_space<semaphore_mem>>)
    %dma_start3A_523 = arith.constant 692 : i32
    %dma_start3A_524 = arith.constant 0 : i32
    %dma_start3A_525 = tpu.memref_slice %arg1[%dma_start3A_523, %dma_start3A_524] : memref<1024x16384xf32, #tpu.memory_space<any>> -> memref<4x16384xf32, #tpu.memory_space<any>>
    tpu.enqueue_dma source(%arg2 : memref<4x16384xf32, #tpu.memory_space<vmem>>) target(%dma_start3A_525 : memref<4x16384xf32, #tpu.memory_space<any>>) target_semaphore(%arg3 : memref<!tpu.dma_semaphore, #tpu.memory_space<semaphore_mem>>)
    %dma_start3A_526 = arith.constant 696 : i32
    %dma_start3A_527 = arith.constant 0 : i32
    %dma_start3A_528 = tpu.memref_slice %arg1[%dma_start3A_526, %dma_start3A_527] : memref<1024x16384xf32, #tpu.memory_space<any>> -> memref<4x16384xf32, #tpu.memory_space<any>>
    tpu.enqueue_dma source(%arg2 : memref<4x16384xf32, #tpu.memory_space<vmem>>) target(%dma_start3A_528 : memref<4x16384xf32, #tpu.memory_space<any>>) target_semaphore(%arg3 : memref<!tpu.dma_semaphore, #tpu.memory_space<semaphore_mem>>)
    %dma_start3A_529 = arith.constant 700 : i32
    %dma_start3A_530 = arith.constant 0 : i32
    %dma_start3A_531 = tpu.memref_slice %arg1[%dma_start3A_529, %dma_start3A_530] : memref<1024x16384xf32, #tpu.memory_space<any>> -> memref<4x16384xf32, #tpu.memory_space<any>>
    tpu.enqueue_dma source(%arg2 : memref<4x16384xf32, #tpu.memory_space<vmem>>) target(%dma_start3A_531 : memref<4x16384xf32, #tpu.memory_space<any>>) target_semaphore(%arg3 : memref<!tpu.dma_semaphore, #tpu.memory_space<semaphore_mem>>)
    %dma_start3A_532 = arith.constant 704 : i32
    %dma_start3A_533 = arith.constant 0 : i32
    %dma_start3A_534 = tpu.memref_slice %arg1[%dma_start3A_532, %dma_start3A_533] : memref<1024x16384xf32, #tpu.memory_space<any>> -> memref<4x16384xf32, #tpu.memory_space<any>>
    tpu.enqueue_dma source(%arg2 : memref<4x16384xf32, #tpu.memory_space<vmem>>) target(%dma_start3A_534 : memref<4x16384xf32, #tpu.memory_space<any>>) target_semaphore(%arg3 : memref<!tpu.dma_semaphore, #tpu.memory_space<semaphore_mem>>)
    %dma_start3A_535 = arith.constant 708 : i32
    %dma_start3A_536 = arith.constant 0 : i32
    %dma_start3A_537 = tpu.memref_slice %arg1[%dma_start3A_535, %dma_start3A_536] : memref<1024x16384xf32, #tpu.memory_space<any>> -> memref<4x16384xf32, #tpu.memory_space<any>>
    tpu.enqueue_dma source(%arg2 : memref<4x16384xf32, #tpu.memory_space<vmem>>) target(%dma_start3A_537 : memref<4x16384xf32, #tpu.memory_space<any>>) target_semaphore(%arg3 : memref<!tpu.dma_semaphore, #tpu.memory_space<semaphore_mem>>)
    %dma_start3A_538 = arith.constant 712 : i32
    %dma_start3A_539 = arith.constant 0 : i32
    %dma_start3A_540 = tpu.memref_slice %arg1[%dma_start3A_538, %dma_start3A_539] : memref<1024x16384xf32, #tpu.memory_space<any>> -> memref<4x16384xf32, #tpu.memory_space<any>>
    tpu.enqueue_dma source(%arg2 : memref<4x16384xf32, #tpu.memory_space<vmem>>) target(%dma_start3A_540 : memref<4x16384xf32, #tpu.memory_space<any>>) target_semaphore(%arg3 : memref<!tpu.dma_semaphore, #tpu.memory_space<semaphore_mem>>)
    %dma_start3A_541 = arith.constant 716 : i32
    %dma_start3A_542 = arith.constant 0 : i32
    %dma_start3A_543 = tpu.memref_slice %arg1[%dma_start3A_541, %dma_start3A_542] : memref<1024x16384xf32, #tpu.memory_space<any>> -> memref<4x16384xf32, #tpu.memory_space<any>>
    tpu.enqueue_dma source(%arg2 : memref<4x16384xf32, #tpu.memory_space<vmem>>) target(%dma_start3A_543 : memref<4x16384xf32, #tpu.memory_space<any>>) target_semaphore(%arg3 : memref<!tpu.dma_semaphore, #tpu.memory_space<semaphore_mem>>)
    %dma_start3A_544 = arith.constant 720 : i32
    %dma_start3A_545 = arith.constant 0 : i32
    %dma_start3A_546 = tpu.memref_slice %arg1[%dma_start3A_544, %dma_start3A_545] : memref<1024x16384xf32, #tpu.memory_space<any>> -> memref<4x16384xf32, #tpu.memory_space<any>>
    tpu.enqueue_dma source(%arg2 : memref<4x16384xf32, #tpu.memory_space<vmem>>) target(%dma_start3A_546 : memref<4x16384xf32, #tpu.memory_space<any>>) target_semaphore(%arg3 : memref<!tpu.dma_semaphore, #tpu.memory_space<semaphore_mem>>)
    %dma_start3A_547 = arith.constant 724 : i32
    %dma_start3A_548 = arith.constant 0 : i32
    %dma_start3A_549 = tpu.memref_slice %arg1[%dma_start3A_547, %dma_start3A_548] : memref<1024x16384xf32, #tpu.memory_space<any>> -> memref<4x16384xf32, #tpu.memory_space<any>>
    tpu.enqueue_dma source(%arg2 : memref<4x16384xf32, #tpu.memory_space<vmem>>) target(%dma_start3A_549 : memref<4x16384xf32, #tpu.memory_space<any>>) target_semaphore(%arg3 : memref<!tpu.dma_semaphore, #tpu.memory_space<semaphore_mem>>)
    %dma_start3A_550 = arith.constant 728 : i32
    %dma_start3A_551 = arith.constant 0 : i32
    %dma_start3A_552 = tpu.memref_slice %arg1[%dma_start3A_550, %dma_start3A_551] : memref<1024x16384xf32, #tpu.memory_space<any>> -> memref<4x16384xf32, #tpu.memory_space<any>>
    tpu.enqueue_dma source(%arg2 : memref<4x16384xf32, #tpu.memory_space<vmem>>) target(%dma_start3A_552 : memref<4x16384xf32, #tpu.memory_space<any>>) target_semaphore(%arg3 : memref<!tpu.dma_semaphore, #tpu.memory_space<semaphore_mem>>)
    %dma_start3A_553 = arith.constant 732 : i32
    %dma_start3A_554 = arith.constant 0 : i32
    %dma_start3A_555 = tpu.memref_slice %arg1[%dma_start3A_553, %dma_start3A_554] : memref<1024x16384xf32, #tpu.memory_space<any>> -> memref<4x16384xf32, #tpu.memory_space<any>>
    tpu.enqueue_dma source(%arg2 : memref<4x16384xf32, #tpu.memory_space<vmem>>) target(%dma_start3A_555 : memref<4x16384xf32, #tpu.memory_space<any>>) target_semaphore(%arg3 : memref<!tpu.dma_semaphore, #tpu.memory_space<semaphore_mem>>)
    %dma_start3A_556 = arith.constant 736 : i32
    %dma_start3A_557 = arith.constant 0 : i32
    %dma_start3A_558 = tpu.memref_slice %arg1[%dma_start3A_556, %dma_start3A_557] : memref<1024x16384xf32, #tpu.memory_space<any>> -> memref<4x16384xf32, #tpu.memory_space<any>>
    tpu.enqueue_dma source(%arg2 : memref<4x16384xf32, #tpu.memory_space<vmem>>) target(%dma_start3A_558 : memref<4x16384xf32, #tpu.memory_space<any>>) target_semaphore(%arg3 : memref<!tpu.dma_semaphore, #tpu.memory_space<semaphore_mem>>)
    %dma_start3A_559 = arith.constant 740 : i32
    %dma_start3A_560 = arith.constant 0 : i32
    %dma_start3A_561 = tpu.memref_slice %arg1[%dma_start3A_559, %dma_start3A_560] : memref<1024x16384xf32, #tpu.memory_space<any>> -> memref<4x16384xf32, #tpu.memory_space<any>>
    tpu.enqueue_dma source(%arg2 : memref<4x16384xf32, #tpu.memory_space<vmem>>) target(%dma_start3A_561 : memref<4x16384xf32, #tpu.memory_space<any>>) target_semaphore(%arg3 : memref<!tpu.dma_semaphore, #tpu.memory_space<semaphore_mem>>)
    %dma_start3A_562 = arith.constant 744 : i32
    %dma_start3A_563 = arith.constant 0 : i32
    %dma_start3A_564 = tpu.memref_slice %arg1[%dma_start3A_562, %dma_start3A_563] : memref<1024x16384xf32, #tpu.memory_space<any>> -> memref<4x16384xf32, #tpu.memory_space<any>>
    tpu.enqueue_dma source(%arg2 : memref<4x16384xf32, #tpu.memory_space<vmem>>) target(%dma_start3A_564 : memref<4x16384xf32, #tpu.memory_space<any>>) target_semaphore(%arg3 : memref<!tpu.dma_semaphore, #tpu.memory_space<semaphore_mem>>)
    %dma_start3A_565 = arith.constant 748 : i32
    %dma_start3A_566 = arith.constant 0 : i32
    %dma_start3A_567 = tpu.memref_slice %arg1[%dma_start3A_565, %dma_start3A_566] : memref<1024x16384xf32, #tpu.memory_space<any>> -> memref<4x16384xf32, #tpu.memory_space<any>>
    tpu.enqueue_dma source(%arg2 : memref<4x16384xf32, #tpu.memory_space<vmem>>) target(%dma_start3A_567 : memref<4x16384xf32, #tpu.memory_space<any>>) target_semaphore(%arg3 : memref<!tpu.dma_semaphore, #tpu.memory_space<semaphore_mem>>)
    %dma_start3A_568 = arith.constant 752 : i32
    %dma_start3A_569 = arith.constant 0 : i32
    %dma_start3A_570 = tpu.memref_slice %arg1[%dma_start3A_568, %dma_start3A_569] : memref<1024x16384xf32, #tpu.memory_space<any>> -> memref<4x16384xf32, #tpu.memory_space<any>>
    tpu.enqueue_dma source(%arg2 : memref<4x16384xf32, #tpu.memory_space<vmem>>) target(%dma_start3A_570 : memref<4x16384xf32, #tpu.memory_space<any>>) target_semaphore(%arg3 : memref<!tpu.dma_semaphore, #tpu.memory_space<semaphore_mem>>)
    %dma_start3A_571 = arith.constant 756 : i32
    %dma_start3A_572 = arith.constant 0 : i32
    %dma_start3A_573 = tpu.memref_slice %arg1[%dma_start3A_571, %dma_start3A_572] : memref<1024x16384xf32, #tpu.memory_space<any>> -> memref<4x16384xf32, #tpu.memory_space<any>>
    tpu.enqueue_dma source(%arg2 : memref<4x16384xf32, #tpu.memory_space<vmem>>) target(%dma_start3A_573 : memref<4x16384xf32, #tpu.memory_space<any>>) target_semaphore(%arg3 : memref<!tpu.dma_semaphore, #tpu.memory_space<semaphore_mem>>)
    %dma_start3A_574 = arith.constant 760 : i32
    %dma_start3A_575 = arith.constant 0 : i32
    %dma_start3A_576 = tpu.memref_slice %arg1[%dma_start3A_574, %dma_start3A_575] : memref<1024x16384xf32, #tpu.memory_space<any>> -> memref<4x16384xf32, #tpu.memory_space<any>>
    tpu.enqueue_dma source(%arg2 : memref<4x16384xf32, #tpu.memory_space<vmem>>) target(%dma_start3A_576 : memref<4x16384xf32, #tpu.memory_space<any>>) target_semaphore(%arg3 : memref<!tpu.dma_semaphore, #tpu.memory_space<semaphore_mem>>)
    %dma_start3A_577 = arith.constant 764 : i32
    %dma_start3A_578 = arith.constant 0 : i32
    %dma_start3A_579 = tpu.memref_slice %arg1[%dma_start3A_577, %dma_start3A_578] : memref<1024x16384xf32, #tpu.memory_space<any>> -> memref<4x16384xf32, #tpu.memory_space<any>>
    tpu.enqueue_dma source(%arg2 : memref<4x16384xf32, #tpu.memory_space<vmem>>) target(%dma_start3A_579 : memref<4x16384xf32, #tpu.memory_space<any>>) target_semaphore(%arg3 : memref<!tpu.dma_semaphore, #tpu.memory_space<semaphore_mem>>)
    %dma_start3A_580 = arith.constant 768 : i32
    %dma_start3A_581 = arith.constant 0 : i32
    %dma_start3A_582 = tpu.memref_slice %arg1[%dma_start3A_580, %dma_start3A_581] : memref<1024x16384xf32, #tpu.memory_space<any>> -> memref<4x16384xf32, #tpu.memory_space<any>>
    tpu.enqueue_dma source(%arg2 : memref<4x16384xf32, #tpu.memory_space<vmem>>) target(%dma_start3A_582 : memref<4x16384xf32, #tpu.memory_space<any>>) target_semaphore(%arg3 : memref<!tpu.dma_semaphore, #tpu.memory_space<semaphore_mem>>)
    %dma_start3A_583 = arith.constant 772 : i32
    %dma_start3A_584 = arith.constant 0 : i32
    %dma_start3A_585 = tpu.memref_slice %arg1[%dma_start3A_583, %dma_start3A_584] : memref<1024x16384xf32, #tpu.memory_space<any>> -> memref<4x16384xf32, #tpu.memory_space<any>>
    tpu.enqueue_dma source(%arg2 : memref<4x16384xf32, #tpu.memory_space<vmem>>) target(%dma_start3A_585 : memref<4x16384xf32, #tpu.memory_space<any>>) target_semaphore(%arg3 : memref<!tpu.dma_semaphore, #tpu.memory_space<semaphore_mem>>)
    %dma_start3A_586 = arith.constant 776 : i32
    %dma_start3A_587 = arith.constant 0 : i32
    %dma_start3A_588 = tpu.memref_slice %arg1[%dma_start3A_586, %dma_start3A_587] : memref<1024x16384xf32, #tpu.memory_space<any>> -> memref<4x16384xf32, #tpu.memory_space<any>>
    tpu.enqueue_dma source(%arg2 : memref<4x16384xf32, #tpu.memory_space<vmem>>) target(%dma_start3A_588 : memref<4x16384xf32, #tpu.memory_space<any>>) target_semaphore(%arg3 : memref<!tpu.dma_semaphore, #tpu.memory_space<semaphore_mem>>)
    %dma_start3A_589 = arith.constant 780 : i32
    %dma_start3A_590 = arith.constant 0 : i32
    %dma_start3A_591 = tpu.memref_slice %arg1[%dma_start3A_589, %dma_start3A_590] : memref<1024x16384xf32, #tpu.memory_space<any>> -> memref<4x16384xf32, #tpu.memory_space<any>>
    tpu.enqueue_dma source(%arg2 : memref<4x16384xf32, #tpu.memory_space<vmem>>) target(%dma_start3A_591 : memref<4x16384xf32, #tpu.memory_space<any>>) target_semaphore(%arg3 : memref<!tpu.dma_semaphore, #tpu.memory_space<semaphore_mem>>)
    %dma_start3A_592 = arith.constant 784 : i32
    %dma_start3A_593 = arith.constant 0 : i32
    %dma_start3A_594 = tpu.memref_slice %arg1[%dma_start3A_592, %dma_start3A_593] : memref<1024x16384xf32, #tpu.memory_space<any>> -> memref<4x16384xf32, #tpu.memory_space<any>>
    tpu.enqueue_dma source(%arg2 : memref<4x16384xf32, #tpu.memory_space<vmem>>) target(%dma_start3A_594 : memref<4x16384xf32, #tpu.memory_space<any>>) target_semaphore(%arg3 : memref<!tpu.dma_semaphore, #tpu.memory_space<semaphore_mem>>)
    %dma_start3A_595 = arith.constant 788 : i32
    %dma_start3A_596 = arith.constant 0 : i32
    %dma_start3A_597 = tpu.memref_slice %arg1[%dma_start3A_595, %dma_start3A_596] : memref<1024x16384xf32, #tpu.memory_space<any>> -> memref<4x16384xf32, #tpu.memory_space<any>>
    tpu.enqueue_dma source(%arg2 : memref<4x16384xf32, #tpu.memory_space<vmem>>) target(%dma_start3A_597 : memref<4x16384xf32, #tpu.memory_space<any>>) target_semaphore(%arg3 : memref<!tpu.dma_semaphore, #tpu.memory_space<semaphore_mem>>)
    %dma_start3A_598 = arith.constant 792 : i32
    %dma_start3A_599 = arith.constant 0 : i32
    %dma_start3A_600 = tpu.memref_slice %arg1[%dma_start3A_598, %dma_start3A_599] : memref<1024x16384xf32, #tpu.memory_space<any>> -> memref<4x16384xf32, #tpu.memory_space<any>>
    tpu.enqueue_dma source(%arg2 : memref<4x16384xf32, #tpu.memory_space<vmem>>) target(%dma_start3A_600 : memref<4x16384xf32, #tpu.memory_space<any>>) target_semaphore(%arg3 : memref<!tpu.dma_semaphore, #tpu.memory_space<semaphore_mem>>)
    %dma_start3A_601 = arith.constant 796 : i32
    %dma_start3A_602 = arith.constant 0 : i32
    %dma_start3A_603 = tpu.memref_slice %arg1[%dma_start3A_601, %dma_start3A_602] : memref<1024x16384xf32, #tpu.memory_space<any>> -> memref<4x16384xf32, #tpu.memory_space<any>>
    tpu.enqueue_dma source(%arg2 : memref<4x16384xf32, #tpu.memory_space<vmem>>) target(%dma_start3A_603 : memref<4x16384xf32, #tpu.memory_space<any>>) target_semaphore(%arg3 : memref<!tpu.dma_semaphore, #tpu.memory_space<semaphore_mem>>)
    %dma_start3A_604 = arith.constant 800 : i32
    %dma_start3A_605 = arith.constant 0 : i32
    %dma_start3A_606 = tpu.memref_slice %arg1[%dma_start3A_604, %dma_start3A_605] : memref<1024x16384xf32, #tpu.memory_space<any>> -> memref<4x16384xf32, #tpu.memory_space<any>>
    tpu.enqueue_dma source(%arg2 : memref<4x16384xf32, #tpu.memory_space<vmem>>) target(%dma_start3A_606 : memref<4x16384xf32, #tpu.memory_space<any>>) target_semaphore(%arg3 : memref<!tpu.dma_semaphore, #tpu.memory_space<semaphore_mem>>)
    %dma_start3A_607 = arith.constant 804 : i32
    %dma_start3A_608 = arith.constant 0 : i32
    %dma_start3A_609 = tpu.memref_slice %arg1[%dma_start3A_607, %dma_start3A_608] : memref<1024x16384xf32, #tpu.memory_space<any>> -> memref<4x16384xf32, #tpu.memory_space<any>>
    tpu.enqueue_dma source(%arg2 : memref<4x16384xf32, #tpu.memory_space<vmem>>) target(%dma_start3A_609 : memref<4x16384xf32, #tpu.memory_space<any>>) target_semaphore(%arg3 : memref<!tpu.dma_semaphore, #tpu.memory_space<semaphore_mem>>)
    %dma_start3A_610 = arith.constant 808 : i32
    %dma_start3A_611 = arith.constant 0 : i32
    %dma_start3A_612 = tpu.memref_slice %arg1[%dma_start3A_610, %dma_start3A_611] : memref<1024x16384xf32, #tpu.memory_space<any>> -> memref<4x16384xf32, #tpu.memory_space<any>>
    tpu.enqueue_dma source(%arg2 : memref<4x16384xf32, #tpu.memory_space<vmem>>) target(%dma_start3A_612 : memref<4x16384xf32, #tpu.memory_space<any>>) target_semaphore(%arg3 : memref<!tpu.dma_semaphore, #tpu.memory_space<semaphore_mem>>)
    %dma_start3A_613 = arith.constant 812 : i32
    %dma_start3A_614 = arith.constant 0 : i32
    %dma_start3A_615 = tpu.memref_slice %arg1[%dma_start3A_613, %dma_start3A_614] : memref<1024x16384xf32, #tpu.memory_space<any>> -> memref<4x16384xf32, #tpu.memory_space<any>>
    tpu.enqueue_dma source(%arg2 : memref<4x16384xf32, #tpu.memory_space<vmem>>) target(%dma_start3A_615 : memref<4x16384xf32, #tpu.memory_space<any>>) target_semaphore(%arg3 : memref<!tpu.dma_semaphore, #tpu.memory_space<semaphore_mem>>)
    %dma_start3A_616 = arith.constant 816 : i32
    %dma_start3A_617 = arith.constant 0 : i32
    %dma_start3A_618 = tpu.memref_slice %arg1[%dma_start3A_616, %dma_start3A_617] : memref<1024x16384xf32, #tpu.memory_space<any>> -> memref<4x16384xf32, #tpu.memory_space<any>>
    tpu.enqueue_dma source(%arg2 : memref<4x16384xf32, #tpu.memory_space<vmem>>) target(%dma_start3A_618 : memref<4x16384xf32, #tpu.memory_space<any>>) target_semaphore(%arg3 : memref<!tpu.dma_semaphore, #tpu.memory_space<semaphore_mem>>)
    %dma_start3A_619 = arith.constant 820 : i32
    %dma_start3A_620 = arith.constant 0 : i32
    %dma_start3A_621 = tpu.memref_slice %arg1[%dma_start3A_619, %dma_start3A_620] : memref<1024x16384xf32, #tpu.memory_space<any>> -> memref<4x16384xf32, #tpu.memory_space<any>>
    tpu.enqueue_dma source(%arg2 : memref<4x16384xf32, #tpu.memory_space<vmem>>) target(%dma_start3A_621 : memref<4x16384xf32, #tpu.memory_space<any>>) target_semaphore(%arg3 : memref<!tpu.dma_semaphore, #tpu.memory_space<semaphore_mem>>)
    %dma_start3A_622 = arith.constant 824 : i32
    %dma_start3A_623 = arith.constant 0 : i32
    %dma_start3A_624 = tpu.memref_slice %arg1[%dma_start3A_622, %dma_start3A_623] : memref<1024x16384xf32, #tpu.memory_space<any>> -> memref<4x16384xf32, #tpu.memory_space<any>>
    tpu.enqueue_dma source(%arg2 : memref<4x16384xf32, #tpu.memory_space<vmem>>) target(%dma_start3A_624 : memref<4x16384xf32, #tpu.memory_space<any>>) target_semaphore(%arg3 : memref<!tpu.dma_semaphore, #tpu.memory_space<semaphore_mem>>)
    %dma_start3A_625 = arith.constant 828 : i32
    %dma_start3A_626 = arith.constant 0 : i32
    %dma_start3A_627 = tpu.memref_slice %arg1[%dma_start3A_625, %dma_start3A_626] : memref<1024x16384xf32, #tpu.memory_space<any>> -> memref<4x16384xf32, #tpu.memory_space<any>>
    tpu.enqueue_dma source(%arg2 : memref<4x16384xf32, #tpu.memory_space<vmem>>) target(%dma_start3A_627 : memref<4x16384xf32, #tpu.memory_space<any>>) target_semaphore(%arg3 : memref<!tpu.dma_semaphore, #tpu.memory_space<semaphore_mem>>)
    %dma_start3A_628 = arith.constant 832 : i32
    %dma_start3A_629 = arith.constant 0 : i32
    %dma_start3A_630 = tpu.memref_slice %arg1[%dma_start3A_628, %dma_start3A_629] : memref<1024x16384xf32, #tpu.memory_space<any>> -> memref<4x16384xf32, #tpu.memory_space<any>>
    tpu.enqueue_dma source(%arg2 : memref<4x16384xf32, #tpu.memory_space<vmem>>) target(%dma_start3A_630 : memref<4x16384xf32, #tpu.memory_space<any>>) target_semaphore(%arg3 : memref<!tpu.dma_semaphore, #tpu.memory_space<semaphore_mem>>)
    %dma_start3A_631 = arith.constant 836 : i32
    %dma_start3A_632 = arith.constant 0 : i32
    %dma_start3A_633 = tpu.memref_slice %arg1[%dma_start3A_631, %dma_start3A_632] : memref<1024x16384xf32, #tpu.memory_space<any>> -> memref<4x16384xf32, #tpu.memory_space<any>>
    tpu.enqueue_dma source(%arg2 : memref<4x16384xf32, #tpu.memory_space<vmem>>) target(%dma_start3A_633 : memref<4x16384xf32, #tpu.memory_space<any>>) target_semaphore(%arg3 : memref<!tpu.dma_semaphore, #tpu.memory_space<semaphore_mem>>)
    %dma_start3A_634 = arith.constant 840 : i32
    %dma_start3A_635 = arith.constant 0 : i32
    %dma_start3A_636 = tpu.memref_slice %arg1[%dma_start3A_634, %dma_start3A_635] : memref<1024x16384xf32, #tpu.memory_space<any>> -> memref<4x16384xf32, #tpu.memory_space<any>>
    tpu.enqueue_dma source(%arg2 : memref<4x16384xf32, #tpu.memory_space<vmem>>) target(%dma_start3A_636 : memref<4x16384xf32, #tpu.memory_space<any>>) target_semaphore(%arg3 : memref<!tpu.dma_semaphore, #tpu.memory_space<semaphore_mem>>)
    %dma_start3A_637 = arith.constant 844 : i32
    %dma_start3A_638 = arith.constant 0 : i32
    %dma_start3A_639 = tpu.memref_slice %arg1[%dma_start3A_637, %dma_start3A_638] : memref<1024x16384xf32, #tpu.memory_space<any>> -> memref<4x16384xf32, #tpu.memory_space<any>>
    tpu.enqueue_dma source(%arg2 : memref<4x16384xf32, #tpu.memory_space<vmem>>) target(%dma_start3A_639 : memref<4x16384xf32, #tpu.memory_space<any>>) target_semaphore(%arg3 : memref<!tpu.dma_semaphore, #tpu.memory_space<semaphore_mem>>)
    %dma_start3A_640 = arith.constant 848 : i32
    %dma_start3A_641 = arith.constant 0 : i32
    %dma_start3A_642 = tpu.memref_slice %arg1[%dma_start3A_640, %dma_start3A_641] : memref<1024x16384xf32, #tpu.memory_space<any>> -> memref<4x16384xf32, #tpu.memory_space<any>>
    tpu.enqueue_dma source(%arg2 : memref<4x16384xf32, #tpu.memory_space<vmem>>) target(%dma_start3A_642 : memref<4x16384xf32, #tpu.memory_space<any>>) target_semaphore(%arg3 : memref<!tpu.dma_semaphore, #tpu.memory_space<semaphore_mem>>)
    %dma_start3A_643 = arith.constant 852 : i32
    %dma_start3A_644 = arith.constant 0 : i32
    %dma_start3A_645 = tpu.memref_slice %arg1[%dma_start3A_643, %dma_start3A_644] : memref<1024x16384xf32, #tpu.memory_space<any>> -> memref<4x16384xf32, #tpu.memory_space<any>>
    tpu.enqueue_dma source(%arg2 : memref<4x16384xf32, #tpu.memory_space<vmem>>) target(%dma_start3A_645 : memref<4x16384xf32, #tpu.memory_space<any>>) target_semaphore(%arg3 : memref<!tpu.dma_semaphore, #tpu.memory_space<semaphore_mem>>)
    %dma_start3A_646 = arith.constant 856 : i32
    %dma_start3A_647 = arith.constant 0 : i32
    %dma_start3A_648 = tpu.memref_slice %arg1[%dma_start3A_646, %dma_start3A_647] : memref<1024x16384xf32, #tpu.memory_space<any>> -> memref<4x16384xf32, #tpu.memory_space<any>>
    tpu.enqueue_dma source(%arg2 : memref<4x16384xf32, #tpu.memory_space<vmem>>) target(%dma_start3A_648 : memref<4x16384xf32, #tpu.memory_space<any>>) target_semaphore(%arg3 : memref<!tpu.dma_semaphore, #tpu.memory_space<semaphore_mem>>)
    %dma_start3A_649 = arith.constant 860 : i32
    %dma_start3A_650 = arith.constant 0 : i32
    %dma_start3A_651 = tpu.memref_slice %arg1[%dma_start3A_649, %dma_start3A_650] : memref<1024x16384xf32, #tpu.memory_space<any>> -> memref<4x16384xf32, #tpu.memory_space<any>>
    tpu.enqueue_dma source(%arg2 : memref<4x16384xf32, #tpu.memory_space<vmem>>) target(%dma_start3A_651 : memref<4x16384xf32, #tpu.memory_space<any>>) target_semaphore(%arg3 : memref<!tpu.dma_semaphore, #tpu.memory_space<semaphore_mem>>)
    %dma_start3A_652 = arith.constant 864 : i32
    %dma_start3A_653 = arith.constant 0 : i32
    %dma_start3A_654 = tpu.memref_slice %arg1[%dma_start3A_652, %dma_start3A_653] : memref<1024x16384xf32, #tpu.memory_space<any>> -> memref<4x16384xf32, #tpu.memory_space<any>>
    tpu.enqueue_dma source(%arg2 : memref<4x16384xf32, #tpu.memory_space<vmem>>) target(%dma_start3A_654 : memref<4x16384xf32, #tpu.memory_space<any>>) target_semaphore(%arg3 : memref<!tpu.dma_semaphore, #tpu.memory_space<semaphore_mem>>)
    %dma_start3A_655 = arith.constant 868 : i32
    %dma_start3A_656 = arith.constant 0 : i32
    %dma_start3A_657 = tpu.memref_slice %arg1[%dma_start3A_655, %dma_start3A_656] : memref<1024x16384xf32, #tpu.memory_space<any>> -> memref<4x16384xf32, #tpu.memory_space<any>>
    tpu.enqueue_dma source(%arg2 : memref<4x16384xf32, #tpu.memory_space<vmem>>) target(%dma_start3A_657 : memref<4x16384xf32, #tpu.memory_space<any>>) target_semaphore(%arg3 : memref<!tpu.dma_semaphore, #tpu.memory_space<semaphore_mem>>)
    %dma_start3A_658 = arith.constant 872 : i32
    %dma_start3A_659 = arith.constant 0 : i32
    %dma_start3A_660 = tpu.memref_slice %arg1[%dma_start3A_658, %dma_start3A_659] : memref<1024x16384xf32, #tpu.memory_space<any>> -> memref<4x16384xf32, #tpu.memory_space<any>>
    tpu.enqueue_dma source(%arg2 : memref<4x16384xf32, #tpu.memory_space<vmem>>) target(%dma_start3A_660 : memref<4x16384xf32, #tpu.memory_space<any>>) target_semaphore(%arg3 : memref<!tpu.dma_semaphore, #tpu.memory_space<semaphore_mem>>)
    %dma_start3A_661 = arith.constant 876 : i32
    %dma_start3A_662 = arith.constant 0 : i32
    %dma_start3A_663 = tpu.memref_slice %arg1[%dma_start3A_661, %dma_start3A_662] : memref<1024x16384xf32, #tpu.memory_space<any>> -> memref<4x16384xf32, #tpu.memory_space<any>>
    tpu.enqueue_dma source(%arg2 : memref<4x16384xf32, #tpu.memory_space<vmem>>) target(%dma_start3A_663 : memref<4x16384xf32, #tpu.memory_space<any>>) target_semaphore(%arg3 : memref<!tpu.dma_semaphore, #tpu.memory_space<semaphore_mem>>)
    %dma_start3A_664 = arith.constant 880 : i32
    %dma_start3A_665 = arith.constant 0 : i32
    %dma_start3A_666 = tpu.memref_slice %arg1[%dma_start3A_664, %dma_start3A_665] : memref<1024x16384xf32, #tpu.memory_space<any>> -> memref<4x16384xf32, #tpu.memory_space<any>>
    tpu.enqueue_dma source(%arg2 : memref<4x16384xf32, #tpu.memory_space<vmem>>) target(%dma_start3A_666 : memref<4x16384xf32, #tpu.memory_space<any>>) target_semaphore(%arg3 : memref<!tpu.dma_semaphore, #tpu.memory_space<semaphore_mem>>)
    %dma_start3A_667 = arith.constant 884 : i32
    %dma_start3A_668 = arith.constant 0 : i32
    %dma_start3A_669 = tpu.memref_slice %arg1[%dma_start3A_667, %dma_start3A_668] : memref<1024x16384xf32, #tpu.memory_space<any>> -> memref<4x16384xf32, #tpu.memory_space<any>>
    tpu.enqueue_dma source(%arg2 : memref<4x16384xf32, #tpu.memory_space<vmem>>) target(%dma_start3A_669 : memref<4x16384xf32, #tpu.memory_space<any>>) target_semaphore(%arg3 : memref<!tpu.dma_semaphore, #tpu.memory_space<semaphore_mem>>)
    %dma_start3A_670 = arith.constant 888 : i32
    %dma_start3A_671 = arith.constant 0 : i32
    %dma_start3A_672 = tpu.memref_slice %arg1[%dma_start3A_670, %dma_start3A_671] : memref<1024x16384xf32, #tpu.memory_space<any>> -> memref<4x16384xf32, #tpu.memory_space<any>>
    tpu.enqueue_dma source(%arg2 : memref<4x16384xf32, #tpu.memory_space<vmem>>) target(%dma_start3A_672 : memref<4x16384xf32, #tpu.memory_space<any>>) target_semaphore(%arg3 : memref<!tpu.dma_semaphore, #tpu.memory_space<semaphore_mem>>)
    %dma_start3A_673 = arith.constant 892 : i32
    %dma_start3A_674 = arith.constant 0 : i32
    %dma_start3A_675 = tpu.memref_slice %arg1[%dma_start3A_673, %dma_start3A_674] : memref<1024x16384xf32, #tpu.memory_space<any>> -> memref<4x16384xf32, #tpu.memory_space<any>>
    tpu.enqueue_dma source(%arg2 : memref<4x16384xf32, #tpu.memory_space<vmem>>) target(%dma_start3A_675 : memref<4x16384xf32, #tpu.memory_space<any>>) target_semaphore(%arg3 : memref<!tpu.dma_semaphore, #tpu.memory_space<semaphore_mem>>)
    %dma_start3A_676 = arith.constant 896 : i32
    %dma_start3A_677 = arith.constant 0 : i32
    %dma_start3A_678 = tpu.memref_slice %arg1[%dma_start3A_676, %dma_start3A_677] : memref<1024x16384xf32, #tpu.memory_space<any>> -> memref<4x16384xf32, #tpu.memory_space<any>>
    tpu.enqueue_dma source(%arg2 : memref<4x16384xf32, #tpu.memory_space<vmem>>) target(%dma_start3A_678 : memref<4x16384xf32, #tpu.memory_space<any>>) target_semaphore(%arg3 : memref<!tpu.dma_semaphore, #tpu.memory_space<semaphore_mem>>)
    %dma_start3A_679 = arith.constant 900 : i32
    %dma_start3A_680 = arith.constant 0 : i32
    %dma_start3A_681 = tpu.memref_slice %arg1[%dma_start3A_679, %dma_start3A_680] : memref<1024x16384xf32, #tpu.memory_space<any>> -> memref<4x16384xf32, #tpu.memory_space<any>>
    tpu.enqueue_dma source(%arg2 : memref<4x16384xf32, #tpu.memory_space<vmem>>) target(%dma_start3A_681 : memref<4x16384xf32, #tpu.memory_space<any>>) target_semaphore(%arg3 : memref<!tpu.dma_semaphore, #tpu.memory_space<semaphore_mem>>)
    %dma_start3A_682 = arith.constant 904 : i32
    %dma_start3A_683 = arith.constant 0 : i32
    %dma_start3A_684 = tpu.memref_slice %arg1[%dma_start3A_682, %dma_start3A_683] : memref<1024x16384xf32, #tpu.memory_space<any>> -> memref<4x16384xf32, #tpu.memory_space<any>>
    tpu.enqueue_dma source(%arg2 : memref<4x16384xf32, #tpu.memory_space<vmem>>) target(%dma_start3A_684 : memref<4x16384xf32, #tpu.memory_space<any>>) target_semaphore(%arg3 : memref<!tpu.dma_semaphore, #tpu.memory_space<semaphore_mem>>)
    %dma_start3A_685 = arith.constant 908 : i32
    %dma_start3A_686 = arith.constant 0 : i32
    %dma_start3A_687 = tpu.memref_slice %arg1[%dma_start3A_685, %dma_start3A_686] : memref<1024x16384xf32, #tpu.memory_space<any>> -> memref<4x16384xf32, #tpu.memory_space<any>>
    tpu.enqueue_dma source(%arg2 : memref<4x16384xf32, #tpu.memory_space<vmem>>) target(%dma_start3A_687 : memref<4x16384xf32, #tpu.memory_space<any>>) target_semaphore(%arg3 : memref<!tpu.dma_semaphore, #tpu.memory_space<semaphore_mem>>)
    %dma_start3A_688 = arith.constant 912 : i32
    %dma_start3A_689 = arith.constant 0 : i32
    %dma_start3A_690 = tpu.memref_slice %arg1[%dma_start3A_688, %dma_start3A_689] : memref<1024x16384xf32, #tpu.memory_space<any>> -> memref<4x16384xf32, #tpu.memory_space<any>>
    tpu.enqueue_dma source(%arg2 : memref<4x16384xf32, #tpu.memory_space<vmem>>) target(%dma_start3A_690 : memref<4x16384xf32, #tpu.memory_space<any>>) target_semaphore(%arg3 : memref<!tpu.dma_semaphore, #tpu.memory_space<semaphore_mem>>)
    %dma_start3A_691 = arith.constant 916 : i32
    %dma_start3A_692 = arith.constant 0 : i32
    %dma_start3A_693 = tpu.memref_slice %arg1[%dma_start3A_691, %dma_start3A_692] : memref<1024x16384xf32, #tpu.memory_space<any>> -> memref<4x16384xf32, #tpu.memory_space<any>>
    tpu.enqueue_dma source(%arg2 : memref<4x16384xf32, #tpu.memory_space<vmem>>) target(%dma_start3A_693 : memref<4x16384xf32, #tpu.memory_space<any>>) target_semaphore(%arg3 : memref<!tpu.dma_semaphore, #tpu.memory_space<semaphore_mem>>)
    %dma_start3A_694 = arith.constant 920 : i32
    %dma_start3A_695 = arith.constant 0 : i32
    %dma_start3A_696 = tpu.memref_slice %arg1[%dma_start3A_694, %dma_start3A_695] : memref<1024x16384xf32, #tpu.memory_space<any>> -> memref<4x16384xf32, #tpu.memory_space<any>>
    tpu.enqueue_dma source(%arg2 : memref<4x16384xf32, #tpu.memory_space<vmem>>) target(%dma_start3A_696 : memref<4x16384xf32, #tpu.memory_space<any>>) target_semaphore(%arg3 : memref<!tpu.dma_semaphore, #tpu.memory_space<semaphore_mem>>)
    %dma_start3A_697 = arith.constant 924 : i32
    %dma_start3A_698 = arith.constant 0 : i32
    %dma_start3A_699 = tpu.memref_slice %arg1[%dma_start3A_697, %dma_start3A_698] : memref<1024x16384xf32, #tpu.memory_space<any>> -> memref<4x16384xf32, #tpu.memory_space<any>>
    tpu.enqueue_dma source(%arg2 : memref<4x16384xf32, #tpu.memory_space<vmem>>) target(%dma_start3A_699 : memref<4x16384xf32, #tpu.memory_space<any>>) target_semaphore(%arg3 : memref<!tpu.dma_semaphore, #tpu.memory_space<semaphore_mem>>)
    %dma_start3A_700 = arith.constant 928 : i32
    %dma_start3A_701 = arith.constant 0 : i32
    %dma_start3A_702 = tpu.memref_slice %arg1[%dma_start3A_700, %dma_start3A_701] : memref<1024x16384xf32, #tpu.memory_space<any>> -> memref<4x16384xf32, #tpu.memory_space<any>>
    tpu.enqueue_dma source(%arg2 : memref<4x16384xf32, #tpu.memory_space<vmem>>) target(%dma_start3A_702 : memref<4x16384xf32, #tpu.memory_space<any>>) target_semaphore(%arg3 : memref<!tpu.dma_semaphore, #tpu.memory_space<semaphore_mem>>)
    %dma_start3A_703 = arith.constant 932 : i32
    %dma_start3A_704 = arith.constant 0 : i32
    %dma_start3A_705 = tpu.memref_slice %arg1[%dma_start3A_703, %dma_start3A_704] : memref<1024x16384xf32, #tpu.memory_space<any>> -> memref<4x16384xf32, #tpu.memory_space<any>>
    tpu.enqueue_dma source(%arg2 : memref<4x16384xf32, #tpu.memory_space<vmem>>) target(%dma_start3A_705 : memref<4x16384xf32, #tpu.memory_space<any>>) target_semaphore(%arg3 : memref<!tpu.dma_semaphore, #tpu.memory_space<semaphore_mem>>)
    %dma_start3A_706 = arith.constant 936 : i32
    %dma_start3A_707 = arith.constant 0 : i32
    %dma_start3A_708 = tpu.memref_slice %arg1[%dma_start3A_706, %dma_start3A_707] : memref<1024x16384xf32, #tpu.memory_space<any>> -> memref<4x16384xf32, #tpu.memory_space<any>>
    tpu.enqueue_dma source(%arg2 : memref<4x16384xf32, #tpu.memory_space<vmem>>) target(%dma_start3A_708 : memref<4x16384xf32, #tpu.memory_space<any>>) target_semaphore(%arg3 : memref<!tpu.dma_semaphore, #tpu.memory_space<semaphore_mem>>)
    %dma_start3A_709 = arith.constant 940 : i32
    %dma_start3A_710 = arith.constant 0 : i32
    %dma_start3A_711 = tpu.memref_slice %arg1[%dma_start3A_709, %dma_start3A_710] : memref<1024x16384xf32, #tpu.memory_space<any>> -> memref<4x16384xf32, #tpu.memory_space<any>>
    tpu.enqueue_dma source(%arg2 : memref<4x16384xf32, #tpu.memory_space<vmem>>) target(%dma_start3A_711 : memref<4x16384xf32, #tpu.memory_space<any>>) target_semaphore(%arg3 : memref<!tpu.dma_semaphore, #tpu.memory_space<semaphore_mem>>)
    %dma_start3A_712 = arith.constant 944 : i32
    %dma_start3A_713 = arith.constant 0 : i32
    %dma_start3A_714 = tpu.memref_slice %arg1[%dma_start3A_712, %dma_start3A_713] : memref<1024x16384xf32, #tpu.memory_space<any>> -> memref<4x16384xf32, #tpu.memory_space<any>>
    tpu.enqueue_dma source(%arg2 : memref<4x16384xf32, #tpu.memory_space<vmem>>) target(%dma_start3A_714 : memref<4x16384xf32, #tpu.memory_space<any>>) target_semaphore(%arg3 : memref<!tpu.dma_semaphore, #tpu.memory_space<semaphore_mem>>)
    %dma_start3A_715 = arith.constant 948 : i32
    %dma_start3A_716 = arith.constant 0 : i32
    %dma_start3A_717 = tpu.memref_slice %arg1[%dma_start3A_715, %dma_start3A_716] : memref<1024x16384xf32, #tpu.memory_space<any>> -> memref<4x16384xf32, #tpu.memory_space<any>>
    tpu.enqueue_dma source(%arg2 : memref<4x16384xf32, #tpu.memory_space<vmem>>) target(%dma_start3A_717 : memref<4x16384xf32, #tpu.memory_space<any>>) target_semaphore(%arg3 : memref<!tpu.dma_semaphore, #tpu.memory_space<semaphore_mem>>)
    %dma_start3A_718 = arith.constant 952 : i32
    %dma_start3A_719 = arith.constant 0 : i32
    %dma_start3A_720 = tpu.memref_slice %arg1[%dma_start3A_718, %dma_start3A_719] : memref<1024x16384xf32, #tpu.memory_space<any>> -> memref<4x16384xf32, #tpu.memory_space<any>>
    tpu.enqueue_dma source(%arg2 : memref<4x16384xf32, #tpu.memory_space<vmem>>) target(%dma_start3A_720 : memref<4x16384xf32, #tpu.memory_space<any>>) target_semaphore(%arg3 : memref<!tpu.dma_semaphore, #tpu.memory_space<semaphore_mem>>)
    %dma_start3A_721 = arith.constant 956 : i32
    %dma_start3A_722 = arith.constant 0 : i32
    %dma_start3A_723 = tpu.memref_slice %arg1[%dma_start3A_721, %dma_start3A_722] : memref<1024x16384xf32, #tpu.memory_space<any>> -> memref<4x16384xf32, #tpu.memory_space<any>>
    tpu.enqueue_dma source(%arg2 : memref<4x16384xf32, #tpu.memory_space<vmem>>) target(%dma_start3A_723 : memref<4x16384xf32, #tpu.memory_space<any>>) target_semaphore(%arg3 : memref<!tpu.dma_semaphore, #tpu.memory_space<semaphore_mem>>)
    %dma_start3A_724 = arith.constant 960 : i32
    %dma_start3A_725 = arith.constant 0 : i32
    %dma_start3A_726 = tpu.memref_slice %arg1[%dma_start3A_724, %dma_start3A_725] : memref<1024x16384xf32, #tpu.memory_space<any>> -> memref<4x16384xf32, #tpu.memory_space<any>>
    tpu.enqueue_dma source(%arg2 : memref<4x16384xf32, #tpu.memory_space<vmem>>) target(%dma_start3A_726 : memref<4x16384xf32, #tpu.memory_space<any>>) target_semaphore(%arg3 : memref<!tpu.dma_semaphore, #tpu.memory_space<semaphore_mem>>)
    %dma_start3A_727 = arith.constant 964 : i32
    %dma_start3A_728 = arith.constant 0 : i32
    %dma_start3A_729 = tpu.memref_slice %arg1[%dma_start3A_727, %dma_start3A_728] : memref<1024x16384xf32, #tpu.memory_space<any>> -> memref<4x16384xf32, #tpu.memory_space<any>>
    tpu.enqueue_dma source(%arg2 : memref<4x16384xf32, #tpu.memory_space<vmem>>) target(%dma_start3A_729 : memref<4x16384xf32, #tpu.memory_space<any>>) target_semaphore(%arg3 : memref<!tpu.dma_semaphore, #tpu.memory_space<semaphore_mem>>)
    %dma_start3A_730 = arith.constant 968 : i32
    %dma_start3A_731 = arith.constant 0 : i32
    %dma_start3A_732 = tpu.memref_slice %arg1[%dma_start3A_730, %dma_start3A_731] : memref<1024x16384xf32, #tpu.memory_space<any>> -> memref<4x16384xf32, #tpu.memory_space<any>>
    tpu.enqueue_dma source(%arg2 : memref<4x16384xf32, #tpu.memory_space<vmem>>) target(%dma_start3A_732 : memref<4x16384xf32, #tpu.memory_space<any>>) target_semaphore(%arg3 : memref<!tpu.dma_semaphore, #tpu.memory_space<semaphore_mem>>)
    %dma_start3A_733 = arith.constant 972 : i32
    %dma_start3A_734 = arith.constant 0 : i32
    %dma_start3A_735 = tpu.memref_slice %arg1[%dma_start3A_733, %dma_start3A_734] : memref<1024x16384xf32, #tpu.memory_space<any>> -> memref<4x16384xf32, #tpu.memory_space<any>>
    tpu.enqueue_dma source(%arg2 : memref<4x16384xf32, #tpu.memory_space<vmem>>) target(%dma_start3A_735 : memref<4x16384xf32, #tpu.memory_space<any>>) target_semaphore(%arg3 : memref<!tpu.dma_semaphore, #tpu.memory_space<semaphore_mem>>)
    %dma_start3A_736 = arith.constant 976 : i32
    %dma_start3A_737 = arith.constant 0 : i32
    %dma_start3A_738 = tpu.memref_slice %arg1[%dma_start3A_736, %dma_start3A_737] : memref<1024x16384xf32, #tpu.memory_space<any>> -> memref<4x16384xf32, #tpu.memory_space<any>>
    tpu.enqueue_dma source(%arg2 : memref<4x16384xf32, #tpu.memory_space<vmem>>) target(%dma_start3A_738 : memref<4x16384xf32, #tpu.memory_space<any>>) target_semaphore(%arg3 : memref<!tpu.dma_semaphore, #tpu.memory_space<semaphore_mem>>)
    %dma_start3A_739 = arith.constant 980 : i32
    %dma_start3A_740 = arith.constant 0 : i32
    %dma_start3A_741 = tpu.memref_slice %arg1[%dma_start3A_739, %dma_start3A_740] : memref<1024x16384xf32, #tpu.memory_space<any>> -> memref<4x16384xf32, #tpu.memory_space<any>>
    tpu.enqueue_dma source(%arg2 : memref<4x16384xf32, #tpu.memory_space<vmem>>) target(%dma_start3A_741 : memref<4x16384xf32, #tpu.memory_space<any>>) target_semaphore(%arg3 : memref<!tpu.dma_semaphore, #tpu.memory_space<semaphore_mem>>)
    %dma_start3A_742 = arith.constant 984 : i32
    %dma_start3A_743 = arith.constant 0 : i32
    %dma_start3A_744 = tpu.memref_slice %arg1[%dma_start3A_742, %dma_start3A_743] : memref<1024x16384xf32, #tpu.memory_space<any>> -> memref<4x16384xf32, #tpu.memory_space<any>>
    tpu.enqueue_dma source(%arg2 : memref<4x16384xf32, #tpu.memory_space<vmem>>) target(%dma_start3A_744 : memref<4x16384xf32, #tpu.memory_space<any>>) target_semaphore(%arg3 : memref<!tpu.dma_semaphore, #tpu.memory_space<semaphore_mem>>)
    %dma_start3A_745 = arith.constant 988 : i32
    %dma_start3A_746 = arith.constant 0 : i32
    %dma_start3A_747 = tpu.memref_slice %arg1[%dma_start3A_745, %dma_start3A_746] : memref<1024x16384xf32, #tpu.memory_space<any>> -> memref<4x16384xf32, #tpu.memory_space<any>>
    tpu.enqueue_dma source(%arg2 : memref<4x16384xf32, #tpu.memory_space<vmem>>) target(%dma_start3A_747 : memref<4x16384xf32, #tpu.memory_space<any>>) target_semaphore(%arg3 : memref<!tpu.dma_semaphore, #tpu.memory_space<semaphore_mem>>)
    %dma_start3A_748 = arith.constant 992 : i32
    %dma_start3A_749 = arith.constant 0 : i32
    %dma_start3A_750 = tpu.memref_slice %arg1[%dma_start3A_748, %dma_start3A_749] : memref<1024x16384xf32, #tpu.memory_space<any>> -> memref<4x16384xf32, #tpu.memory_space<any>>
    tpu.enqueue_dma source(%arg2 : memref<4x16384xf32, #tpu.memory_space<vmem>>) target(%dma_start3A_750 : memref<4x16384xf32, #tpu.memory_space<any>>) target_semaphore(%arg3 : memref<!tpu.dma_semaphore, #tpu.memory_space<semaphore_mem>>)
    %dma_start3A_751 = arith.constant 996 : i32
    %dma_start3A_752 = arith.constant 0 : i32
    %dma_start3A_753 = tpu.memref_slice %arg1[%dma_start3A_751, %dma_start3A_752] : memref<1024x16384xf32, #tpu.memory_space<any>> -> memref<4x16384xf32, #tpu.memory_space<any>>
    tpu.enqueue_dma source(%arg2 : memref<4x16384xf32, #tpu.memory_space<vmem>>) target(%dma_start3A_753 : memref<4x16384xf32, #tpu.memory_space<any>>) target_semaphore(%arg3 : memref<!tpu.dma_semaphore, #tpu.memory_space<semaphore_mem>>)
    %dma_start3A_754 = arith.constant 1000 : i32
    %dma_start3A_755 = arith.constant 0 : i32
    %dma_start3A_756 = tpu.memref_slice %arg1[%dma_start3A_754, %dma_start3A_755] : memref<1024x16384xf32, #tpu.memory_space<any>> -> memref<4x16384xf32, #tpu.memory_space<any>>
    tpu.enqueue_dma source(%arg2 : memref<4x16384xf32, #tpu.memory_space<vmem>>) target(%dma_start3A_756 : memref<4x16384xf32, #tpu.memory_space<any>>) target_semaphore(%arg3 : memref<!tpu.dma_semaphore, #tpu.memory_space<semaphore_mem>>)
    %dma_start3A_757 = arith.constant 1004 : i32
    %dma_start3A_758 = arith.constant 0 : i32
    %dma_start3A_759 = tpu.memref_slice %arg1[%dma_start3A_757, %dma_start3A_758] : memref<1024x16384xf32, #tpu.memory_space<any>> -> memref<4x16384xf32, #tpu.memory_space<any>>
    tpu.enqueue_dma source(%arg2 : memref<4x16384xf32, #tpu.memory_space<vmem>>) target(%dma_start3A_759 : memref<4x16384xf32, #tpu.memory_space<any>>) target_semaphore(%arg3 : memref<!tpu.dma_semaphore, #tpu.memory_space<semaphore_mem>>)
    %dma_start3A_760 = arith.constant 1008 : i32
    %dma_start3A_761 = arith.constant 0 : i32
    %dma_start3A_762 = tpu.memref_slice %arg1[%dma_start3A_760, %dma_start3A_761] : memref<1024x16384xf32, #tpu.memory_space<any>> -> memref<4x16384xf32, #tpu.memory_space<any>>
    tpu.enqueue_dma source(%arg2 : memref<4x16384xf32, #tpu.memory_space<vmem>>) target(%dma_start3A_762 : memref<4x16384xf32, #tpu.memory_space<any>>) target_semaphore(%arg3 : memref<!tpu.dma_semaphore, #tpu.memory_space<semaphore_mem>>)
    %dma_start3A_763 = arith.constant 1012 : i32
    %dma_start3A_764 = arith.constant 0 : i32
    %dma_start3A_765 = tpu.memref_slice %arg1[%dma_start3A_763, %dma_start3A_764] : memref<1024x16384xf32, #tpu.memory_space<any>> -> memref<4x16384xf32, #tpu.memory_space<any>>
    tpu.enqueue_dma source(%arg2 : memref<4x16384xf32, #tpu.memory_space<vmem>>) target(%dma_start3A_765 : memref<4x16384xf32, #tpu.memory_space<any>>) target_semaphore(%arg3 : memref<!tpu.dma_semaphore, #tpu.memory_space<semaphore_mem>>)
    %dma_start3A_766 = arith.constant 1016 : i32
    %dma_start3A_767 = arith.constant 0 : i32
    %dma_start3A_768 = tpu.memref_slice %arg1[%dma_start3A_766, %dma_start3A_767] : memref<1024x16384xf32, #tpu.memory_space<any>> -> memref<4x16384xf32, #tpu.memory_space<any>>
    tpu.enqueue_dma source(%arg2 : memref<4x16384xf32, #tpu.memory_space<vmem>>) target(%dma_start3A_768 : memref<4x16384xf32, #tpu.memory_space<any>>) target_semaphore(%arg3 : memref<!tpu.dma_semaphore, #tpu.memory_space<semaphore_mem>>)
    %dma_start3A_769 = arith.constant 1020 : i32
    %dma_start3A_770 = arith.constant 0 : i32
    %dma_start3A_771 = tpu.memref_slice %arg1[%dma_start3A_769, %dma_start3A_770] : memref<1024x16384xf32, #tpu.memory_space<any>> -> memref<4x16384xf32, #tpu.memory_space<any>>
    tpu.enqueue_dma source(%arg2 : memref<4x16384xf32, #tpu.memory_space<vmem>>) target(%dma_start3A_771 : memref<4x16384xf32, #tpu.memory_space<any>>) target_semaphore(%arg3 : memref<!tpu.dma_semaphore, #tpu.memory_space<semaphore_mem>>)
    %dma_wait3A = arith.constant 0 : i32
    %dma_wait3A_772 = arith.constant 0 : i32
    %dma_wait3A_773 = tpu.memref_slice %arg1[%dma_wait3A, %dma_wait3A_772] : memref<1024x16384xf32, #tpu.memory_space<any>> -> memref<4x16384xf32, #tpu.memory_space<any>>
    tpu.wait_dma2 semaphore(%arg3 : memref<!tpu.dma_semaphore, #tpu.memory_space<semaphore_mem>>) src(%arg2 : memref<4x16384xf32, #tpu.memory_space<vmem>>) dst(%dma_wait3A_773 : memref<4x16384xf32, #tpu.memory_space<any>>)
    %dma_wait3A_774 = arith.constant 4 : i32
    %dma_wait3A_775 = arith.constant 0 : i32
    %dma_wait3A_776 = tpu.memref_slice %arg1[%dma_wait3A_774, %dma_wait3A_775] : memref<1024x16384xf32, #tpu.memory_space<any>> -> memref<4x16384xf32, #tpu.memory_space<any>>
    tpu.wait_dma2 semaphore(%arg3 : memref<!tpu.dma_semaphore, #tpu.memory_space<semaphore_mem>>) src(%arg2 : memref<4x16384xf32, #tpu.memory_space<vmem>>) dst(%dma_wait3A_776 : memref<4x16384xf32, #tpu.memory_space<any>>)
    %dma_wait3A_777 = arith.constant 8 : i32
    %dma_wait3A_778 = arith.constant 0 : i32
    %dma_wait3A_779 = tpu.memref_slice %arg1[%dma_wait3A_777, %dma_wait3A_778] : memref<1024x16384xf32, #tpu.memory_space<any>> -> memref<4x16384xf32, #tpu.memory_space<any>>
    tpu.wait_dma2 semaphore(%arg3 : memref<!tpu.dma_semaphore, #tpu.memory_space<semaphore_mem>>) src(%arg2 : memref<4x16384xf32, #tpu.memory_space<vmem>>) dst(%dma_wait3A_779 : memref<4x16384xf32, #tpu.memory_space<any>>)
    %dma_wait3A_780 = arith.constant 12 : i32
    %dma_wait3A_781 = arith.constant 0 : i32
    %dma_wait3A_782 = tpu.memref_slice %arg1[%dma_wait3A_780, %dma_wait3A_781] : memref<1024x16384xf32, #tpu.memory_space<any>> -> memref<4x16384xf32, #tpu.memory_space<any>>
    tpu.wait_dma2 semaphore(%arg3 : memref<!tpu.dma_semaphore, #tpu.memory_space<semaphore_mem>>) src(%arg2 : memref<4x16384xf32, #tpu.memory_space<vmem>>) dst(%dma_wait3A_782 : memref<4x16384xf32, #tpu.memory_space<any>>)
    %dma_wait3A_783 = arith.constant 16 : i32
    %dma_wait3A_784 = arith.constant 0 : i32
    %dma_wait3A_785 = tpu.memref_slice %arg1[%dma_wait3A_783, %dma_wait3A_784] : memref<1024x16384xf32, #tpu.memory_space<any>> -> memref<4x16384xf32, #tpu.memory_space<any>>
    tpu.wait_dma2 semaphore(%arg3 : memref<!tpu.dma_semaphore, #tpu.memory_space<semaphore_mem>>) src(%arg2 : memref<4x16384xf32, #tpu.memory_space<vmem>>) dst(%dma_wait3A_785 : memref<4x16384xf32, #tpu.memory_space<any>>)
    %dma_wait3A_786 = arith.constant 20 : i32
    %dma_wait3A_787 = arith.constant 0 : i32
    %dma_wait3A_788 = tpu.memref_slice %arg1[%dma_wait3A_786, %dma_wait3A_787] : memref<1024x16384xf32, #tpu.memory_space<any>> -> memref<4x16384xf32, #tpu.memory_space<any>>
    tpu.wait_dma2 semaphore(%arg3 : memref<!tpu.dma_semaphore, #tpu.memory_space<semaphore_mem>>) src(%arg2 : memref<4x16384xf32, #tpu.memory_space<vmem>>) dst(%dma_wait3A_788 : memref<4x16384xf32, #tpu.memory_space<any>>)
    %dma_wait3A_789 = arith.constant 24 : i32
    %dma_wait3A_790 = arith.constant 0 : i32
    %dma_wait3A_791 = tpu.memref_slice %arg1[%dma_wait3A_789, %dma_wait3A_790] : memref<1024x16384xf32, #tpu.memory_space<any>> -> memref<4x16384xf32, #tpu.memory_space<any>>
    tpu.wait_dma2 semaphore(%arg3 : memref<!tpu.dma_semaphore, #tpu.memory_space<semaphore_mem>>) src(%arg2 : memref<4x16384xf32, #tpu.memory_space<vmem>>) dst(%dma_wait3A_791 : memref<4x16384xf32, #tpu.memory_space<any>>)
    %dma_wait3A_792 = arith.constant 28 : i32
    %dma_wait3A_793 = arith.constant 0 : i32
    %dma_wait3A_794 = tpu.memref_slice %arg1[%dma_wait3A_792, %dma_wait3A_793] : memref<1024x16384xf32, #tpu.memory_space<any>> -> memref<4x16384xf32, #tpu.memory_space<any>>
    tpu.wait_dma2 semaphore(%arg3 : memref<!tpu.dma_semaphore, #tpu.memory_space<semaphore_mem>>) src(%arg2 : memref<4x16384xf32, #tpu.memory_space<vmem>>) dst(%dma_wait3A_794 : memref<4x16384xf32, #tpu.memory_space<any>>)
    %dma_wait3A_795 = arith.constant 32 : i32
    %dma_wait3A_796 = arith.constant 0 : i32
    %dma_wait3A_797 = tpu.memref_slice %arg1[%dma_wait3A_795, %dma_wait3A_796] : memref<1024x16384xf32, #tpu.memory_space<any>> -> memref<4x16384xf32, #tpu.memory_space<any>>
    tpu.wait_dma2 semaphore(%arg3 : memref<!tpu.dma_semaphore, #tpu.memory_space<semaphore_mem>>) src(%arg2 : memref<4x16384xf32, #tpu.memory_space<vmem>>) dst(%dma_wait3A_797 : memref<4x16384xf32, #tpu.memory_space<any>>)
    %dma_wait3A_798 = arith.constant 36 : i32
    %dma_wait3A_799 = arith.constant 0 : i32
    %dma_wait3A_800 = tpu.memref_slice %arg1[%dma_wait3A_798, %dma_wait3A_799] : memref<1024x16384xf32, #tpu.memory_space<any>> -> memref<4x16384xf32, #tpu.memory_space<any>>
    tpu.wait_dma2 semaphore(%arg3 : memref<!tpu.dma_semaphore, #tpu.memory_space<semaphore_mem>>) src(%arg2 : memref<4x16384xf32, #tpu.memory_space<vmem>>) dst(%dma_wait3A_800 : memref<4x16384xf32, #tpu.memory_space<any>>)
    %dma_wait3A_801 = arith.constant 40 : i32
    %dma_wait3A_802 = arith.constant 0 : i32
    %dma_wait3A_803 = tpu.memref_slice %arg1[%dma_wait3A_801, %dma_wait3A_802] : memref<1024x16384xf32, #tpu.memory_space<any>> -> memref<4x16384xf32, #tpu.memory_space<any>>
    tpu.wait_dma2 semaphore(%arg3 : memref<!tpu.dma_semaphore, #tpu.memory_space<semaphore_mem>>) src(%arg2 : memref<4x16384xf32, #tpu.memory_space<vmem>>) dst(%dma_wait3A_803 : memref<4x16384xf32, #tpu.memory_space<any>>)
    %dma_wait3A_804 = arith.constant 44 : i32
    %dma_wait3A_805 = arith.constant 0 : i32
    %dma_wait3A_806 = tpu.memref_slice %arg1[%dma_wait3A_804, %dma_wait3A_805] : memref<1024x16384xf32, #tpu.memory_space<any>> -> memref<4x16384xf32, #tpu.memory_space<any>>
    tpu.wait_dma2 semaphore(%arg3 : memref<!tpu.dma_semaphore, #tpu.memory_space<semaphore_mem>>) src(%arg2 : memref<4x16384xf32, #tpu.memory_space<vmem>>) dst(%dma_wait3A_806 : memref<4x16384xf32, #tpu.memory_space<any>>)
    %dma_wait3A_807 = arith.constant 48 : i32
    %dma_wait3A_808 = arith.constant 0 : i32
    %dma_wait3A_809 = tpu.memref_slice %arg1[%dma_wait3A_807, %dma_wait3A_808] : memref<1024x16384xf32, #tpu.memory_space<any>> -> memref<4x16384xf32, #tpu.memory_space<any>>
    tpu.wait_dma2 semaphore(%arg3 : memref<!tpu.dma_semaphore, #tpu.memory_space<semaphore_mem>>) src(%arg2 : memref<4x16384xf32, #tpu.memory_space<vmem>>) dst(%dma_wait3A_809 : memref<4x16384xf32, #tpu.memory_space<any>>)
    %dma_wait3A_810 = arith.constant 52 : i32
    %dma_wait3A_811 = arith.constant 0 : i32
    %dma_wait3A_812 = tpu.memref_slice %arg1[%dma_wait3A_810, %dma_wait3A_811] : memref<1024x16384xf32, #tpu.memory_space<any>> -> memref<4x16384xf32, #tpu.memory_space<any>>
    tpu.wait_dma2 semaphore(%arg3 : memref<!tpu.dma_semaphore, #tpu.memory_space<semaphore_mem>>) src(%arg2 : memref<4x16384xf32, #tpu.memory_space<vmem>>) dst(%dma_wait3A_812 : memref<4x16384xf32, #tpu.memory_space<any>>)
    %dma_wait3A_813 = arith.constant 56 : i32
    %dma_wait3A_814 = arith.constant 0 : i32
    %dma_wait3A_815 = tpu.memref_slice %arg1[%dma_wait3A_813, %dma_wait3A_814] : memref<1024x16384xf32, #tpu.memory_space<any>> -> memref<4x16384xf32, #tpu.memory_space<any>>
    tpu.wait_dma2 semaphore(%arg3 : memref<!tpu.dma_semaphore, #tpu.memory_space<semaphore_mem>>) src(%arg2 : memref<4x16384xf32, #tpu.memory_space<vmem>>) dst(%dma_wait3A_815 : memref<4x16384xf32, #tpu.memory_space<any>>)
    %dma_wait3A_816 = arith.constant 60 : i32
    %dma_wait3A_817 = arith.constant 0 : i32
    %dma_wait3A_818 = tpu.memref_slice %arg1[%dma_wait3A_816, %dma_wait3A_817] : memref<1024x16384xf32, #tpu.memory_space<any>> -> memref<4x16384xf32, #tpu.memory_space<any>>
    tpu.wait_dma2 semaphore(%arg3 : memref<!tpu.dma_semaphore, #tpu.memory_space<semaphore_mem>>) src(%arg2 : memref<4x16384xf32, #tpu.memory_space<vmem>>) dst(%dma_wait3A_818 : memref<4x16384xf32, #tpu.memory_space<any>>)
    %dma_wait3A_819 = arith.constant 64 : i32
    %dma_wait3A_820 = arith.constant 0 : i32
    %dma_wait3A_821 = tpu.memref_slice %arg1[%dma_wait3A_819, %dma_wait3A_820] : memref<1024x16384xf32, #tpu.memory_space<any>> -> memref<4x16384xf32, #tpu.memory_space<any>>
    tpu.wait_dma2 semaphore(%arg3 : memref<!tpu.dma_semaphore, #tpu.memory_space<semaphore_mem>>) src(%arg2 : memref<4x16384xf32, #tpu.memory_space<vmem>>) dst(%dma_wait3A_821 : memref<4x16384xf32, #tpu.memory_space<any>>)
    %dma_wait3A_822 = arith.constant 68 : i32
    %dma_wait3A_823 = arith.constant 0 : i32
    %dma_wait3A_824 = tpu.memref_slice %arg1[%dma_wait3A_822, %dma_wait3A_823] : memref<1024x16384xf32, #tpu.memory_space<any>> -> memref<4x16384xf32, #tpu.memory_space<any>>
    tpu.wait_dma2 semaphore(%arg3 : memref<!tpu.dma_semaphore, #tpu.memory_space<semaphore_mem>>) src(%arg2 : memref<4x16384xf32, #tpu.memory_space<vmem>>) dst(%dma_wait3A_824 : memref<4x16384xf32, #tpu.memory_space<any>>)
    %dma_wait3A_825 = arith.constant 72 : i32
    %dma_wait3A_826 = arith.constant 0 : i32
    %dma_wait3A_827 = tpu.memref_slice %arg1[%dma_wait3A_825, %dma_wait3A_826] : memref<1024x16384xf32, #tpu.memory_space<any>> -> memref<4x16384xf32, #tpu.memory_space<any>>
    tpu.wait_dma2 semaphore(%arg3 : memref<!tpu.dma_semaphore, #tpu.memory_space<semaphore_mem>>) src(%arg2 : memref<4x16384xf32, #tpu.memory_space<vmem>>) dst(%dma_wait3A_827 : memref<4x16384xf32, #tpu.memory_space<any>>)
    %dma_wait3A_828 = arith.constant 76 : i32
    %dma_wait3A_829 = arith.constant 0 : i32
    %dma_wait3A_830 = tpu.memref_slice %arg1[%dma_wait3A_828, %dma_wait3A_829] : memref<1024x16384xf32, #tpu.memory_space<any>> -> memref<4x16384xf32, #tpu.memory_space<any>>
    tpu.wait_dma2 semaphore(%arg3 : memref<!tpu.dma_semaphore, #tpu.memory_space<semaphore_mem>>) src(%arg2 : memref<4x16384xf32, #tpu.memory_space<vmem>>) dst(%dma_wait3A_830 : memref<4x16384xf32, #tpu.memory_space<any>>)
    %dma_wait3A_831 = arith.constant 80 : i32
    %dma_wait3A_832 = arith.constant 0 : i32
    %dma_wait3A_833 = tpu.memref_slice %arg1[%dma_wait3A_831, %dma_wait3A_832] : memref<1024x16384xf32, #tpu.memory_space<any>> -> memref<4x16384xf32, #tpu.memory_space<any>>
    tpu.wait_dma2 semaphore(%arg3 : memref<!tpu.dma_semaphore, #tpu.memory_space<semaphore_mem>>) src(%arg2 : memref<4x16384xf32, #tpu.memory_space<vmem>>) dst(%dma_wait3A_833 : memref<4x16384xf32, #tpu.memory_space<any>>)
    %dma_wait3A_834 = arith.constant 84 : i32
    %dma_wait3A_835 = arith.constant 0 : i32
    %dma_wait3A_836 = tpu.memref_slice %arg1[%dma_wait3A_834, %dma_wait3A_835] : memref<1024x16384xf32, #tpu.memory_space<any>> -> memref<4x16384xf32, #tpu.memory_space<any>>
    tpu.wait_dma2 semaphore(%arg3 : memref<!tpu.dma_semaphore, #tpu.memory_space<semaphore_mem>>) src(%arg2 : memref<4x16384xf32, #tpu.memory_space<vmem>>) dst(%dma_wait3A_836 : memref<4x16384xf32, #tpu.memory_space<any>>)
    %dma_wait3A_837 = arith.constant 88 : i32
    %dma_wait3A_838 = arith.constant 0 : i32
    %dma_wait3A_839 = tpu.memref_slice %arg1[%dma_wait3A_837, %dma_wait3A_838] : memref<1024x16384xf32, #tpu.memory_space<any>> -> memref<4x16384xf32, #tpu.memory_space<any>>
    tpu.wait_dma2 semaphore(%arg3 : memref<!tpu.dma_semaphore, #tpu.memory_space<semaphore_mem>>) src(%arg2 : memref<4x16384xf32, #tpu.memory_space<vmem>>) dst(%dma_wait3A_839 : memref<4x16384xf32, #tpu.memory_space<any>>)
    %dma_wait3A_840 = arith.constant 92 : i32
    %dma_wait3A_841 = arith.constant 0 : i32
    %dma_wait3A_842 = tpu.memref_slice %arg1[%dma_wait3A_840, %dma_wait3A_841] : memref<1024x16384xf32, #tpu.memory_space<any>> -> memref<4x16384xf32, #tpu.memory_space<any>>
    tpu.wait_dma2 semaphore(%arg3 : memref<!tpu.dma_semaphore, #tpu.memory_space<semaphore_mem>>) src(%arg2 : memref<4x16384xf32, #tpu.memory_space<vmem>>) dst(%dma_wait3A_842 : memref<4x16384xf32, #tpu.memory_space<any>>)
    %dma_wait3A_843 = arith.constant 96 : i32
    %dma_wait3A_844 = arith.constant 0 : i32
    %dma_wait3A_845 = tpu.memref_slice %arg1[%dma_wait3A_843, %dma_wait3A_844] : memref<1024x16384xf32, #tpu.memory_space<any>> -> memref<4x16384xf32, #tpu.memory_space<any>>
    tpu.wait_dma2 semaphore(%arg3 : memref<!tpu.dma_semaphore, #tpu.memory_space<semaphore_mem>>) src(%arg2 : memref<4x16384xf32, #tpu.memory_space<vmem>>) dst(%dma_wait3A_845 : memref<4x16384xf32, #tpu.memory_space<any>>)
    %dma_wait3A_846 = arith.constant 100 : i32
    %dma_wait3A_847 = arith.constant 0 : i32
    %dma_wait3A_848 = tpu.memref_slice %arg1[%dma_wait3A_846, %dma_wait3A_847] : memref<1024x16384xf32, #tpu.memory_space<any>> -> memref<4x16384xf32, #tpu.memory_space<any>>
    tpu.wait_dma2 semaphore(%arg3 : memref<!tpu.dma_semaphore, #tpu.memory_space<semaphore_mem>>) src(%arg2 : memref<4x16384xf32, #tpu.memory_space<vmem>>) dst(%dma_wait3A_848 : memref<4x16384xf32, #tpu.memory_space<any>>)
    %dma_wait3A_849 = arith.constant 104 : i32
    %dma_wait3A_850 = arith.constant 0 : i32
    %dma_wait3A_851 = tpu.memref_slice %arg1[%dma_wait3A_849, %dma_wait3A_850] : memref<1024x16384xf32, #tpu.memory_space<any>> -> memref<4x16384xf32, #tpu.memory_space<any>>
    tpu.wait_dma2 semaphore(%arg3 : memref<!tpu.dma_semaphore, #tpu.memory_space<semaphore_mem>>) src(%arg2 : memref<4x16384xf32, #tpu.memory_space<vmem>>) dst(%dma_wait3A_851 : memref<4x16384xf32, #tpu.memory_space<any>>)
    %dma_wait3A_852 = arith.constant 108 : i32
    %dma_wait3A_853 = arith.constant 0 : i32
    %dma_wait3A_854 = tpu.memref_slice %arg1[%dma_wait3A_852, %dma_wait3A_853] : memref<1024x16384xf32, #tpu.memory_space<any>> -> memref<4x16384xf32, #tpu.memory_space<any>>
    tpu.wait_dma2 semaphore(%arg3 : memref<!tpu.dma_semaphore, #tpu.memory_space<semaphore_mem>>) src(%arg2 : memref<4x16384xf32, #tpu.memory_space<vmem>>) dst(%dma_wait3A_854 : memref<4x16384xf32, #tpu.memory_space<any>>)
    %dma_wait3A_855 = arith.constant 112 : i32
    %dma_wait3A_856 = arith.constant 0 : i32
    %dma_wait3A_857 = tpu.memref_slice %arg1[%dma_wait3A_855, %dma_wait3A_856] : memref<1024x16384xf32, #tpu.memory_space<any>> -> memref<4x16384xf32, #tpu.memory_space<any>>
    tpu.wait_dma2 semaphore(%arg3 : memref<!tpu.dma_semaphore, #tpu.memory_space<semaphore_mem>>) src(%arg2 : memref<4x16384xf32, #tpu.memory_space<vmem>>) dst(%dma_wait3A_857 : memref<4x16384xf32, #tpu.memory_space<any>>)
    %dma_wait3A_858 = arith.constant 116 : i32
    %dma_wait3A_859 = arith.constant 0 : i32
    %dma_wait3A_860 = tpu.memref_slice %arg1[%dma_wait3A_858, %dma_wait3A_859] : memref<1024x16384xf32, #tpu.memory_space<any>> -> memref<4x16384xf32, #tpu.memory_space<any>>
    tpu.wait_dma2 semaphore(%arg3 : memref<!tpu.dma_semaphore, #tpu.memory_space<semaphore_mem>>) src(%arg2 : memref<4x16384xf32, #tpu.memory_space<vmem>>) dst(%dma_wait3A_860 : memref<4x16384xf32, #tpu.memory_space<any>>)
    %dma_wait3A_861 = arith.constant 120 : i32
    %dma_wait3A_862 = arith.constant 0 : i32
    %dma_wait3A_863 = tpu.memref_slice %arg1[%dma_wait3A_861, %dma_wait3A_862] : memref<1024x16384xf32, #tpu.memory_space<any>> -> memref<4x16384xf32, #tpu.memory_space<any>>
    tpu.wait_dma2 semaphore(%arg3 : memref<!tpu.dma_semaphore, #tpu.memory_space<semaphore_mem>>) src(%arg2 : memref<4x16384xf32, #tpu.memory_space<vmem>>) dst(%dma_wait3A_863 : memref<4x16384xf32, #tpu.memory_space<any>>)
    %dma_wait3A_864 = arith.constant 124 : i32
    %dma_wait3A_865 = arith.constant 0 : i32
    %dma_wait3A_866 = tpu.memref_slice %arg1[%dma_wait3A_864, %dma_wait3A_865] : memref<1024x16384xf32, #tpu.memory_space<any>> -> memref<4x16384xf32, #tpu.memory_space<any>>
    tpu.wait_dma2 semaphore(%arg3 : memref<!tpu.dma_semaphore, #tpu.memory_space<semaphore_mem>>) src(%arg2 : memref<4x16384xf32, #tpu.memory_space<vmem>>) dst(%dma_wait3A_866 : memref<4x16384xf32, #tpu.memory_space<any>>)
    %dma_wait3A_867 = arith.constant 128 : i32
    %dma_wait3A_868 = arith.constant 0 : i32
    %dma_wait3A_869 = tpu.memref_slice %arg1[%dma_wait3A_867, %dma_wait3A_868] : memref<1024x16384xf32, #tpu.memory_space<any>> -> memref<4x16384xf32, #tpu.memory_space<any>>
    tpu.wait_dma2 semaphore(%arg3 : memref<!tpu.dma_semaphore, #tpu.memory_space<semaphore_mem>>) src(%arg2 : memref<4x16384xf32, #tpu.memory_space<vmem>>) dst(%dma_wait3A_869 : memref<4x16384xf32, #tpu.memory_space<any>>)
    %dma_wait3A_870 = arith.constant 132 : i32
    %dma_wait3A_871 = arith.constant 0 : i32
    %dma_wait3A_872 = tpu.memref_slice %arg1[%dma_wait3A_870, %dma_wait3A_871] : memref<1024x16384xf32, #tpu.memory_space<any>> -> memref<4x16384xf32, #tpu.memory_space<any>>
    tpu.wait_dma2 semaphore(%arg3 : memref<!tpu.dma_semaphore, #tpu.memory_space<semaphore_mem>>) src(%arg2 : memref<4x16384xf32, #tpu.memory_space<vmem>>) dst(%dma_wait3A_872 : memref<4x16384xf32, #tpu.memory_space<any>>)
    %dma_wait3A_873 = arith.constant 136 : i32
    %dma_wait3A_874 = arith.constant 0 : i32
    %dma_wait3A_875 = tpu.memref_slice %arg1[%dma_wait3A_873, %dma_wait3A_874] : memref<1024x16384xf32, #tpu.memory_space<any>> -> memref<4x16384xf32, #tpu.memory_space<any>>
    tpu.wait_dma2 semaphore(%arg3 : memref<!tpu.dma_semaphore, #tpu.memory_space<semaphore_mem>>) src(%arg2 : memref<4x16384xf32, #tpu.memory_space<vmem>>) dst(%dma_wait3A_875 : memref<4x16384xf32, #tpu.memory_space<any>>)
    %dma_wait3A_876 = arith.constant 140 : i32
    %dma_wait3A_877 = arith.constant 0 : i32
    %dma_wait3A_878 = tpu.memref_slice %arg1[%dma_wait3A_876, %dma_wait3A_877] : memref<1024x16384xf32, #tpu.memory_space<any>> -> memref<4x16384xf32, #tpu.memory_space<any>>
    tpu.wait_dma2 semaphore(%arg3 : memref<!tpu.dma_semaphore, #tpu.memory_space<semaphore_mem>>) src(%arg2 : memref<4x16384xf32, #tpu.memory_space<vmem>>) dst(%dma_wait3A_878 : memref<4x16384xf32, #tpu.memory_space<any>>)
    %dma_wait3A_879 = arith.constant 144 : i32
    %dma_wait3A_880 = arith.constant 0 : i32
    %dma_wait3A_881 = tpu.memref_slice %arg1[%dma_wait3A_879, %dma_wait3A_880] : memref<1024x16384xf32, #tpu.memory_space<any>> -> memref<4x16384xf32, #tpu.memory_space<any>>
    tpu.wait_dma2 semaphore(%arg3 : memref<!tpu.dma_semaphore, #tpu.memory_space<semaphore_mem>>) src(%arg2 : memref<4x16384xf32, #tpu.memory_space<vmem>>) dst(%dma_wait3A_881 : memref<4x16384xf32, #tpu.memory_space<any>>)
    %dma_wait3A_882 = arith.constant 148 : i32
    %dma_wait3A_883 = arith.constant 0 : i32
    %dma_wait3A_884 = tpu.memref_slice %arg1[%dma_wait3A_882, %dma_wait3A_883] : memref<1024x16384xf32, #tpu.memory_space<any>> -> memref<4x16384xf32, #tpu.memory_space<any>>
    tpu.wait_dma2 semaphore(%arg3 : memref<!tpu.dma_semaphore, #tpu.memory_space<semaphore_mem>>) src(%arg2 : memref<4x16384xf32, #tpu.memory_space<vmem>>) dst(%dma_wait3A_884 : memref<4x16384xf32, #tpu.memory_space<any>>)
    %dma_wait3A_885 = arith.constant 152 : i32
    %dma_wait3A_886 = arith.constant 0 : i32
    %dma_wait3A_887 = tpu.memref_slice %arg1[%dma_wait3A_885, %dma_wait3A_886] : memref<1024x16384xf32, #tpu.memory_space<any>> -> memref<4x16384xf32, #tpu.memory_space<any>>
    tpu.wait_dma2 semaphore(%arg3 : memref<!tpu.dma_semaphore, #tpu.memory_space<semaphore_mem>>) src(%arg2 : memref<4x16384xf32, #tpu.memory_space<vmem>>) dst(%dma_wait3A_887 : memref<4x16384xf32, #tpu.memory_space<any>>)
    %dma_wait3A_888 = arith.constant 156 : i32
    %dma_wait3A_889 = arith.constant 0 : i32
    %dma_wait3A_890 = tpu.memref_slice %arg1[%dma_wait3A_888, %dma_wait3A_889] : memref<1024x16384xf32, #tpu.memory_space<any>> -> memref<4x16384xf32, #tpu.memory_space<any>>
    tpu.wait_dma2 semaphore(%arg3 : memref<!tpu.dma_semaphore, #tpu.memory_space<semaphore_mem>>) src(%arg2 : memref<4x16384xf32, #tpu.memory_space<vmem>>) dst(%dma_wait3A_890 : memref<4x16384xf32, #tpu.memory_space<any>>)
    %dma_wait3A_891 = arith.constant 160 : i32
    %dma_wait3A_892 = arith.constant 0 : i32
    %dma_wait3A_893 = tpu.memref_slice %arg1[%dma_wait3A_891, %dma_wait3A_892] : memref<1024x16384xf32, #tpu.memory_space<any>> -> memref<4x16384xf32, #tpu.memory_space<any>>
    tpu.wait_dma2 semaphore(%arg3 : memref<!tpu.dma_semaphore, #tpu.memory_space<semaphore_mem>>) src(%arg2 : memref<4x16384xf32, #tpu.memory_space<vmem>>) dst(%dma_wait3A_893 : memref<4x16384xf32, #tpu.memory_space<any>>)
    %dma_wait3A_894 = arith.constant 164 : i32
    %dma_wait3A_895 = arith.constant 0 : i32
    %dma_wait3A_896 = tpu.memref_slice %arg1[%dma_wait3A_894, %dma_wait3A_895] : memref<1024x16384xf32, #tpu.memory_space<any>> -> memref<4x16384xf32, #tpu.memory_space<any>>
    tpu.wait_dma2 semaphore(%arg3 : memref<!tpu.dma_semaphore, #tpu.memory_space<semaphore_mem>>) src(%arg2 : memref<4x16384xf32, #tpu.memory_space<vmem>>) dst(%dma_wait3A_896 : memref<4x16384xf32, #tpu.memory_space<any>>)
    %dma_wait3A_897 = arith.constant 168 : i32
    %dma_wait3A_898 = arith.constant 0 : i32
    %dma_wait3A_899 = tpu.memref_slice %arg1[%dma_wait3A_897, %dma_wait3A_898] : memref<1024x16384xf32, #tpu.memory_space<any>> -> memref<4x16384xf32, #tpu.memory_space<any>>
    tpu.wait_dma2 semaphore(%arg3 : memref<!tpu.dma_semaphore, #tpu.memory_space<semaphore_mem>>) src(%arg2 : memref<4x16384xf32, #tpu.memory_space<vmem>>) dst(%dma_wait3A_899 : memref<4x16384xf32, #tpu.memory_space<any>>)
    %dma_wait3A_900 = arith.constant 172 : i32
    %dma_wait3A_901 = arith.constant 0 : i32
    %dma_wait3A_902 = tpu.memref_slice %arg1[%dma_wait3A_900, %dma_wait3A_901] : memref<1024x16384xf32, #tpu.memory_space<any>> -> memref<4x16384xf32, #tpu.memory_space<any>>
    tpu.wait_dma2 semaphore(%arg3 : memref<!tpu.dma_semaphore, #tpu.memory_space<semaphore_mem>>) src(%arg2 : memref<4x16384xf32, #tpu.memory_space<vmem>>) dst(%dma_wait3A_902 : memref<4x16384xf32, #tpu.memory_space<any>>)
    %dma_wait3A_903 = arith.constant 176 : i32
    %dma_wait3A_904 = arith.constant 0 : i32
    %dma_wait3A_905 = tpu.memref_slice %arg1[%dma_wait3A_903, %dma_wait3A_904] : memref<1024x16384xf32, #tpu.memory_space<any>> -> memref<4x16384xf32, #tpu.memory_space<any>>
    tpu.wait_dma2 semaphore(%arg3 : memref<!tpu.dma_semaphore, #tpu.memory_space<semaphore_mem>>) src(%arg2 : memref<4x16384xf32, #tpu.memory_space<vmem>>) dst(%dma_wait3A_905 : memref<4x16384xf32, #tpu.memory_space<any>>)
    %dma_wait3A_906 = arith.constant 180 : i32
    %dma_wait3A_907 = arith.constant 0 : i32
    %dma_wait3A_908 = tpu.memref_slice %arg1[%dma_wait3A_906, %dma_wait3A_907] : memref<1024x16384xf32, #tpu.memory_space<any>> -> memref<4x16384xf32, #tpu.memory_space<any>>
    tpu.wait_dma2 semaphore(%arg3 : memref<!tpu.dma_semaphore, #tpu.memory_space<semaphore_mem>>) src(%arg2 : memref<4x16384xf32, #tpu.memory_space<vmem>>) dst(%dma_wait3A_908 : memref<4x16384xf32, #tpu.memory_space<any>>)
    %dma_wait3A_909 = arith.constant 184 : i32
    %dma_wait3A_910 = arith.constant 0 : i32
    %dma_wait3A_911 = tpu.memref_slice %arg1[%dma_wait3A_909, %dma_wait3A_910] : memref<1024x16384xf32, #tpu.memory_space<any>> -> memref<4x16384xf32, #tpu.memory_space<any>>
    tpu.wait_dma2 semaphore(%arg3 : memref<!tpu.dma_semaphore, #tpu.memory_space<semaphore_mem>>) src(%arg2 : memref<4x16384xf32, #tpu.memory_space<vmem>>) dst(%dma_wait3A_911 : memref<4x16384xf32, #tpu.memory_space<any>>)
    %dma_wait3A_912 = arith.constant 188 : i32
    %dma_wait3A_913 = arith.constant 0 : i32
    %dma_wait3A_914 = tpu.memref_slice %arg1[%dma_wait3A_912, %dma_wait3A_913] : memref<1024x16384xf32, #tpu.memory_space<any>> -> memref<4x16384xf32, #tpu.memory_space<any>>
    tpu.wait_dma2 semaphore(%arg3 : memref<!tpu.dma_semaphore, #tpu.memory_space<semaphore_mem>>) src(%arg2 : memref<4x16384xf32, #tpu.memory_space<vmem>>) dst(%dma_wait3A_914 : memref<4x16384xf32, #tpu.memory_space<any>>)
    %dma_wait3A_915 = arith.constant 192 : i32
    %dma_wait3A_916 = arith.constant 0 : i32
    %dma_wait3A_917 = tpu.memref_slice %arg1[%dma_wait3A_915, %dma_wait3A_916] : memref<1024x16384xf32, #tpu.memory_space<any>> -> memref<4x16384xf32, #tpu.memory_space<any>>
    tpu.wait_dma2 semaphore(%arg3 : memref<!tpu.dma_semaphore, #tpu.memory_space<semaphore_mem>>) src(%arg2 : memref<4x16384xf32, #tpu.memory_space<vmem>>) dst(%dma_wait3A_917 : memref<4x16384xf32, #tpu.memory_space<any>>)
    %dma_wait3A_918 = arith.constant 196 : i32
    %dma_wait3A_919 = arith.constant 0 : i32
    %dma_wait3A_920 = tpu.memref_slice %arg1[%dma_wait3A_918, %dma_wait3A_919] : memref<1024x16384xf32, #tpu.memory_space<any>> -> memref<4x16384xf32, #tpu.memory_space<any>>
    tpu.wait_dma2 semaphore(%arg3 : memref<!tpu.dma_semaphore, #tpu.memory_space<semaphore_mem>>) src(%arg2 : memref<4x16384xf32, #tpu.memory_space<vmem>>) dst(%dma_wait3A_920 : memref<4x16384xf32, #tpu.memory_space<any>>)
    %dma_wait3A_921 = arith.constant 200 : i32
    %dma_wait3A_922 = arith.constant 0 : i32
    %dma_wait3A_923 = tpu.memref_slice %arg1[%dma_wait3A_921, %dma_wait3A_922] : memref<1024x16384xf32, #tpu.memory_space<any>> -> memref<4x16384xf32, #tpu.memory_space<any>>
    tpu.wait_dma2 semaphore(%arg3 : memref<!tpu.dma_semaphore, #tpu.memory_space<semaphore_mem>>) src(%arg2 : memref<4x16384xf32, #tpu.memory_space<vmem>>) dst(%dma_wait3A_923 : memref<4x16384xf32, #tpu.memory_space<any>>)
    %dma_wait3A_924 = arith.constant 204 : i32
    %dma_wait3A_925 = arith.constant 0 : i32
    %dma_wait3A_926 = tpu.memref_slice %arg1[%dma_wait3A_924, %dma_wait3A_925] : memref<1024x16384xf32, #tpu.memory_space<any>> -> memref<4x16384xf32, #tpu.memory_space<any>>
    tpu.wait_dma2 semaphore(%arg3 : memref<!tpu.dma_semaphore, #tpu.memory_space<semaphore_mem>>) src(%arg2 : memref<4x16384xf32, #tpu.memory_space<vmem>>) dst(%dma_wait3A_926 : memref<4x16384xf32, #tpu.memory_space<any>>)
    %dma_wait3A_927 = arith.constant 208 : i32
    %dma_wait3A_928 = arith.constant 0 : i32
    %dma_wait3A_929 = tpu.memref_slice %arg1[%dma_wait3A_927, %dma_wait3A_928] : memref<1024x16384xf32, #tpu.memory_space<any>> -> memref<4x16384xf32, #tpu.memory_space<any>>
    tpu.wait_dma2 semaphore(%arg3 : memref<!tpu.dma_semaphore, #tpu.memory_space<semaphore_mem>>) src(%arg2 : memref<4x16384xf32, #tpu.memory_space<vmem>>) dst(%dma_wait3A_929 : memref<4x16384xf32, #tpu.memory_space<any>>)
    %dma_wait3A_930 = arith.constant 212 : i32
    %dma_wait3A_931 = arith.constant 0 : i32
    %dma_wait3A_932 = tpu.memref_slice %arg1[%dma_wait3A_930, %dma_wait3A_931] : memref<1024x16384xf32, #tpu.memory_space<any>> -> memref<4x16384xf32, #tpu.memory_space<any>>
    tpu.wait_dma2 semaphore(%arg3 : memref<!tpu.dma_semaphore, #tpu.memory_space<semaphore_mem>>) src(%arg2 : memref<4x16384xf32, #tpu.memory_space<vmem>>) dst(%dma_wait3A_932 : memref<4x16384xf32, #tpu.memory_space<any>>)
    %dma_wait3A_933 = arith.constant 216 : i32
    %dma_wait3A_934 = arith.constant 0 : i32
    %dma_wait3A_935 = tpu.memref_slice %arg1[%dma_wait3A_933, %dma_wait3A_934] : memref<1024x16384xf32, #tpu.memory_space<any>> -> memref<4x16384xf32, #tpu.memory_space<any>>
    tpu.wait_dma2 semaphore(%arg3 : memref<!tpu.dma_semaphore, #tpu.memory_space<semaphore_mem>>) src(%arg2 : memref<4x16384xf32, #tpu.memory_space<vmem>>) dst(%dma_wait3A_935 : memref<4x16384xf32, #tpu.memory_space<any>>)
    %dma_wait3A_936 = arith.constant 220 : i32
    %dma_wait3A_937 = arith.constant 0 : i32
    %dma_wait3A_938 = tpu.memref_slice %arg1[%dma_wait3A_936, %dma_wait3A_937] : memref<1024x16384xf32, #tpu.memory_space<any>> -> memref<4x16384xf32, #tpu.memory_space<any>>
    tpu.wait_dma2 semaphore(%arg3 : memref<!tpu.dma_semaphore, #tpu.memory_space<semaphore_mem>>) src(%arg2 : memref<4x16384xf32, #tpu.memory_space<vmem>>) dst(%dma_wait3A_938 : memref<4x16384xf32, #tpu.memory_space<any>>)
    %dma_wait3A_939 = arith.constant 224 : i32
    %dma_wait3A_940 = arith.constant 0 : i32
    %dma_wait3A_941 = tpu.memref_slice %arg1[%dma_wait3A_939, %dma_wait3A_940] : memref<1024x16384xf32, #tpu.memory_space<any>> -> memref<4x16384xf32, #tpu.memory_space<any>>
    tpu.wait_dma2 semaphore(%arg3 : memref<!tpu.dma_semaphore, #tpu.memory_space<semaphore_mem>>) src(%arg2 : memref<4x16384xf32, #tpu.memory_space<vmem>>) dst(%dma_wait3A_941 : memref<4x16384xf32, #tpu.memory_space<any>>)
    %dma_wait3A_942 = arith.constant 228 : i32
    %dma_wait3A_943 = arith.constant 0 : i32
    %dma_wait3A_944 = tpu.memref_slice %arg1[%dma_wait3A_942, %dma_wait3A_943] : memref<1024x16384xf32, #tpu.memory_space<any>> -> memref<4x16384xf32, #tpu.memory_space<any>>
    tpu.wait_dma2 semaphore(%arg3 : memref<!tpu.dma_semaphore, #tpu.memory_space<semaphore_mem>>) src(%arg2 : memref<4x16384xf32, #tpu.memory_space<vmem>>) dst(%dma_wait3A_944 : memref<4x16384xf32, #tpu.memory_space<any>>)
    %dma_wait3A_945 = arith.constant 232 : i32
    %dma_wait3A_946 = arith.constant 0 : i32
    %dma_wait3A_947 = tpu.memref_slice %arg1[%dma_wait3A_945, %dma_wait3A_946] : memref<1024x16384xf32, #tpu.memory_space<any>> -> memref<4x16384xf32, #tpu.memory_space<any>>
    tpu.wait_dma2 semaphore(%arg3 : memref<!tpu.dma_semaphore, #tpu.memory_space<semaphore_mem>>) src(%arg2 : memref<4x16384xf32, #tpu.memory_space<vmem>>) dst(%dma_wait3A_947 : memref<4x16384xf32, #tpu.memory_space<any>>)
    %dma_wait3A_948 = arith.constant 236 : i32
    %dma_wait3A_949 = arith.constant 0 : i32
    %dma_wait3A_950 = tpu.memref_slice %arg1[%dma_wait3A_948, %dma_wait3A_949] : memref<1024x16384xf32, #tpu.memory_space<any>> -> memref<4x16384xf32, #tpu.memory_space<any>>
    tpu.wait_dma2 semaphore(%arg3 : memref<!tpu.dma_semaphore, #tpu.memory_space<semaphore_mem>>) src(%arg2 : memref<4x16384xf32, #tpu.memory_space<vmem>>) dst(%dma_wait3A_950 : memref<4x16384xf32, #tpu.memory_space<any>>)
    %dma_wait3A_951 = arith.constant 240 : i32
    %dma_wait3A_952 = arith.constant 0 : i32
    %dma_wait3A_953 = tpu.memref_slice %arg1[%dma_wait3A_951, %dma_wait3A_952] : memref<1024x16384xf32, #tpu.memory_space<any>> -> memref<4x16384xf32, #tpu.memory_space<any>>
    tpu.wait_dma2 semaphore(%arg3 : memref<!tpu.dma_semaphore, #tpu.memory_space<semaphore_mem>>) src(%arg2 : memref<4x16384xf32, #tpu.memory_space<vmem>>) dst(%dma_wait3A_953 : memref<4x16384xf32, #tpu.memory_space<any>>)
    %dma_wait3A_954 = arith.constant 244 : i32
    %dma_wait3A_955 = arith.constant 0 : i32
    %dma_wait3A_956 = tpu.memref_slice %arg1[%dma_wait3A_954, %dma_wait3A_955] : memref<1024x16384xf32, #tpu.memory_space<any>> -> memref<4x16384xf32, #tpu.memory_space<any>>
    tpu.wait_dma2 semaphore(%arg3 : memref<!tpu.dma_semaphore, #tpu.memory_space<semaphore_mem>>) src(%arg2 : memref<4x16384xf32, #tpu.memory_space<vmem>>) dst(%dma_wait3A_956 : memref<4x16384xf32, #tpu.memory_space<any>>)
    %dma_wait3A_957 = arith.constant 248 : i32
    %dma_wait3A_958 = arith.constant 0 : i32
    %dma_wait3A_959 = tpu.memref_slice %arg1[%dma_wait3A_957, %dma_wait3A_958] : memref<1024x16384xf32, #tpu.memory_space<any>> -> memref<4x16384xf32, #tpu.memory_space<any>>
    tpu.wait_dma2 semaphore(%arg3 : memref<!tpu.dma_semaphore, #tpu.memory_space<semaphore_mem>>) src(%arg2 : memref<4x16384xf32, #tpu.memory_space<vmem>>) dst(%dma_wait3A_959 : memref<4x16384xf32, #tpu.memory_space<any>>)
    %dma_wait3A_960 = arith.constant 252 : i32
    %dma_wait3A_961 = arith.constant 0 : i32
    %dma_wait3A_962 = tpu.memref_slice %arg1[%dma_wait3A_960, %dma_wait3A_961] : memref<1024x16384xf32, #tpu.memory_space<any>> -> memref<4x16384xf32, #tpu.memory_space<any>>
    tpu.wait_dma2 semaphore(%arg3 : memref<!tpu.dma_semaphore, #tpu.memory_space<semaphore_mem>>) src(%arg2 : memref<4x16384xf32, #tpu.memory_space<vmem>>) dst(%dma_wait3A_962 : memref<4x16384xf32, #tpu.memory_space<any>>)
    %dma_wait3A_963 = arith.constant 256 : i32
    %dma_wait3A_964 = arith.constant 0 : i32
    %dma_wait3A_965 = tpu.memref_slice %arg1[%dma_wait3A_963, %dma_wait3A_964] : memref<1024x16384xf32, #tpu.memory_space<any>> -> memref<4x16384xf32, #tpu.memory_space<any>>
    tpu.wait_dma2 semaphore(%arg3 : memref<!tpu.dma_semaphore, #tpu.memory_space<semaphore_mem>>) src(%arg2 : memref<4x16384xf32, #tpu.memory_space<vmem>>) dst(%dma_wait3A_965 : memref<4x16384xf32, #tpu.memory_space<any>>)
    %dma_wait3A_966 = arith.constant 260 : i32
    %dma_wait3A_967 = arith.constant 0 : i32
    %dma_wait3A_968 = tpu.memref_slice %arg1[%dma_wait3A_966, %dma_wait3A_967] : memref<1024x16384xf32, #tpu.memory_space<any>> -> memref<4x16384xf32, #tpu.memory_space<any>>
    tpu.wait_dma2 semaphore(%arg3 : memref<!tpu.dma_semaphore, #tpu.memory_space<semaphore_mem>>) src(%arg2 : memref<4x16384xf32, #tpu.memory_space<vmem>>) dst(%dma_wait3A_968 : memref<4x16384xf32, #tpu.memory_space<any>>)
    %dma_wait3A_969 = arith.constant 264 : i32
    %dma_wait3A_970 = arith.constant 0 : i32
    %dma_wait3A_971 = tpu.memref_slice %arg1[%dma_wait3A_969, %dma_wait3A_970] : memref<1024x16384xf32, #tpu.memory_space<any>> -> memref<4x16384xf32, #tpu.memory_space<any>>
    tpu.wait_dma2 semaphore(%arg3 : memref<!tpu.dma_semaphore, #tpu.memory_space<semaphore_mem>>) src(%arg2 : memref<4x16384xf32, #tpu.memory_space<vmem>>) dst(%dma_wait3A_971 : memref<4x16384xf32, #tpu.memory_space<any>>)
    %dma_wait3A_972 = arith.constant 268 : i32
    %dma_wait3A_973 = arith.constant 0 : i32
    %dma_wait3A_974 = tpu.memref_slice %arg1[%dma_wait3A_972, %dma_wait3A_973] : memref<1024x16384xf32, #tpu.memory_space<any>> -> memref<4x16384xf32, #tpu.memory_space<any>>
    tpu.wait_dma2 semaphore(%arg3 : memref<!tpu.dma_semaphore, #tpu.memory_space<semaphore_mem>>) src(%arg2 : memref<4x16384xf32, #tpu.memory_space<vmem>>) dst(%dma_wait3A_974 : memref<4x16384xf32, #tpu.memory_space<any>>)
    %dma_wait3A_975 = arith.constant 272 : i32
    %dma_wait3A_976 = arith.constant 0 : i32
    %dma_wait3A_977 = tpu.memref_slice %arg1[%dma_wait3A_975, %dma_wait3A_976] : memref<1024x16384xf32, #tpu.memory_space<any>> -> memref<4x16384xf32, #tpu.memory_space<any>>
    tpu.wait_dma2 semaphore(%arg3 : memref<!tpu.dma_semaphore, #tpu.memory_space<semaphore_mem>>) src(%arg2 : memref<4x16384xf32, #tpu.memory_space<vmem>>) dst(%dma_wait3A_977 : memref<4x16384xf32, #tpu.memory_space<any>>)
    %dma_wait3A_978 = arith.constant 276 : i32
    %dma_wait3A_979 = arith.constant 0 : i32
    %dma_wait3A_980 = tpu.memref_slice %arg1[%dma_wait3A_978, %dma_wait3A_979] : memref<1024x16384xf32, #tpu.memory_space<any>> -> memref<4x16384xf32, #tpu.memory_space<any>>
    tpu.wait_dma2 semaphore(%arg3 : memref<!tpu.dma_semaphore, #tpu.memory_space<semaphore_mem>>) src(%arg2 : memref<4x16384xf32, #tpu.memory_space<vmem>>) dst(%dma_wait3A_980 : memref<4x16384xf32, #tpu.memory_space<any>>)
    %dma_wait3A_981 = arith.constant 280 : i32
    %dma_wait3A_982 = arith.constant 0 : i32
    %dma_wait3A_983 = tpu.memref_slice %arg1[%dma_wait3A_981, %dma_wait3A_982] : memref<1024x16384xf32, #tpu.memory_space<any>> -> memref<4x16384xf32, #tpu.memory_space<any>>
    tpu.wait_dma2 semaphore(%arg3 : memref<!tpu.dma_semaphore, #tpu.memory_space<semaphore_mem>>) src(%arg2 : memref<4x16384xf32, #tpu.memory_space<vmem>>) dst(%dma_wait3A_983 : memref<4x16384xf32, #tpu.memory_space<any>>)
    %dma_wait3A_984 = arith.constant 284 : i32
    %dma_wait3A_985 = arith.constant 0 : i32
    %dma_wait3A_986 = tpu.memref_slice %arg1[%dma_wait3A_984, %dma_wait3A_985] : memref<1024x16384xf32, #tpu.memory_space<any>> -> memref<4x16384xf32, #tpu.memory_space<any>>
    tpu.wait_dma2 semaphore(%arg3 : memref<!tpu.dma_semaphore, #tpu.memory_space<semaphore_mem>>) src(%arg2 : memref<4x16384xf32, #tpu.memory_space<vmem>>) dst(%dma_wait3A_986 : memref<4x16384xf32, #tpu.memory_space<any>>)
    %dma_wait3A_987 = arith.constant 288 : i32
    %dma_wait3A_988 = arith.constant 0 : i32
    %dma_wait3A_989 = tpu.memref_slice %arg1[%dma_wait3A_987, %dma_wait3A_988] : memref<1024x16384xf32, #tpu.memory_space<any>> -> memref<4x16384xf32, #tpu.memory_space<any>>
    tpu.wait_dma2 semaphore(%arg3 : memref<!tpu.dma_semaphore, #tpu.memory_space<semaphore_mem>>) src(%arg2 : memref<4x16384xf32, #tpu.memory_space<vmem>>) dst(%dma_wait3A_989 : memref<4x16384xf32, #tpu.memory_space<any>>)
    %dma_wait3A_990 = arith.constant 292 : i32
    %dma_wait3A_991 = arith.constant 0 : i32
    %dma_wait3A_992 = tpu.memref_slice %arg1[%dma_wait3A_990, %dma_wait3A_991] : memref<1024x16384xf32, #tpu.memory_space<any>> -> memref<4x16384xf32, #tpu.memory_space<any>>
    tpu.wait_dma2 semaphore(%arg3 : memref<!tpu.dma_semaphore, #tpu.memory_space<semaphore_mem>>) src(%arg2 : memref<4x16384xf32, #tpu.memory_space<vmem>>) dst(%dma_wait3A_992 : memref<4x16384xf32, #tpu.memory_space<any>>)
    %dma_wait3A_993 = arith.constant 296 : i32
    %dma_wait3A_994 = arith.constant 0 : i32
    %dma_wait3A_995 = tpu.memref_slice %arg1[%dma_wait3A_993, %dma_wait3A_994] : memref<1024x16384xf32, #tpu.memory_space<any>> -> memref<4x16384xf32, #tpu.memory_space<any>>
    tpu.wait_dma2 semaphore(%arg3 : memref<!tpu.dma_semaphore, #tpu.memory_space<semaphore_mem>>) src(%arg2 : memref<4x16384xf32, #tpu.memory_space<vmem>>) dst(%dma_wait3A_995 : memref<4x16384xf32, #tpu.memory_space<any>>)
    %dma_wait3A_996 = arith.constant 300 : i32
    %dma_wait3A_997 = arith.constant 0 : i32
    %dma_wait3A_998 = tpu.memref_slice %arg1[%dma_wait3A_996, %dma_wait3A_997] : memref<1024x16384xf32, #tpu.memory_space<any>> -> memref<4x16384xf32, #tpu.memory_space<any>>
    tpu.wait_dma2 semaphore(%arg3 : memref<!tpu.dma_semaphore, #tpu.memory_space<semaphore_mem>>) src(%arg2 : memref<4x16384xf32, #tpu.memory_space<vmem>>) dst(%dma_wait3A_998 : memref<4x16384xf32, #tpu.memory_space<any>>)
    %dma_wait3A_999 = arith.constant 304 : i32
    %dma_wait3A_1000 = arith.constant 0 : i32
    %dma_wait3A_1001 = tpu.memref_slice %arg1[%dma_wait3A_999, %dma_wait3A_1000] : memref<1024x16384xf32, #tpu.memory_space<any>> -> memref<4x16384xf32, #tpu.memory_space<any>>
    tpu.wait_dma2 semaphore(%arg3 : memref<!tpu.dma_semaphore, #tpu.memory_space<semaphore_mem>>) src(%arg2 : memref<4x16384xf32, #tpu.memory_space<vmem>>) dst(%dma_wait3A_1001 : memref<4x16384xf32, #tpu.memory_space<any>>)
    %dma_wait3A_1002 = arith.constant 308 : i32
    %dma_wait3A_1003 = arith.constant 0 : i32
    %dma_wait3A_1004 = tpu.memref_slice %arg1[%dma_wait3A_1002, %dma_wait3A_1003] : memref<1024x16384xf32, #tpu.memory_space<any>> -> memref<4x16384xf32, #tpu.memory_space<any>>
    tpu.wait_dma2 semaphore(%arg3 : memref<!tpu.dma_semaphore, #tpu.memory_space<semaphore_mem>>) src(%arg2 : memref<4x16384xf32, #tpu.memory_space<vmem>>) dst(%dma_wait3A_1004 : memref<4x16384xf32, #tpu.memory_space<any>>)
    %dma_wait3A_1005 = arith.constant 312 : i32
    %dma_wait3A_1006 = arith.constant 0 : i32
    %dma_wait3A_1007 = tpu.memref_slice %arg1[%dma_wait3A_1005, %dma_wait3A_1006] : memref<1024x16384xf32, #tpu.memory_space<any>> -> memref<4x16384xf32, #tpu.memory_space<any>>
    tpu.wait_dma2 semaphore(%arg3 : memref<!tpu.dma_semaphore, #tpu.memory_space<semaphore_mem>>) src(%arg2 : memref<4x16384xf32, #tpu.memory_space<vmem>>) dst(%dma_wait3A_1007 : memref<4x16384xf32, #tpu.memory_space<any>>)
    %dma_wait3A_1008 = arith.constant 316 : i32
    %dma_wait3A_1009 = arith.constant 0 : i32
    %dma_wait3A_1010 = tpu.memref_slice %arg1[%dma_wait3A_1008, %dma_wait3A_1009] : memref<1024x16384xf32, #tpu.memory_space<any>> -> memref<4x16384xf32, #tpu.memory_space<any>>
    tpu.wait_dma2 semaphore(%arg3 : memref<!tpu.dma_semaphore, #tpu.memory_space<semaphore_mem>>) src(%arg2 : memref<4x16384xf32, #tpu.memory_space<vmem>>) dst(%dma_wait3A_1010 : memref<4x16384xf32, #tpu.memory_space<any>>)
    %dma_wait3A_1011 = arith.constant 320 : i32
    %dma_wait3A_1012 = arith.constant 0 : i32
    %dma_wait3A_1013 = tpu.memref_slice %arg1[%dma_wait3A_1011, %dma_wait3A_1012] : memref<1024x16384xf32, #tpu.memory_space<any>> -> memref<4x16384xf32, #tpu.memory_space<any>>
    tpu.wait_dma2 semaphore(%arg3 : memref<!tpu.dma_semaphore, #tpu.memory_space<semaphore_mem>>) src(%arg2 : memref<4x16384xf32, #tpu.memory_space<vmem>>) dst(%dma_wait3A_1013 : memref<4x16384xf32, #tpu.memory_space<any>>)
    %dma_wait3A_1014 = arith.constant 324 : i32
    %dma_wait3A_1015 = arith.constant 0 : i32
    %dma_wait3A_1016 = tpu.memref_slice %arg1[%dma_wait3A_1014, %dma_wait3A_1015] : memref<1024x16384xf32, #tpu.memory_space<any>> -> memref<4x16384xf32, #tpu.memory_space<any>>
    tpu.wait_dma2 semaphore(%arg3 : memref<!tpu.dma_semaphore, #tpu.memory_space<semaphore_mem>>) src(%arg2 : memref<4x16384xf32, #tpu.memory_space<vmem>>) dst(%dma_wait3A_1016 : memref<4x16384xf32, #tpu.memory_space<any>>)
    %dma_wait3A_1017 = arith.constant 328 : i32
    %dma_wait3A_1018 = arith.constant 0 : i32
    %dma_wait3A_1019 = tpu.memref_slice %arg1[%dma_wait3A_1017, %dma_wait3A_1018] : memref<1024x16384xf32, #tpu.memory_space<any>> -> memref<4x16384xf32, #tpu.memory_space<any>>
    tpu.wait_dma2 semaphore(%arg3 : memref<!tpu.dma_semaphore, #tpu.memory_space<semaphore_mem>>) src(%arg2 : memref<4x16384xf32, #tpu.memory_space<vmem>>) dst(%dma_wait3A_1019 : memref<4x16384xf32, #tpu.memory_space<any>>)
    %dma_wait3A_1020 = arith.constant 332 : i32
    %dma_wait3A_1021 = arith.constant 0 : i32
    %dma_wait3A_1022 = tpu.memref_slice %arg1[%dma_wait3A_1020, %dma_wait3A_1021] : memref<1024x16384xf32, #tpu.memory_space<any>> -> memref<4x16384xf32, #tpu.memory_space<any>>
    tpu.wait_dma2 semaphore(%arg3 : memref<!tpu.dma_semaphore, #tpu.memory_space<semaphore_mem>>) src(%arg2 : memref<4x16384xf32, #tpu.memory_space<vmem>>) dst(%dma_wait3A_1022 : memref<4x16384xf32, #tpu.memory_space<any>>)
    %dma_wait3A_1023 = arith.constant 336 : i32
    %dma_wait3A_1024 = arith.constant 0 : i32
    %dma_wait3A_1025 = tpu.memref_slice %arg1[%dma_wait3A_1023, %dma_wait3A_1024] : memref<1024x16384xf32, #tpu.memory_space<any>> -> memref<4x16384xf32, #tpu.memory_space<any>>
    tpu.wait_dma2 semaphore(%arg3 : memref<!tpu.dma_semaphore, #tpu.memory_space<semaphore_mem>>) src(%arg2 : memref<4x16384xf32, #tpu.memory_space<vmem>>) dst(%dma_wait3A_1025 : memref<4x16384xf32, #tpu.memory_space<any>>)
    %dma_wait3A_1026 = arith.constant 340 : i32
    %dma_wait3A_1027 = arith.constant 0 : i32
    %dma_wait3A_1028 = tpu.memref_slice %arg1[%dma_wait3A_1026, %dma_wait3A_1027] : memref<1024x16384xf32, #tpu.memory_space<any>> -> memref<4x16384xf32, #tpu.memory_space<any>>
    tpu.wait_dma2 semaphore(%arg3 : memref<!tpu.dma_semaphore, #tpu.memory_space<semaphore_mem>>) src(%arg2 : memref<4x16384xf32, #tpu.memory_space<vmem>>) dst(%dma_wait3A_1028 : memref<4x16384xf32, #tpu.memory_space<any>>)
    %dma_wait3A_1029 = arith.constant 344 : i32
    %dma_wait3A_1030 = arith.constant 0 : i32
    %dma_wait3A_1031 = tpu.memref_slice %arg1[%dma_wait3A_1029, %dma_wait3A_1030] : memref<1024x16384xf32, #tpu.memory_space<any>> -> memref<4x16384xf32, #tpu.memory_space<any>>
    tpu.wait_dma2 semaphore(%arg3 : memref<!tpu.dma_semaphore, #tpu.memory_space<semaphore_mem>>) src(%arg2 : memref<4x16384xf32, #tpu.memory_space<vmem>>) dst(%dma_wait3A_1031 : memref<4x16384xf32, #tpu.memory_space<any>>)
    %dma_wait3A_1032 = arith.constant 348 : i32
    %dma_wait3A_1033 = arith.constant 0 : i32
    %dma_wait3A_1034 = tpu.memref_slice %arg1[%dma_wait3A_1032, %dma_wait3A_1033] : memref<1024x16384xf32, #tpu.memory_space<any>> -> memref<4x16384xf32, #tpu.memory_space<any>>
    tpu.wait_dma2 semaphore(%arg3 : memref<!tpu.dma_semaphore, #tpu.memory_space<semaphore_mem>>) src(%arg2 : memref<4x16384xf32, #tpu.memory_space<vmem>>) dst(%dma_wait3A_1034 : memref<4x16384xf32, #tpu.memory_space<any>>)
    %dma_wait3A_1035 = arith.constant 352 : i32
    %dma_wait3A_1036 = arith.constant 0 : i32
    %dma_wait3A_1037 = tpu.memref_slice %arg1[%dma_wait3A_1035, %dma_wait3A_1036] : memref<1024x16384xf32, #tpu.memory_space<any>> -> memref<4x16384xf32, #tpu.memory_space<any>>
    tpu.wait_dma2 semaphore(%arg3 : memref<!tpu.dma_semaphore, #tpu.memory_space<semaphore_mem>>) src(%arg2 : memref<4x16384xf32, #tpu.memory_space<vmem>>) dst(%dma_wait3A_1037 : memref<4x16384xf32, #tpu.memory_space<any>>)
    %dma_wait3A_1038 = arith.constant 356 : i32
    %dma_wait3A_1039 = arith.constant 0 : i32
    %dma_wait3A_1040 = tpu.memref_slice %arg1[%dma_wait3A_1038, %dma_wait3A_1039] : memref<1024x16384xf32, #tpu.memory_space<any>> -> memref<4x16384xf32, #tpu.memory_space<any>>
    tpu.wait_dma2 semaphore(%arg3 : memref<!tpu.dma_semaphore, #tpu.memory_space<semaphore_mem>>) src(%arg2 : memref<4x16384xf32, #tpu.memory_space<vmem>>) dst(%dma_wait3A_1040 : memref<4x16384xf32, #tpu.memory_space<any>>)
    %dma_wait3A_1041 = arith.constant 360 : i32
    %dma_wait3A_1042 = arith.constant 0 : i32
    %dma_wait3A_1043 = tpu.memref_slice %arg1[%dma_wait3A_1041, %dma_wait3A_1042] : memref<1024x16384xf32, #tpu.memory_space<any>> -> memref<4x16384xf32, #tpu.memory_space<any>>
    tpu.wait_dma2 semaphore(%arg3 : memref<!tpu.dma_semaphore, #tpu.memory_space<semaphore_mem>>) src(%arg2 : memref<4x16384xf32, #tpu.memory_space<vmem>>) dst(%dma_wait3A_1043 : memref<4x16384xf32, #tpu.memory_space<any>>)
    %dma_wait3A_1044 = arith.constant 364 : i32
    %dma_wait3A_1045 = arith.constant 0 : i32
    %dma_wait3A_1046 = tpu.memref_slice %arg1[%dma_wait3A_1044, %dma_wait3A_1045] : memref<1024x16384xf32, #tpu.memory_space<any>> -> memref<4x16384xf32, #tpu.memory_space<any>>
    tpu.wait_dma2 semaphore(%arg3 : memref<!tpu.dma_semaphore, #tpu.memory_space<semaphore_mem>>) src(%arg2 : memref<4x16384xf32, #tpu.memory_space<vmem>>) dst(%dma_wait3A_1046 : memref<4x16384xf32, #tpu.memory_space<any>>)
    %dma_wait3A_1047 = arith.constant 368 : i32
    %dma_wait3A_1048 = arith.constant 0 : i32
    %dma_wait3A_1049 = tpu.memref_slice %arg1[%dma_wait3A_1047, %dma_wait3A_1048] : memref<1024x16384xf32, #tpu.memory_space<any>> -> memref<4x16384xf32, #tpu.memory_space<any>>
    tpu.wait_dma2 semaphore(%arg3 : memref<!tpu.dma_semaphore, #tpu.memory_space<semaphore_mem>>) src(%arg2 : memref<4x16384xf32, #tpu.memory_space<vmem>>) dst(%dma_wait3A_1049 : memref<4x16384xf32, #tpu.memory_space<any>>)
    %dma_wait3A_1050 = arith.constant 372 : i32
    %dma_wait3A_1051 = arith.constant 0 : i32
    %dma_wait3A_1052 = tpu.memref_slice %arg1[%dma_wait3A_1050, %dma_wait3A_1051] : memref<1024x16384xf32, #tpu.memory_space<any>> -> memref<4x16384xf32, #tpu.memory_space<any>>
    tpu.wait_dma2 semaphore(%arg3 : memref<!tpu.dma_semaphore, #tpu.memory_space<semaphore_mem>>) src(%arg2 : memref<4x16384xf32, #tpu.memory_space<vmem>>) dst(%dma_wait3A_1052 : memref<4x16384xf32, #tpu.memory_space<any>>)
    %dma_wait3A_1053 = arith.constant 376 : i32
    %dma_wait3A_1054 = arith.constant 0 : i32
    %dma_wait3A_1055 = tpu.memref_slice %arg1[%dma_wait3A_1053, %dma_wait3A_1054] : memref<1024x16384xf32, #tpu.memory_space<any>> -> memref<4x16384xf32, #tpu.memory_space<any>>
    tpu.wait_dma2 semaphore(%arg3 : memref<!tpu.dma_semaphore, #tpu.memory_space<semaphore_mem>>) src(%arg2 : memref<4x16384xf32, #tpu.memory_space<vmem>>) dst(%dma_wait3A_1055 : memref<4x16384xf32, #tpu.memory_space<any>>)
    %dma_wait3A_1056 = arith.constant 380 : i32
    %dma_wait3A_1057 = arith.constant 0 : i32
    %dma_wait3A_1058 = tpu.memref_slice %arg1[%dma_wait3A_1056, %dma_wait3A_1057] : memref<1024x16384xf32, #tpu.memory_space<any>> -> memref<4x16384xf32, #tpu.memory_space<any>>
    tpu.wait_dma2 semaphore(%arg3 : memref<!tpu.dma_semaphore, #tpu.memory_space<semaphore_mem>>) src(%arg2 : memref<4x16384xf32, #tpu.memory_space<vmem>>) dst(%dma_wait3A_1058 : memref<4x16384xf32, #tpu.memory_space<any>>)
    %dma_wait3A_1059 = arith.constant 384 : i32
    %dma_wait3A_1060 = arith.constant 0 : i32
    %dma_wait3A_1061 = tpu.memref_slice %arg1[%dma_wait3A_1059, %dma_wait3A_1060] : memref<1024x16384xf32, #tpu.memory_space<any>> -> memref<4x16384xf32, #tpu.memory_space<any>>
    tpu.wait_dma2 semaphore(%arg3 : memref<!tpu.dma_semaphore, #tpu.memory_space<semaphore_mem>>) src(%arg2 : memref<4x16384xf32, #tpu.memory_space<vmem>>) dst(%dma_wait3A_1061 : memref<4x16384xf32, #tpu.memory_space<any>>)
    %dma_wait3A_1062 = arith.constant 388 : i32
    %dma_wait3A_1063 = arith.constant 0 : i32
    %dma_wait3A_1064 = tpu.memref_slice %arg1[%dma_wait3A_1062, %dma_wait3A_1063] : memref<1024x16384xf32, #tpu.memory_space<any>> -> memref<4x16384xf32, #tpu.memory_space<any>>
    tpu.wait_dma2 semaphore(%arg3 : memref<!tpu.dma_semaphore, #tpu.memory_space<semaphore_mem>>) src(%arg2 : memref<4x16384xf32, #tpu.memory_space<vmem>>) dst(%dma_wait3A_1064 : memref<4x16384xf32, #tpu.memory_space<any>>)
    %dma_wait3A_1065 = arith.constant 392 : i32
    %dma_wait3A_1066 = arith.constant 0 : i32
    %dma_wait3A_1067 = tpu.memref_slice %arg1[%dma_wait3A_1065, %dma_wait3A_1066] : memref<1024x16384xf32, #tpu.memory_space<any>> -> memref<4x16384xf32, #tpu.memory_space<any>>
    tpu.wait_dma2 semaphore(%arg3 : memref<!tpu.dma_semaphore, #tpu.memory_space<semaphore_mem>>) src(%arg2 : memref<4x16384xf32, #tpu.memory_space<vmem>>) dst(%dma_wait3A_1067 : memref<4x16384xf32, #tpu.memory_space<any>>)
    %dma_wait3A_1068 = arith.constant 396 : i32
    %dma_wait3A_1069 = arith.constant 0 : i32
    %dma_wait3A_1070 = tpu.memref_slice %arg1[%dma_wait3A_1068, %dma_wait3A_1069] : memref<1024x16384xf32, #tpu.memory_space<any>> -> memref<4x16384xf32, #tpu.memory_space<any>>
    tpu.wait_dma2 semaphore(%arg3 : memref<!tpu.dma_semaphore, #tpu.memory_space<semaphore_mem>>) src(%arg2 : memref<4x16384xf32, #tpu.memory_space<vmem>>) dst(%dma_wait3A_1070 : memref<4x16384xf32, #tpu.memory_space<any>>)
    %dma_wait3A_1071 = arith.constant 400 : i32
    %dma_wait3A_1072 = arith.constant 0 : i32
    %dma_wait3A_1073 = tpu.memref_slice %arg1[%dma_wait3A_1071, %dma_wait3A_1072] : memref<1024x16384xf32, #tpu.memory_space<any>> -> memref<4x16384xf32, #tpu.memory_space<any>>
    tpu.wait_dma2 semaphore(%arg3 : memref<!tpu.dma_semaphore, #tpu.memory_space<semaphore_mem>>) src(%arg2 : memref<4x16384xf32, #tpu.memory_space<vmem>>) dst(%dma_wait3A_1073 : memref<4x16384xf32, #tpu.memory_space<any>>)
    %dma_wait3A_1074 = arith.constant 404 : i32
    %dma_wait3A_1075 = arith.constant 0 : i32
    %dma_wait3A_1076 = tpu.memref_slice %arg1[%dma_wait3A_1074, %dma_wait3A_1075] : memref<1024x16384xf32, #tpu.memory_space<any>> -> memref<4x16384xf32, #tpu.memory_space<any>>
    tpu.wait_dma2 semaphore(%arg3 : memref<!tpu.dma_semaphore, #tpu.memory_space<semaphore_mem>>) src(%arg2 : memref<4x16384xf32, #tpu.memory_space<vmem>>) dst(%dma_wait3A_1076 : memref<4x16384xf32, #tpu.memory_space<any>>)
    %dma_wait3A_1077 = arith.constant 408 : i32
    %dma_wait3A_1078 = arith.constant 0 : i32
    %dma_wait3A_1079 = tpu.memref_slice %arg1[%dma_wait3A_1077, %dma_wait3A_1078] : memref<1024x16384xf32, #tpu.memory_space<any>> -> memref<4x16384xf32, #tpu.memory_space<any>>
    tpu.wait_dma2 semaphore(%arg3 : memref<!tpu.dma_semaphore, #tpu.memory_space<semaphore_mem>>) src(%arg2 : memref<4x16384xf32, #tpu.memory_space<vmem>>) dst(%dma_wait3A_1079 : memref<4x16384xf32, #tpu.memory_space<any>>)
    %dma_wait3A_1080 = arith.constant 412 : i32
    %dma_wait3A_1081 = arith.constant 0 : i32
    %dma_wait3A_1082 = tpu.memref_slice %arg1[%dma_wait3A_1080, %dma_wait3A_1081] : memref<1024x16384xf32, #tpu.memory_space<any>> -> memref<4x16384xf32, #tpu.memory_space<any>>
    tpu.wait_dma2 semaphore(%arg3 : memref<!tpu.dma_semaphore, #tpu.memory_space<semaphore_mem>>) src(%arg2 : memref<4x16384xf32, #tpu.memory_space<vmem>>) dst(%dma_wait3A_1082 : memref<4x16384xf32, #tpu.memory_space<any>>)
    %dma_wait3A_1083 = arith.constant 416 : i32
    %dma_wait3A_1084 = arith.constant 0 : i32
    %dma_wait3A_1085 = tpu.memref_slice %arg1[%dma_wait3A_1083, %dma_wait3A_1084] : memref<1024x16384xf32, #tpu.memory_space<any>> -> memref<4x16384xf32, #tpu.memory_space<any>>
    tpu.wait_dma2 semaphore(%arg3 : memref<!tpu.dma_semaphore, #tpu.memory_space<semaphore_mem>>) src(%arg2 : memref<4x16384xf32, #tpu.memory_space<vmem>>) dst(%dma_wait3A_1085 : memref<4x16384xf32, #tpu.memory_space<any>>)
    %dma_wait3A_1086 = arith.constant 420 : i32
    %dma_wait3A_1087 = arith.constant 0 : i32
    %dma_wait3A_1088 = tpu.memref_slice %arg1[%dma_wait3A_1086, %dma_wait3A_1087] : memref<1024x16384xf32, #tpu.memory_space<any>> -> memref<4x16384xf32, #tpu.memory_space<any>>
    tpu.wait_dma2 semaphore(%arg3 : memref<!tpu.dma_semaphore, #tpu.memory_space<semaphore_mem>>) src(%arg2 : memref<4x16384xf32, #tpu.memory_space<vmem>>) dst(%dma_wait3A_1088 : memref<4x16384xf32, #tpu.memory_space<any>>)
    %dma_wait3A_1089 = arith.constant 424 : i32
    %dma_wait3A_1090 = arith.constant 0 : i32
    %dma_wait3A_1091 = tpu.memref_slice %arg1[%dma_wait3A_1089, %dma_wait3A_1090] : memref<1024x16384xf32, #tpu.memory_space<any>> -> memref<4x16384xf32, #tpu.memory_space<any>>
    tpu.wait_dma2 semaphore(%arg3 : memref<!tpu.dma_semaphore, #tpu.memory_space<semaphore_mem>>) src(%arg2 : memref<4x16384xf32, #tpu.memory_space<vmem>>) dst(%dma_wait3A_1091 : memref<4x16384xf32, #tpu.memory_space<any>>)
    %dma_wait3A_1092 = arith.constant 428 : i32
    %dma_wait3A_1093 = arith.constant 0 : i32
    %dma_wait3A_1094 = tpu.memref_slice %arg1[%dma_wait3A_1092, %dma_wait3A_1093] : memref<1024x16384xf32, #tpu.memory_space<any>> -> memref<4x16384xf32, #tpu.memory_space<any>>
    tpu.wait_dma2 semaphore(%arg3 : memref<!tpu.dma_semaphore, #tpu.memory_space<semaphore_mem>>) src(%arg2 : memref<4x16384xf32, #tpu.memory_space<vmem>>) dst(%dma_wait3A_1094 : memref<4x16384xf32, #tpu.memory_space<any>>)
    %dma_wait3A_1095 = arith.constant 432 : i32
    %dma_wait3A_1096 = arith.constant 0 : i32
    %dma_wait3A_1097 = tpu.memref_slice %arg1[%dma_wait3A_1095, %dma_wait3A_1096] : memref<1024x16384xf32, #tpu.memory_space<any>> -> memref<4x16384xf32, #tpu.memory_space<any>>
    tpu.wait_dma2 semaphore(%arg3 : memref<!tpu.dma_semaphore, #tpu.memory_space<semaphore_mem>>) src(%arg2 : memref<4x16384xf32, #tpu.memory_space<vmem>>) dst(%dma_wait3A_1097 : memref<4x16384xf32, #tpu.memory_space<any>>)
    %dma_wait3A_1098 = arith.constant 436 : i32
    %dma_wait3A_1099 = arith.constant 0 : i32
    %dma_wait3A_1100 = tpu.memref_slice %arg1[%dma_wait3A_1098, %dma_wait3A_1099] : memref<1024x16384xf32, #tpu.memory_space<any>> -> memref<4x16384xf32, #tpu.memory_space<any>>
    tpu.wait_dma2 semaphore(%arg3 : memref<!tpu.dma_semaphore, #tpu.memory_space<semaphore_mem>>) src(%arg2 : memref<4x16384xf32, #tpu.memory_space<vmem>>) dst(%dma_wait3A_1100 : memref<4x16384xf32, #tpu.memory_space<any>>)
    %dma_wait3A_1101 = arith.constant 440 : i32
    %dma_wait3A_1102 = arith.constant 0 : i32
    %dma_wait3A_1103 = tpu.memref_slice %arg1[%dma_wait3A_1101, %dma_wait3A_1102] : memref<1024x16384xf32, #tpu.memory_space<any>> -> memref<4x16384xf32, #tpu.memory_space<any>>
    tpu.wait_dma2 semaphore(%arg3 : memref<!tpu.dma_semaphore, #tpu.memory_space<semaphore_mem>>) src(%arg2 : memref<4x16384xf32, #tpu.memory_space<vmem>>) dst(%dma_wait3A_1103 : memref<4x16384xf32, #tpu.memory_space<any>>)
    %dma_wait3A_1104 = arith.constant 444 : i32
    %dma_wait3A_1105 = arith.constant 0 : i32
    %dma_wait3A_1106 = tpu.memref_slice %arg1[%dma_wait3A_1104, %dma_wait3A_1105] : memref<1024x16384xf32, #tpu.memory_space<any>> -> memref<4x16384xf32, #tpu.memory_space<any>>
    tpu.wait_dma2 semaphore(%arg3 : memref<!tpu.dma_semaphore, #tpu.memory_space<semaphore_mem>>) src(%arg2 : memref<4x16384xf32, #tpu.memory_space<vmem>>) dst(%dma_wait3A_1106 : memref<4x16384xf32, #tpu.memory_space<any>>)
    %dma_wait3A_1107 = arith.constant 448 : i32
    %dma_wait3A_1108 = arith.constant 0 : i32
    %dma_wait3A_1109 = tpu.memref_slice %arg1[%dma_wait3A_1107, %dma_wait3A_1108] : memref<1024x16384xf32, #tpu.memory_space<any>> -> memref<4x16384xf32, #tpu.memory_space<any>>
    tpu.wait_dma2 semaphore(%arg3 : memref<!tpu.dma_semaphore, #tpu.memory_space<semaphore_mem>>) src(%arg2 : memref<4x16384xf32, #tpu.memory_space<vmem>>) dst(%dma_wait3A_1109 : memref<4x16384xf32, #tpu.memory_space<any>>)
    %dma_wait3A_1110 = arith.constant 452 : i32
    %dma_wait3A_1111 = arith.constant 0 : i32
    %dma_wait3A_1112 = tpu.memref_slice %arg1[%dma_wait3A_1110, %dma_wait3A_1111] : memref<1024x16384xf32, #tpu.memory_space<any>> -> memref<4x16384xf32, #tpu.memory_space<any>>
    tpu.wait_dma2 semaphore(%arg3 : memref<!tpu.dma_semaphore, #tpu.memory_space<semaphore_mem>>) src(%arg2 : memref<4x16384xf32, #tpu.memory_space<vmem>>) dst(%dma_wait3A_1112 : memref<4x16384xf32, #tpu.memory_space<any>>)
    %dma_wait3A_1113 = arith.constant 456 : i32
    %dma_wait3A_1114 = arith.constant 0 : i32
    %dma_wait3A_1115 = tpu.memref_slice %arg1[%dma_wait3A_1113, %dma_wait3A_1114] : memref<1024x16384xf32, #tpu.memory_space<any>> -> memref<4x16384xf32, #tpu.memory_space<any>>
    tpu.wait_dma2 semaphore(%arg3 : memref<!tpu.dma_semaphore, #tpu.memory_space<semaphore_mem>>) src(%arg2 : memref<4x16384xf32, #tpu.memory_space<vmem>>) dst(%dma_wait3A_1115 : memref<4x16384xf32, #tpu.memory_space<any>>)
    %dma_wait3A_1116 = arith.constant 460 : i32
    %dma_wait3A_1117 = arith.constant 0 : i32
    %dma_wait3A_1118 = tpu.memref_slice %arg1[%dma_wait3A_1116, %dma_wait3A_1117] : memref<1024x16384xf32, #tpu.memory_space<any>> -> memref<4x16384xf32, #tpu.memory_space<any>>
    tpu.wait_dma2 semaphore(%arg3 : memref<!tpu.dma_semaphore, #tpu.memory_space<semaphore_mem>>) src(%arg2 : memref<4x16384xf32, #tpu.memory_space<vmem>>) dst(%dma_wait3A_1118 : memref<4x16384xf32, #tpu.memory_space<any>>)
    %dma_wait3A_1119 = arith.constant 464 : i32
    %dma_wait3A_1120 = arith.constant 0 : i32
    %dma_wait3A_1121 = tpu.memref_slice %arg1[%dma_wait3A_1119, %dma_wait3A_1120] : memref<1024x16384xf32, #tpu.memory_space<any>> -> memref<4x16384xf32, #tpu.memory_space<any>>
    tpu.wait_dma2 semaphore(%arg3 : memref<!tpu.dma_semaphore, #tpu.memory_space<semaphore_mem>>) src(%arg2 : memref<4x16384xf32, #tpu.memory_space<vmem>>) dst(%dma_wait3A_1121 : memref<4x16384xf32, #tpu.memory_space<any>>)
    %dma_wait3A_1122 = arith.constant 468 : i32
    %dma_wait3A_1123 = arith.constant 0 : i32
    %dma_wait3A_1124 = tpu.memref_slice %arg1[%dma_wait3A_1122, %dma_wait3A_1123] : memref<1024x16384xf32, #tpu.memory_space<any>> -> memref<4x16384xf32, #tpu.memory_space<any>>
    tpu.wait_dma2 semaphore(%arg3 : memref<!tpu.dma_semaphore, #tpu.memory_space<semaphore_mem>>) src(%arg2 : memref<4x16384xf32, #tpu.memory_space<vmem>>) dst(%dma_wait3A_1124 : memref<4x16384xf32, #tpu.memory_space<any>>)
    %dma_wait3A_1125 = arith.constant 472 : i32
    %dma_wait3A_1126 = arith.constant 0 : i32
    %dma_wait3A_1127 = tpu.memref_slice %arg1[%dma_wait3A_1125, %dma_wait3A_1126] : memref<1024x16384xf32, #tpu.memory_space<any>> -> memref<4x16384xf32, #tpu.memory_space<any>>
    tpu.wait_dma2 semaphore(%arg3 : memref<!tpu.dma_semaphore, #tpu.memory_space<semaphore_mem>>) src(%arg2 : memref<4x16384xf32, #tpu.memory_space<vmem>>) dst(%dma_wait3A_1127 : memref<4x16384xf32, #tpu.memory_space<any>>)
    %dma_wait3A_1128 = arith.constant 476 : i32
    %dma_wait3A_1129 = arith.constant 0 : i32
    %dma_wait3A_1130 = tpu.memref_slice %arg1[%dma_wait3A_1128, %dma_wait3A_1129] : memref<1024x16384xf32, #tpu.memory_space<any>> -> memref<4x16384xf32, #tpu.memory_space<any>>
    tpu.wait_dma2 semaphore(%arg3 : memref<!tpu.dma_semaphore, #tpu.memory_space<semaphore_mem>>) src(%arg2 : memref<4x16384xf32, #tpu.memory_space<vmem>>) dst(%dma_wait3A_1130 : memref<4x16384xf32, #tpu.memory_space<any>>)
    %dma_wait3A_1131 = arith.constant 480 : i32
    %dma_wait3A_1132 = arith.constant 0 : i32
    %dma_wait3A_1133 = tpu.memref_slice %arg1[%dma_wait3A_1131, %dma_wait3A_1132] : memref<1024x16384xf32, #tpu.memory_space<any>> -> memref<4x16384xf32, #tpu.memory_space<any>>
    tpu.wait_dma2 semaphore(%arg3 : memref<!tpu.dma_semaphore, #tpu.memory_space<semaphore_mem>>) src(%arg2 : memref<4x16384xf32, #tpu.memory_space<vmem>>) dst(%dma_wait3A_1133 : memref<4x16384xf32, #tpu.memory_space<any>>)
    %dma_wait3A_1134 = arith.constant 484 : i32
    %dma_wait3A_1135 = arith.constant 0 : i32
    %dma_wait3A_1136 = tpu.memref_slice %arg1[%dma_wait3A_1134, %dma_wait3A_1135] : memref<1024x16384xf32, #tpu.memory_space<any>> -> memref<4x16384xf32, #tpu.memory_space<any>>
    tpu.wait_dma2 semaphore(%arg3 : memref<!tpu.dma_semaphore, #tpu.memory_space<semaphore_mem>>) src(%arg2 : memref<4x16384xf32, #tpu.memory_space<vmem>>) dst(%dma_wait3A_1136 : memref<4x16384xf32, #tpu.memory_space<any>>)
    %dma_wait3A_1137 = arith.constant 488 : i32
    %dma_wait3A_1138 = arith.constant 0 : i32
    %dma_wait3A_1139 = tpu.memref_slice %arg1[%dma_wait3A_1137, %dma_wait3A_1138] : memref<1024x16384xf32, #tpu.memory_space<any>> -> memref<4x16384xf32, #tpu.memory_space<any>>
    tpu.wait_dma2 semaphore(%arg3 : memref<!tpu.dma_semaphore, #tpu.memory_space<semaphore_mem>>) src(%arg2 : memref<4x16384xf32, #tpu.memory_space<vmem>>) dst(%dma_wait3A_1139 : memref<4x16384xf32, #tpu.memory_space<any>>)
    %dma_wait3A_1140 = arith.constant 492 : i32
    %dma_wait3A_1141 = arith.constant 0 : i32
    %dma_wait3A_1142 = tpu.memref_slice %arg1[%dma_wait3A_1140, %dma_wait3A_1141] : memref<1024x16384xf32, #tpu.memory_space<any>> -> memref<4x16384xf32, #tpu.memory_space<any>>
    tpu.wait_dma2 semaphore(%arg3 : memref<!tpu.dma_semaphore, #tpu.memory_space<semaphore_mem>>) src(%arg2 : memref<4x16384xf32, #tpu.memory_space<vmem>>) dst(%dma_wait3A_1142 : memref<4x16384xf32, #tpu.memory_space<any>>)
    %dma_wait3A_1143 = arith.constant 496 : i32
    %dma_wait3A_1144 = arith.constant 0 : i32
    %dma_wait3A_1145 = tpu.memref_slice %arg1[%dma_wait3A_1143, %dma_wait3A_1144] : memref<1024x16384xf32, #tpu.memory_space<any>> -> memref<4x16384xf32, #tpu.memory_space<any>>
    tpu.wait_dma2 semaphore(%arg3 : memref<!tpu.dma_semaphore, #tpu.memory_space<semaphore_mem>>) src(%arg2 : memref<4x16384xf32, #tpu.memory_space<vmem>>) dst(%dma_wait3A_1145 : memref<4x16384xf32, #tpu.memory_space<any>>)
    %dma_wait3A_1146 = arith.constant 500 : i32
    %dma_wait3A_1147 = arith.constant 0 : i32
    %dma_wait3A_1148 = tpu.memref_slice %arg1[%dma_wait3A_1146, %dma_wait3A_1147] : memref<1024x16384xf32, #tpu.memory_space<any>> -> memref<4x16384xf32, #tpu.memory_space<any>>
    tpu.wait_dma2 semaphore(%arg3 : memref<!tpu.dma_semaphore, #tpu.memory_space<semaphore_mem>>) src(%arg2 : memref<4x16384xf32, #tpu.memory_space<vmem>>) dst(%dma_wait3A_1148 : memref<4x16384xf32, #tpu.memory_space<any>>)
    %dma_wait3A_1149 = arith.constant 504 : i32
    %dma_wait3A_1150 = arith.constant 0 : i32
    %dma_wait3A_1151 = tpu.memref_slice %arg1[%dma_wait3A_1149, %dma_wait3A_1150] : memref<1024x16384xf32, #tpu.memory_space<any>> -> memref<4x16384xf32, #tpu.memory_space<any>>
    tpu.wait_dma2 semaphore(%arg3 : memref<!tpu.dma_semaphore, #tpu.memory_space<semaphore_mem>>) src(%arg2 : memref<4x16384xf32, #tpu.memory_space<vmem>>) dst(%dma_wait3A_1151 : memref<4x16384xf32, #tpu.memory_space<any>>)
    %dma_wait3A_1152 = arith.constant 508 : i32
    %dma_wait3A_1153 = arith.constant 0 : i32
    %dma_wait3A_1154 = tpu.memref_slice %arg1[%dma_wait3A_1152, %dma_wait3A_1153] : memref<1024x16384xf32, #tpu.memory_space<any>> -> memref<4x16384xf32, #tpu.memory_space<any>>
    tpu.wait_dma2 semaphore(%arg3 : memref<!tpu.dma_semaphore, #tpu.memory_space<semaphore_mem>>) src(%arg2 : memref<4x16384xf32, #tpu.memory_space<vmem>>) dst(%dma_wait3A_1154 : memref<4x16384xf32, #tpu.memory_space<any>>)
    %dma_wait3A_1155 = arith.constant 512 : i32
    %dma_wait3A_1156 = arith.constant 0 : i32
    %dma_wait3A_1157 = tpu.memref_slice %arg1[%dma_wait3A_1155, %dma_wait3A_1156] : memref<1024x16384xf32, #tpu.memory_space<any>> -> memref<4x16384xf32, #tpu.memory_space<any>>
    tpu.wait_dma2 semaphore(%arg3 : memref<!tpu.dma_semaphore, #tpu.memory_space<semaphore_mem>>) src(%arg2 : memref<4x16384xf32, #tpu.memory_space<vmem>>) dst(%dma_wait3A_1157 : memref<4x16384xf32, #tpu.memory_space<any>>)
    %dma_wait3A_1158 = arith.constant 516 : i32
    %dma_wait3A_1159 = arith.constant 0 : i32
    %dma_wait3A_1160 = tpu.memref_slice %arg1[%dma_wait3A_1158, %dma_wait3A_1159] : memref<1024x16384xf32, #tpu.memory_space<any>> -> memref<4x16384xf32, #tpu.memory_space<any>>
    tpu.wait_dma2 semaphore(%arg3 : memref<!tpu.dma_semaphore, #tpu.memory_space<semaphore_mem>>) src(%arg2 : memref<4x16384xf32, #tpu.memory_space<vmem>>) dst(%dma_wait3A_1160 : memref<4x16384xf32, #tpu.memory_space<any>>)
    %dma_wait3A_1161 = arith.constant 520 : i32
    %dma_wait3A_1162 = arith.constant 0 : i32
    %dma_wait3A_1163 = tpu.memref_slice %arg1[%dma_wait3A_1161, %dma_wait3A_1162] : memref<1024x16384xf32, #tpu.memory_space<any>> -> memref<4x16384xf32, #tpu.memory_space<any>>
    tpu.wait_dma2 semaphore(%arg3 : memref<!tpu.dma_semaphore, #tpu.memory_space<semaphore_mem>>) src(%arg2 : memref<4x16384xf32, #tpu.memory_space<vmem>>) dst(%dma_wait3A_1163 : memref<4x16384xf32, #tpu.memory_space<any>>)
    %dma_wait3A_1164 = arith.constant 524 : i32
    %dma_wait3A_1165 = arith.constant 0 : i32
    %dma_wait3A_1166 = tpu.memref_slice %arg1[%dma_wait3A_1164, %dma_wait3A_1165] : memref<1024x16384xf32, #tpu.memory_space<any>> -> memref<4x16384xf32, #tpu.memory_space<any>>
    tpu.wait_dma2 semaphore(%arg3 : memref<!tpu.dma_semaphore, #tpu.memory_space<semaphore_mem>>) src(%arg2 : memref<4x16384xf32, #tpu.memory_space<vmem>>) dst(%dma_wait3A_1166 : memref<4x16384xf32, #tpu.memory_space<any>>)
    %dma_wait3A_1167 = arith.constant 528 : i32
    %dma_wait3A_1168 = arith.constant 0 : i32
    %dma_wait3A_1169 = tpu.memref_slice %arg1[%dma_wait3A_1167, %dma_wait3A_1168] : memref<1024x16384xf32, #tpu.memory_space<any>> -> memref<4x16384xf32, #tpu.memory_space<any>>
    tpu.wait_dma2 semaphore(%arg3 : memref<!tpu.dma_semaphore, #tpu.memory_space<semaphore_mem>>) src(%arg2 : memref<4x16384xf32, #tpu.memory_space<vmem>>) dst(%dma_wait3A_1169 : memref<4x16384xf32, #tpu.memory_space<any>>)
    %dma_wait3A_1170 = arith.constant 532 : i32
    %dma_wait3A_1171 = arith.constant 0 : i32
    %dma_wait3A_1172 = tpu.memref_slice %arg1[%dma_wait3A_1170, %dma_wait3A_1171] : memref<1024x16384xf32, #tpu.memory_space<any>> -> memref<4x16384xf32, #tpu.memory_space<any>>
    tpu.wait_dma2 semaphore(%arg3 : memref<!tpu.dma_semaphore, #tpu.memory_space<semaphore_mem>>) src(%arg2 : memref<4x16384xf32, #tpu.memory_space<vmem>>) dst(%dma_wait3A_1172 : memref<4x16384xf32, #tpu.memory_space<any>>)
    %dma_wait3A_1173 = arith.constant 536 : i32
    %dma_wait3A_1174 = arith.constant 0 : i32
    %dma_wait3A_1175 = tpu.memref_slice %arg1[%dma_wait3A_1173, %dma_wait3A_1174] : memref<1024x16384xf32, #tpu.memory_space<any>> -> memref<4x16384xf32, #tpu.memory_space<any>>
    tpu.wait_dma2 semaphore(%arg3 : memref<!tpu.dma_semaphore, #tpu.memory_space<semaphore_mem>>) src(%arg2 : memref<4x16384xf32, #tpu.memory_space<vmem>>) dst(%dma_wait3A_1175 : memref<4x16384xf32, #tpu.memory_space<any>>)
    %dma_wait3A_1176 = arith.constant 540 : i32
    %dma_wait3A_1177 = arith.constant 0 : i32
    %dma_wait3A_1178 = tpu.memref_slice %arg1[%dma_wait3A_1176, %dma_wait3A_1177] : memref<1024x16384xf32, #tpu.memory_space<any>> -> memref<4x16384xf32, #tpu.memory_space<any>>
    tpu.wait_dma2 semaphore(%arg3 : memref<!tpu.dma_semaphore, #tpu.memory_space<semaphore_mem>>) src(%arg2 : memref<4x16384xf32, #tpu.memory_space<vmem>>) dst(%dma_wait3A_1178 : memref<4x16384xf32, #tpu.memory_space<any>>)
    %dma_wait3A_1179 = arith.constant 544 : i32
    %dma_wait3A_1180 = arith.constant 0 : i32
    %dma_wait3A_1181 = tpu.memref_slice %arg1[%dma_wait3A_1179, %dma_wait3A_1180] : memref<1024x16384xf32, #tpu.memory_space<any>> -> memref<4x16384xf32, #tpu.memory_space<any>>
    tpu.wait_dma2 semaphore(%arg3 : memref<!tpu.dma_semaphore, #tpu.memory_space<semaphore_mem>>) src(%arg2 : memref<4x16384xf32, #tpu.memory_space<vmem>>) dst(%dma_wait3A_1181 : memref<4x16384xf32, #tpu.memory_space<any>>)
    %dma_wait3A_1182 = arith.constant 548 : i32
    %dma_wait3A_1183 = arith.constant 0 : i32
    %dma_wait3A_1184 = tpu.memref_slice %arg1[%dma_wait3A_1182, %dma_wait3A_1183] : memref<1024x16384xf32, #tpu.memory_space<any>> -> memref<4x16384xf32, #tpu.memory_space<any>>
    tpu.wait_dma2 semaphore(%arg3 : memref<!tpu.dma_semaphore, #tpu.memory_space<semaphore_mem>>) src(%arg2 : memref<4x16384xf32, #tpu.memory_space<vmem>>) dst(%dma_wait3A_1184 : memref<4x16384xf32, #tpu.memory_space<any>>)
    %dma_wait3A_1185 = arith.constant 552 : i32
    %dma_wait3A_1186 = arith.constant 0 : i32
    %dma_wait3A_1187 = tpu.memref_slice %arg1[%dma_wait3A_1185, %dma_wait3A_1186] : memref<1024x16384xf32, #tpu.memory_space<any>> -> memref<4x16384xf32, #tpu.memory_space<any>>
    tpu.wait_dma2 semaphore(%arg3 : memref<!tpu.dma_semaphore, #tpu.memory_space<semaphore_mem>>) src(%arg2 : memref<4x16384xf32, #tpu.memory_space<vmem>>) dst(%dma_wait3A_1187 : memref<4x16384xf32, #tpu.memory_space<any>>)
    %dma_wait3A_1188 = arith.constant 556 : i32
    %dma_wait3A_1189 = arith.constant 0 : i32
    %dma_wait3A_1190 = tpu.memref_slice %arg1[%dma_wait3A_1188, %dma_wait3A_1189] : memref<1024x16384xf32, #tpu.memory_space<any>> -> memref<4x16384xf32, #tpu.memory_space<any>>
    tpu.wait_dma2 semaphore(%arg3 : memref<!tpu.dma_semaphore, #tpu.memory_space<semaphore_mem>>) src(%arg2 : memref<4x16384xf32, #tpu.memory_space<vmem>>) dst(%dma_wait3A_1190 : memref<4x16384xf32, #tpu.memory_space<any>>)
    %dma_wait3A_1191 = arith.constant 560 : i32
    %dma_wait3A_1192 = arith.constant 0 : i32
    %dma_wait3A_1193 = tpu.memref_slice %arg1[%dma_wait3A_1191, %dma_wait3A_1192] : memref<1024x16384xf32, #tpu.memory_space<any>> -> memref<4x16384xf32, #tpu.memory_space<any>>
    tpu.wait_dma2 semaphore(%arg3 : memref<!tpu.dma_semaphore, #tpu.memory_space<semaphore_mem>>) src(%arg2 : memref<4x16384xf32, #tpu.memory_space<vmem>>) dst(%dma_wait3A_1193 : memref<4x16384xf32, #tpu.memory_space<any>>)
    %dma_wait3A_1194 = arith.constant 564 : i32
    %dma_wait3A_1195 = arith.constant 0 : i32
    %dma_wait3A_1196 = tpu.memref_slice %arg1[%dma_wait3A_1194, %dma_wait3A_1195] : memref<1024x16384xf32, #tpu.memory_space<any>> -> memref<4x16384xf32, #tpu.memory_space<any>>
    tpu.wait_dma2 semaphore(%arg3 : memref<!tpu.dma_semaphore, #tpu.memory_space<semaphore_mem>>) src(%arg2 : memref<4x16384xf32, #tpu.memory_space<vmem>>) dst(%dma_wait3A_1196 : memref<4x16384xf32, #tpu.memory_space<any>>)
    %dma_wait3A_1197 = arith.constant 568 : i32
    %dma_wait3A_1198 = arith.constant 0 : i32
    %dma_wait3A_1199 = tpu.memref_slice %arg1[%dma_wait3A_1197, %dma_wait3A_1198] : memref<1024x16384xf32, #tpu.memory_space<any>> -> memref<4x16384xf32, #tpu.memory_space<any>>
    tpu.wait_dma2 semaphore(%arg3 : memref<!tpu.dma_semaphore, #tpu.memory_space<semaphore_mem>>) src(%arg2 : memref<4x16384xf32, #tpu.memory_space<vmem>>) dst(%dma_wait3A_1199 : memref<4x16384xf32, #tpu.memory_space<any>>)
    %dma_wait3A_1200 = arith.constant 572 : i32
    %dma_wait3A_1201 = arith.constant 0 : i32
    %dma_wait3A_1202 = tpu.memref_slice %arg1[%dma_wait3A_1200, %dma_wait3A_1201] : memref<1024x16384xf32, #tpu.memory_space<any>> -> memref<4x16384xf32, #tpu.memory_space<any>>
    tpu.wait_dma2 semaphore(%arg3 : memref<!tpu.dma_semaphore, #tpu.memory_space<semaphore_mem>>) src(%arg2 : memref<4x16384xf32, #tpu.memory_space<vmem>>) dst(%dma_wait3A_1202 : memref<4x16384xf32, #tpu.memory_space<any>>)
    %dma_wait3A_1203 = arith.constant 576 : i32
    %dma_wait3A_1204 = arith.constant 0 : i32
    %dma_wait3A_1205 = tpu.memref_slice %arg1[%dma_wait3A_1203, %dma_wait3A_1204] : memref<1024x16384xf32, #tpu.memory_space<any>> -> memref<4x16384xf32, #tpu.memory_space<any>>
    tpu.wait_dma2 semaphore(%arg3 : memref<!tpu.dma_semaphore, #tpu.memory_space<semaphore_mem>>) src(%arg2 : memref<4x16384xf32, #tpu.memory_space<vmem>>) dst(%dma_wait3A_1205 : memref<4x16384xf32, #tpu.memory_space<any>>)
    %dma_wait3A_1206 = arith.constant 580 : i32
    %dma_wait3A_1207 = arith.constant 0 : i32
    %dma_wait3A_1208 = tpu.memref_slice %arg1[%dma_wait3A_1206, %dma_wait3A_1207] : memref<1024x16384xf32, #tpu.memory_space<any>> -> memref<4x16384xf32, #tpu.memory_space<any>>
    tpu.wait_dma2 semaphore(%arg3 : memref<!tpu.dma_semaphore, #tpu.memory_space<semaphore_mem>>) src(%arg2 : memref<4x16384xf32, #tpu.memory_space<vmem>>) dst(%dma_wait3A_1208 : memref<4x16384xf32, #tpu.memory_space<any>>)
    %dma_wait3A_1209 = arith.constant 584 : i32
    %dma_wait3A_1210 = arith.constant 0 : i32
    %dma_wait3A_1211 = tpu.memref_slice %arg1[%dma_wait3A_1209, %dma_wait3A_1210] : memref<1024x16384xf32, #tpu.memory_space<any>> -> memref<4x16384xf32, #tpu.memory_space<any>>
    tpu.wait_dma2 semaphore(%arg3 : memref<!tpu.dma_semaphore, #tpu.memory_space<semaphore_mem>>) src(%arg2 : memref<4x16384xf32, #tpu.memory_space<vmem>>) dst(%dma_wait3A_1211 : memref<4x16384xf32, #tpu.memory_space<any>>)
    %dma_wait3A_1212 = arith.constant 588 : i32
    %dma_wait3A_1213 = arith.constant 0 : i32
    %dma_wait3A_1214 = tpu.memref_slice %arg1[%dma_wait3A_1212, %dma_wait3A_1213] : memref<1024x16384xf32, #tpu.memory_space<any>> -> memref<4x16384xf32, #tpu.memory_space<any>>
    tpu.wait_dma2 semaphore(%arg3 : memref<!tpu.dma_semaphore, #tpu.memory_space<semaphore_mem>>) src(%arg2 : memref<4x16384xf32, #tpu.memory_space<vmem>>) dst(%dma_wait3A_1214 : memref<4x16384xf32, #tpu.memory_space<any>>)
    %dma_wait3A_1215 = arith.constant 592 : i32
    %dma_wait3A_1216 = arith.constant 0 : i32
    %dma_wait3A_1217 = tpu.memref_slice %arg1[%dma_wait3A_1215, %dma_wait3A_1216] : memref<1024x16384xf32, #tpu.memory_space<any>> -> memref<4x16384xf32, #tpu.memory_space<any>>
    tpu.wait_dma2 semaphore(%arg3 : memref<!tpu.dma_semaphore, #tpu.memory_space<semaphore_mem>>) src(%arg2 : memref<4x16384xf32, #tpu.memory_space<vmem>>) dst(%dma_wait3A_1217 : memref<4x16384xf32, #tpu.memory_space<any>>)
    %dma_wait3A_1218 = arith.constant 596 : i32
    %dma_wait3A_1219 = arith.constant 0 : i32
    %dma_wait3A_1220 = tpu.memref_slice %arg1[%dma_wait3A_1218, %dma_wait3A_1219] : memref<1024x16384xf32, #tpu.memory_space<any>> -> memref<4x16384xf32, #tpu.memory_space<any>>
    tpu.wait_dma2 semaphore(%arg3 : memref<!tpu.dma_semaphore, #tpu.memory_space<semaphore_mem>>) src(%arg2 : memref<4x16384xf32, #tpu.memory_space<vmem>>) dst(%dma_wait3A_1220 : memref<4x16384xf32, #tpu.memory_space<any>>)
    %dma_wait3A_1221 = arith.constant 600 : i32
    %dma_wait3A_1222 = arith.constant 0 : i32
    %dma_wait3A_1223 = tpu.memref_slice %arg1[%dma_wait3A_1221, %dma_wait3A_1222] : memref<1024x16384xf32, #tpu.memory_space<any>> -> memref<4x16384xf32, #tpu.memory_space<any>>
    tpu.wait_dma2 semaphore(%arg3 : memref<!tpu.dma_semaphore, #tpu.memory_space<semaphore_mem>>) src(%arg2 : memref<4x16384xf32, #tpu.memory_space<vmem>>) dst(%dma_wait3A_1223 : memref<4x16384xf32, #tpu.memory_space<any>>)
    %dma_wait3A_1224 = arith.constant 604 : i32
    %dma_wait3A_1225 = arith.constant 0 : i32
    %dma_wait3A_1226 = tpu.memref_slice %arg1[%dma_wait3A_1224, %dma_wait3A_1225] : memref<1024x16384xf32, #tpu.memory_space<any>> -> memref<4x16384xf32, #tpu.memory_space<any>>
    tpu.wait_dma2 semaphore(%arg3 : memref<!tpu.dma_semaphore, #tpu.memory_space<semaphore_mem>>) src(%arg2 : memref<4x16384xf32, #tpu.memory_space<vmem>>) dst(%dma_wait3A_1226 : memref<4x16384xf32, #tpu.memory_space<any>>)
    %dma_wait3A_1227 = arith.constant 608 : i32
    %dma_wait3A_1228 = arith.constant 0 : i32
    %dma_wait3A_1229 = tpu.memref_slice %arg1[%dma_wait3A_1227, %dma_wait3A_1228] : memref<1024x16384xf32, #tpu.memory_space<any>> -> memref<4x16384xf32, #tpu.memory_space<any>>
    tpu.wait_dma2 semaphore(%arg3 : memref<!tpu.dma_semaphore, #tpu.memory_space<semaphore_mem>>) src(%arg2 : memref<4x16384xf32, #tpu.memory_space<vmem>>) dst(%dma_wait3A_1229 : memref<4x16384xf32, #tpu.memory_space<any>>)
    %dma_wait3A_1230 = arith.constant 612 : i32
    %dma_wait3A_1231 = arith.constant 0 : i32
    %dma_wait3A_1232 = tpu.memref_slice %arg1[%dma_wait3A_1230, %dma_wait3A_1231] : memref<1024x16384xf32, #tpu.memory_space<any>> -> memref<4x16384xf32, #tpu.memory_space<any>>
    tpu.wait_dma2 semaphore(%arg3 : memref<!tpu.dma_semaphore, #tpu.memory_space<semaphore_mem>>) src(%arg2 : memref<4x16384xf32, #tpu.memory_space<vmem>>) dst(%dma_wait3A_1232 : memref<4x16384xf32, #tpu.memory_space<any>>)
    %dma_wait3A_1233 = arith.constant 616 : i32
    %dma_wait3A_1234 = arith.constant 0 : i32
    %dma_wait3A_1235 = tpu.memref_slice %arg1[%dma_wait3A_1233, %dma_wait3A_1234] : memref<1024x16384xf32, #tpu.memory_space<any>> -> memref<4x16384xf32, #tpu.memory_space<any>>
    tpu.wait_dma2 semaphore(%arg3 : memref<!tpu.dma_semaphore, #tpu.memory_space<semaphore_mem>>) src(%arg2 : memref<4x16384xf32, #tpu.memory_space<vmem>>) dst(%dma_wait3A_1235 : memref<4x16384xf32, #tpu.memory_space<any>>)
    %dma_wait3A_1236 = arith.constant 620 : i32
    %dma_wait3A_1237 = arith.constant 0 : i32
    %dma_wait3A_1238 = tpu.memref_slice %arg1[%dma_wait3A_1236, %dma_wait3A_1237] : memref<1024x16384xf32, #tpu.memory_space<any>> -> memref<4x16384xf32, #tpu.memory_space<any>>
    tpu.wait_dma2 semaphore(%arg3 : memref<!tpu.dma_semaphore, #tpu.memory_space<semaphore_mem>>) src(%arg2 : memref<4x16384xf32, #tpu.memory_space<vmem>>) dst(%dma_wait3A_1238 : memref<4x16384xf32, #tpu.memory_space<any>>)
    %dma_wait3A_1239 = arith.constant 624 : i32
    %dma_wait3A_1240 = arith.constant 0 : i32
    %dma_wait3A_1241 = tpu.memref_slice %arg1[%dma_wait3A_1239, %dma_wait3A_1240] : memref<1024x16384xf32, #tpu.memory_space<any>> -> memref<4x16384xf32, #tpu.memory_space<any>>
    tpu.wait_dma2 semaphore(%arg3 : memref<!tpu.dma_semaphore, #tpu.memory_space<semaphore_mem>>) src(%arg2 : memref<4x16384xf32, #tpu.memory_space<vmem>>) dst(%dma_wait3A_1241 : memref<4x16384xf32, #tpu.memory_space<any>>)
    %dma_wait3A_1242 = arith.constant 628 : i32
    %dma_wait3A_1243 = arith.constant 0 : i32
    %dma_wait3A_1244 = tpu.memref_slice %arg1[%dma_wait3A_1242, %dma_wait3A_1243] : memref<1024x16384xf32, #tpu.memory_space<any>> -> memref<4x16384xf32, #tpu.memory_space<any>>
    tpu.wait_dma2 semaphore(%arg3 : memref<!tpu.dma_semaphore, #tpu.memory_space<semaphore_mem>>) src(%arg2 : memref<4x16384xf32, #tpu.memory_space<vmem>>) dst(%dma_wait3A_1244 : memref<4x16384xf32, #tpu.memory_space<any>>)
    %dma_wait3A_1245 = arith.constant 632 : i32
    %dma_wait3A_1246 = arith.constant 0 : i32
    %dma_wait3A_1247 = tpu.memref_slice %arg1[%dma_wait3A_1245, %dma_wait3A_1246] : memref<1024x16384xf32, #tpu.memory_space<any>> -> memref<4x16384xf32, #tpu.memory_space<any>>
    tpu.wait_dma2 semaphore(%arg3 : memref<!tpu.dma_semaphore, #tpu.memory_space<semaphore_mem>>) src(%arg2 : memref<4x16384xf32, #tpu.memory_space<vmem>>) dst(%dma_wait3A_1247 : memref<4x16384xf32, #tpu.memory_space<any>>)
    %dma_wait3A_1248 = arith.constant 636 : i32
    %dma_wait3A_1249 = arith.constant 0 : i32
    %dma_wait3A_1250 = tpu.memref_slice %arg1[%dma_wait3A_1248, %dma_wait3A_1249] : memref<1024x16384xf32, #tpu.memory_space<any>> -> memref<4x16384xf32, #tpu.memory_space<any>>
    tpu.wait_dma2 semaphore(%arg3 : memref<!tpu.dma_semaphore, #tpu.memory_space<semaphore_mem>>) src(%arg2 : memref<4x16384xf32, #tpu.memory_space<vmem>>) dst(%dma_wait3A_1250 : memref<4x16384xf32, #tpu.memory_space<any>>)
    %dma_wait3A_1251 = arith.constant 640 : i32
    %dma_wait3A_1252 = arith.constant 0 : i32
    %dma_wait3A_1253 = tpu.memref_slice %arg1[%dma_wait3A_1251, %dma_wait3A_1252] : memref<1024x16384xf32, #tpu.memory_space<any>> -> memref<4x16384xf32, #tpu.memory_space<any>>
    tpu.wait_dma2 semaphore(%arg3 : memref<!tpu.dma_semaphore, #tpu.memory_space<semaphore_mem>>) src(%arg2 : memref<4x16384xf32, #tpu.memory_space<vmem>>) dst(%dma_wait3A_1253 : memref<4x16384xf32, #tpu.memory_space<any>>)
    %dma_wait3A_1254 = arith.constant 644 : i32
    %dma_wait3A_1255 = arith.constant 0 : i32
    %dma_wait3A_1256 = tpu.memref_slice %arg1[%dma_wait3A_1254, %dma_wait3A_1255] : memref<1024x16384xf32, #tpu.memory_space<any>> -> memref<4x16384xf32, #tpu.memory_space<any>>
    tpu.wait_dma2 semaphore(%arg3 : memref<!tpu.dma_semaphore, #tpu.memory_space<semaphore_mem>>) src(%arg2 : memref<4x16384xf32, #tpu.memory_space<vmem>>) dst(%dma_wait3A_1256 : memref<4x16384xf32, #tpu.memory_space<any>>)
    %dma_wait3A_1257 = arith.constant 648 : i32
    %dma_wait3A_1258 = arith.constant 0 : i32
    %dma_wait3A_1259 = tpu.memref_slice %arg1[%dma_wait3A_1257, %dma_wait3A_1258] : memref<1024x16384xf32, #tpu.memory_space<any>> -> memref<4x16384xf32, #tpu.memory_space<any>>
    tpu.wait_dma2 semaphore(%arg3 : memref<!tpu.dma_semaphore, #tpu.memory_space<semaphore_mem>>) src(%arg2 : memref<4x16384xf32, #tpu.memory_space<vmem>>) dst(%dma_wait3A_1259 : memref<4x16384xf32, #tpu.memory_space<any>>)
    %dma_wait3A_1260 = arith.constant 652 : i32
    %dma_wait3A_1261 = arith.constant 0 : i32
    %dma_wait3A_1262 = tpu.memref_slice %arg1[%dma_wait3A_1260, %dma_wait3A_1261] : memref<1024x16384xf32, #tpu.memory_space<any>> -> memref<4x16384xf32, #tpu.memory_space<any>>
    tpu.wait_dma2 semaphore(%arg3 : memref<!tpu.dma_semaphore, #tpu.memory_space<semaphore_mem>>) src(%arg2 : memref<4x16384xf32, #tpu.memory_space<vmem>>) dst(%dma_wait3A_1262 : memref<4x16384xf32, #tpu.memory_space<any>>)
    %dma_wait3A_1263 = arith.constant 656 : i32
    %dma_wait3A_1264 = arith.constant 0 : i32
    %dma_wait3A_1265 = tpu.memref_slice %arg1[%dma_wait3A_1263, %dma_wait3A_1264] : memref<1024x16384xf32, #tpu.memory_space<any>> -> memref<4x16384xf32, #tpu.memory_space<any>>
    tpu.wait_dma2 semaphore(%arg3 : memref<!tpu.dma_semaphore, #tpu.memory_space<semaphore_mem>>) src(%arg2 : memref<4x16384xf32, #tpu.memory_space<vmem>>) dst(%dma_wait3A_1265 : memref<4x16384xf32, #tpu.memory_space<any>>)
    %dma_wait3A_1266 = arith.constant 660 : i32
    %dma_wait3A_1267 = arith.constant 0 : i32
    %dma_wait3A_1268 = tpu.memref_slice %arg1[%dma_wait3A_1266, %dma_wait3A_1267] : memref<1024x16384xf32, #tpu.memory_space<any>> -> memref<4x16384xf32, #tpu.memory_space<any>>
    tpu.wait_dma2 semaphore(%arg3 : memref<!tpu.dma_semaphore, #tpu.memory_space<semaphore_mem>>) src(%arg2 : memref<4x16384xf32, #tpu.memory_space<vmem>>) dst(%dma_wait3A_1268 : memref<4x16384xf32, #tpu.memory_space<any>>)
    %dma_wait3A_1269 = arith.constant 664 : i32
    %dma_wait3A_1270 = arith.constant 0 : i32
    %dma_wait3A_1271 = tpu.memref_slice %arg1[%dma_wait3A_1269, %dma_wait3A_1270] : memref<1024x16384xf32, #tpu.memory_space<any>> -> memref<4x16384xf32, #tpu.memory_space<any>>
    tpu.wait_dma2 semaphore(%arg3 : memref<!tpu.dma_semaphore, #tpu.memory_space<semaphore_mem>>) src(%arg2 : memref<4x16384xf32, #tpu.memory_space<vmem>>) dst(%dma_wait3A_1271 : memref<4x16384xf32, #tpu.memory_space<any>>)
    %dma_wait3A_1272 = arith.constant 668 : i32
    %dma_wait3A_1273 = arith.constant 0 : i32
    %dma_wait3A_1274 = tpu.memref_slice %arg1[%dma_wait3A_1272, %dma_wait3A_1273] : memref<1024x16384xf32, #tpu.memory_space<any>> -> memref<4x16384xf32, #tpu.memory_space<any>>
    tpu.wait_dma2 semaphore(%arg3 : memref<!tpu.dma_semaphore, #tpu.memory_space<semaphore_mem>>) src(%arg2 : memref<4x16384xf32, #tpu.memory_space<vmem>>) dst(%dma_wait3A_1274 : memref<4x16384xf32, #tpu.memory_space<any>>)
    %dma_wait3A_1275 = arith.constant 672 : i32
    %dma_wait3A_1276 = arith.constant 0 : i32
    %dma_wait3A_1277 = tpu.memref_slice %arg1[%dma_wait3A_1275, %dma_wait3A_1276] : memref<1024x16384xf32, #tpu.memory_space<any>> -> memref<4x16384xf32, #tpu.memory_space<any>>
    tpu.wait_dma2 semaphore(%arg3 : memref<!tpu.dma_semaphore, #tpu.memory_space<semaphore_mem>>) src(%arg2 : memref<4x16384xf32, #tpu.memory_space<vmem>>) dst(%dma_wait3A_1277 : memref<4x16384xf32, #tpu.memory_space<any>>)
    %dma_wait3A_1278 = arith.constant 676 : i32
    %dma_wait3A_1279 = arith.constant 0 : i32
    %dma_wait3A_1280 = tpu.memref_slice %arg1[%dma_wait3A_1278, %dma_wait3A_1279] : memref<1024x16384xf32, #tpu.memory_space<any>> -> memref<4x16384xf32, #tpu.memory_space<any>>
    tpu.wait_dma2 semaphore(%arg3 : memref<!tpu.dma_semaphore, #tpu.memory_space<semaphore_mem>>) src(%arg2 : memref<4x16384xf32, #tpu.memory_space<vmem>>) dst(%dma_wait3A_1280 : memref<4x16384xf32, #tpu.memory_space<any>>)
    %dma_wait3A_1281 = arith.constant 680 : i32
    %dma_wait3A_1282 = arith.constant 0 : i32
    %dma_wait3A_1283 = tpu.memref_slice %arg1[%dma_wait3A_1281, %dma_wait3A_1282] : memref<1024x16384xf32, #tpu.memory_space<any>> -> memref<4x16384xf32, #tpu.memory_space<any>>
    tpu.wait_dma2 semaphore(%arg3 : memref<!tpu.dma_semaphore, #tpu.memory_space<semaphore_mem>>) src(%arg2 : memref<4x16384xf32, #tpu.memory_space<vmem>>) dst(%dma_wait3A_1283 : memref<4x16384xf32, #tpu.memory_space<any>>)
    %dma_wait3A_1284 = arith.constant 684 : i32
    %dma_wait3A_1285 = arith.constant 0 : i32
    %dma_wait3A_1286 = tpu.memref_slice %arg1[%dma_wait3A_1284, %dma_wait3A_1285] : memref<1024x16384xf32, #tpu.memory_space<any>> -> memref<4x16384xf32, #tpu.memory_space<any>>
    tpu.wait_dma2 semaphore(%arg3 : memref<!tpu.dma_semaphore, #tpu.memory_space<semaphore_mem>>) src(%arg2 : memref<4x16384xf32, #tpu.memory_space<vmem>>) dst(%dma_wait3A_1286 : memref<4x16384xf32, #tpu.memory_space<any>>)
    %dma_wait3A_1287 = arith.constant 688 : i32
    %dma_wait3A_1288 = arith.constant 0 : i32
    %dma_wait3A_1289 = tpu.memref_slice %arg1[%dma_wait3A_1287, %dma_wait3A_1288] : memref<1024x16384xf32, #tpu.memory_space<any>> -> memref<4x16384xf32, #tpu.memory_space<any>>
    tpu.wait_dma2 semaphore(%arg3 : memref<!tpu.dma_semaphore, #tpu.memory_space<semaphore_mem>>) src(%arg2 : memref<4x16384xf32, #tpu.memory_space<vmem>>) dst(%dma_wait3A_1289 : memref<4x16384xf32, #tpu.memory_space<any>>)
    %dma_wait3A_1290 = arith.constant 692 : i32
    %dma_wait3A_1291 = arith.constant 0 : i32
    %dma_wait3A_1292 = tpu.memref_slice %arg1[%dma_wait3A_1290, %dma_wait3A_1291] : memref<1024x16384xf32, #tpu.memory_space<any>> -> memref<4x16384xf32, #tpu.memory_space<any>>
    tpu.wait_dma2 semaphore(%arg3 : memref<!tpu.dma_semaphore, #tpu.memory_space<semaphore_mem>>) src(%arg2 : memref<4x16384xf32, #tpu.memory_space<vmem>>) dst(%dma_wait3A_1292 : memref<4x16384xf32, #tpu.memory_space<any>>)
    %dma_wait3A_1293 = arith.constant 696 : i32
    %dma_wait3A_1294 = arith.constant 0 : i32
    %dma_wait3A_1295 = tpu.memref_slice %arg1[%dma_wait3A_1293, %dma_wait3A_1294] : memref<1024x16384xf32, #tpu.memory_space<any>> -> memref<4x16384xf32, #tpu.memory_space<any>>
    tpu.wait_dma2 semaphore(%arg3 : memref<!tpu.dma_semaphore, #tpu.memory_space<semaphore_mem>>) src(%arg2 : memref<4x16384xf32, #tpu.memory_space<vmem>>) dst(%dma_wait3A_1295 : memref<4x16384xf32, #tpu.memory_space<any>>)
    %dma_wait3A_1296 = arith.constant 700 : i32
    %dma_wait3A_1297 = arith.constant 0 : i32
    %dma_wait3A_1298 = tpu.memref_slice %arg1[%dma_wait3A_1296, %dma_wait3A_1297] : memref<1024x16384xf32, #tpu.memory_space<any>> -> memref<4x16384xf32, #tpu.memory_space<any>>
    tpu.wait_dma2 semaphore(%arg3 : memref<!tpu.dma_semaphore, #tpu.memory_space<semaphore_mem>>) src(%arg2 : memref<4x16384xf32, #tpu.memory_space<vmem>>) dst(%dma_wait3A_1298 : memref<4x16384xf32, #tpu.memory_space<any>>)
    %dma_wait3A_1299 = arith.constant 704 : i32
    %dma_wait3A_1300 = arith.constant 0 : i32
    %dma_wait3A_1301 = tpu.memref_slice %arg1[%dma_wait3A_1299, %dma_wait3A_1300] : memref<1024x16384xf32, #tpu.memory_space<any>> -> memref<4x16384xf32, #tpu.memory_space<any>>
    tpu.wait_dma2 semaphore(%arg3 : memref<!tpu.dma_semaphore, #tpu.memory_space<semaphore_mem>>) src(%arg2 : memref<4x16384xf32, #tpu.memory_space<vmem>>) dst(%dma_wait3A_1301 : memref<4x16384xf32, #tpu.memory_space<any>>)
    %dma_wait3A_1302 = arith.constant 708 : i32
    %dma_wait3A_1303 = arith.constant 0 : i32
    %dma_wait3A_1304 = tpu.memref_slice %arg1[%dma_wait3A_1302, %dma_wait3A_1303] : memref<1024x16384xf32, #tpu.memory_space<any>> -> memref<4x16384xf32, #tpu.memory_space<any>>
    tpu.wait_dma2 semaphore(%arg3 : memref<!tpu.dma_semaphore, #tpu.memory_space<semaphore_mem>>) src(%arg2 : memref<4x16384xf32, #tpu.memory_space<vmem>>) dst(%dma_wait3A_1304 : memref<4x16384xf32, #tpu.memory_space<any>>)
    %dma_wait3A_1305 = arith.constant 712 : i32
    %dma_wait3A_1306 = arith.constant 0 : i32
    %dma_wait3A_1307 = tpu.memref_slice %arg1[%dma_wait3A_1305, %dma_wait3A_1306] : memref<1024x16384xf32, #tpu.memory_space<any>> -> memref<4x16384xf32, #tpu.memory_space<any>>
    tpu.wait_dma2 semaphore(%arg3 : memref<!tpu.dma_semaphore, #tpu.memory_space<semaphore_mem>>) src(%arg2 : memref<4x16384xf32, #tpu.memory_space<vmem>>) dst(%dma_wait3A_1307 : memref<4x16384xf32, #tpu.memory_space<any>>)
    %dma_wait3A_1308 = arith.constant 716 : i32
    %dma_wait3A_1309 = arith.constant 0 : i32
    %dma_wait3A_1310 = tpu.memref_slice %arg1[%dma_wait3A_1308, %dma_wait3A_1309] : memref<1024x16384xf32, #tpu.memory_space<any>> -> memref<4x16384xf32, #tpu.memory_space<any>>
    tpu.wait_dma2 semaphore(%arg3 : memref<!tpu.dma_semaphore, #tpu.memory_space<semaphore_mem>>) src(%arg2 : memref<4x16384xf32, #tpu.memory_space<vmem>>) dst(%dma_wait3A_1310 : memref<4x16384xf32, #tpu.memory_space<any>>)
    %dma_wait3A_1311 = arith.constant 720 : i32
    %dma_wait3A_1312 = arith.constant 0 : i32
    %dma_wait3A_1313 = tpu.memref_slice %arg1[%dma_wait3A_1311, %dma_wait3A_1312] : memref<1024x16384xf32, #tpu.memory_space<any>> -> memref<4x16384xf32, #tpu.memory_space<any>>
    tpu.wait_dma2 semaphore(%arg3 : memref<!tpu.dma_semaphore, #tpu.memory_space<semaphore_mem>>) src(%arg2 : memref<4x16384xf32, #tpu.memory_space<vmem>>) dst(%dma_wait3A_1313 : memref<4x16384xf32, #tpu.memory_space<any>>)
    %dma_wait3A_1314 = arith.constant 724 : i32
    %dma_wait3A_1315 = arith.constant 0 : i32
    %dma_wait3A_1316 = tpu.memref_slice %arg1[%dma_wait3A_1314, %dma_wait3A_1315] : memref<1024x16384xf32, #tpu.memory_space<any>> -> memref<4x16384xf32, #tpu.memory_space<any>>
    tpu.wait_dma2 semaphore(%arg3 : memref<!tpu.dma_semaphore, #tpu.memory_space<semaphore_mem>>) src(%arg2 : memref<4x16384xf32, #tpu.memory_space<vmem>>) dst(%dma_wait3A_1316 : memref<4x16384xf32, #tpu.memory_space<any>>)
    %dma_wait3A_1317 = arith.constant 728 : i32
    %dma_wait3A_1318 = arith.constant 0 : i32
    %dma_wait3A_1319 = tpu.memref_slice %arg1[%dma_wait3A_1317, %dma_wait3A_1318] : memref<1024x16384xf32, #tpu.memory_space<any>> -> memref<4x16384xf32, #tpu.memory_space<any>>
    tpu.wait_dma2 semaphore(%arg3 : memref<!tpu.dma_semaphore, #tpu.memory_space<semaphore_mem>>) src(%arg2 : memref<4x16384xf32, #tpu.memory_space<vmem>>) dst(%dma_wait3A_1319 : memref<4x16384xf32, #tpu.memory_space<any>>)
    %dma_wait3A_1320 = arith.constant 732 : i32
    %dma_wait3A_1321 = arith.constant 0 : i32
    %dma_wait3A_1322 = tpu.memref_slice %arg1[%dma_wait3A_1320, %dma_wait3A_1321] : memref<1024x16384xf32, #tpu.memory_space<any>> -> memref<4x16384xf32, #tpu.memory_space<any>>
    tpu.wait_dma2 semaphore(%arg3 : memref<!tpu.dma_semaphore, #tpu.memory_space<semaphore_mem>>) src(%arg2 : memref<4x16384xf32, #tpu.memory_space<vmem>>) dst(%dma_wait3A_1322 : memref<4x16384xf32, #tpu.memory_space<any>>)
    %dma_wait3A_1323 = arith.constant 736 : i32
    %dma_wait3A_1324 = arith.constant 0 : i32
    %dma_wait3A_1325 = tpu.memref_slice %arg1[%dma_wait3A_1323, %dma_wait3A_1324] : memref<1024x16384xf32, #tpu.memory_space<any>> -> memref<4x16384xf32, #tpu.memory_space<any>>
    tpu.wait_dma2 semaphore(%arg3 : memref<!tpu.dma_semaphore, #tpu.memory_space<semaphore_mem>>) src(%arg2 : memref<4x16384xf32, #tpu.memory_space<vmem>>) dst(%dma_wait3A_1325 : memref<4x16384xf32, #tpu.memory_space<any>>)
    %dma_wait3A_1326 = arith.constant 740 : i32
    %dma_wait3A_1327 = arith.constant 0 : i32
    %dma_wait3A_1328 = tpu.memref_slice %arg1[%dma_wait3A_1326, %dma_wait3A_1327] : memref<1024x16384xf32, #tpu.memory_space<any>> -> memref<4x16384xf32, #tpu.memory_space<any>>
    tpu.wait_dma2 semaphore(%arg3 : memref<!tpu.dma_semaphore, #tpu.memory_space<semaphore_mem>>) src(%arg2 : memref<4x16384xf32, #tpu.memory_space<vmem>>) dst(%dma_wait3A_1328 : memref<4x16384xf32, #tpu.memory_space<any>>)
    %dma_wait3A_1329 = arith.constant 744 : i32
    %dma_wait3A_1330 = arith.constant 0 : i32
    %dma_wait3A_1331 = tpu.memref_slice %arg1[%dma_wait3A_1329, %dma_wait3A_1330] : memref<1024x16384xf32, #tpu.memory_space<any>> -> memref<4x16384xf32, #tpu.memory_space<any>>
    tpu.wait_dma2 semaphore(%arg3 : memref<!tpu.dma_semaphore, #tpu.memory_space<semaphore_mem>>) src(%arg2 : memref<4x16384xf32, #tpu.memory_space<vmem>>) dst(%dma_wait3A_1331 : memref<4x16384xf32, #tpu.memory_space<any>>)
    %dma_wait3A_1332 = arith.constant 748 : i32
    %dma_wait3A_1333 = arith.constant 0 : i32
    %dma_wait3A_1334 = tpu.memref_slice %arg1[%dma_wait3A_1332, %dma_wait3A_1333] : memref<1024x16384xf32, #tpu.memory_space<any>> -> memref<4x16384xf32, #tpu.memory_space<any>>
    tpu.wait_dma2 semaphore(%arg3 : memref<!tpu.dma_semaphore, #tpu.memory_space<semaphore_mem>>) src(%arg2 : memref<4x16384xf32, #tpu.memory_space<vmem>>) dst(%dma_wait3A_1334 : memref<4x16384xf32, #tpu.memory_space<any>>)
    %dma_wait3A_1335 = arith.constant 752 : i32
    %dma_wait3A_1336 = arith.constant 0 : i32
    %dma_wait3A_1337 = tpu.memref_slice %arg1[%dma_wait3A_1335, %dma_wait3A_1336] : memref<1024x16384xf32, #tpu.memory_space<any>> -> memref<4x16384xf32, #tpu.memory_space<any>>
    tpu.wait_dma2 semaphore(%arg3 : memref<!tpu.dma_semaphore, #tpu.memory_space<semaphore_mem>>) src(%arg2 : memref<4x16384xf32, #tpu.memory_space<vmem>>) dst(%dma_wait3A_1337 : memref<4x16384xf32, #tpu.memory_space<any>>)
    %dma_wait3A_1338 = arith.constant 756 : i32
    %dma_wait3A_1339 = arith.constant 0 : i32
    %dma_wait3A_1340 = tpu.memref_slice %arg1[%dma_wait3A_1338, %dma_wait3A_1339] : memref<1024x16384xf32, #tpu.memory_space<any>> -> memref<4x16384xf32, #tpu.memory_space<any>>
    tpu.wait_dma2 semaphore(%arg3 : memref<!tpu.dma_semaphore, #tpu.memory_space<semaphore_mem>>) src(%arg2 : memref<4x16384xf32, #tpu.memory_space<vmem>>) dst(%dma_wait3A_1340 : memref<4x16384xf32, #tpu.memory_space<any>>)
    %dma_wait3A_1341 = arith.constant 760 : i32
    %dma_wait3A_1342 = arith.constant 0 : i32
    %dma_wait3A_1343 = tpu.memref_slice %arg1[%dma_wait3A_1341, %dma_wait3A_1342] : memref<1024x16384xf32, #tpu.memory_space<any>> -> memref<4x16384xf32, #tpu.memory_space<any>>
    tpu.wait_dma2 semaphore(%arg3 : memref<!tpu.dma_semaphore, #tpu.memory_space<semaphore_mem>>) src(%arg2 : memref<4x16384xf32, #tpu.memory_space<vmem>>) dst(%dma_wait3A_1343 : memref<4x16384xf32, #tpu.memory_space<any>>)
    %dma_wait3A_1344 = arith.constant 764 : i32
    %dma_wait3A_1345 = arith.constant 0 : i32
    %dma_wait3A_1346 = tpu.memref_slice %arg1[%dma_wait3A_1344, %dma_wait3A_1345] : memref<1024x16384xf32, #tpu.memory_space<any>> -> memref<4x16384xf32, #tpu.memory_space<any>>
    tpu.wait_dma2 semaphore(%arg3 : memref<!tpu.dma_semaphore, #tpu.memory_space<semaphore_mem>>) src(%arg2 : memref<4x16384xf32, #tpu.memory_space<vmem>>) dst(%dma_wait3A_1346 : memref<4x16384xf32, #tpu.memory_space<any>>)
    %dma_wait3A_1347 = arith.constant 768 : i32
    %dma_wait3A_1348 = arith.constant 0 : i32
    %dma_wait3A_1349 = tpu.memref_slice %arg1[%dma_wait3A_1347, %dma_wait3A_1348] : memref<1024x16384xf32, #tpu.memory_space<any>> -> memref<4x16384xf32, #tpu.memory_space<any>>
    tpu.wait_dma2 semaphore(%arg3 : memref<!tpu.dma_semaphore, #tpu.memory_space<semaphore_mem>>) src(%arg2 : memref<4x16384xf32, #tpu.memory_space<vmem>>) dst(%dma_wait3A_1349 : memref<4x16384xf32, #tpu.memory_space<any>>)
    %dma_wait3A_1350 = arith.constant 772 : i32
    %dma_wait3A_1351 = arith.constant 0 : i32
    %dma_wait3A_1352 = tpu.memref_slice %arg1[%dma_wait3A_1350, %dma_wait3A_1351] : memref<1024x16384xf32, #tpu.memory_space<any>> -> memref<4x16384xf32, #tpu.memory_space<any>>
    tpu.wait_dma2 semaphore(%arg3 : memref<!tpu.dma_semaphore, #tpu.memory_space<semaphore_mem>>) src(%arg2 : memref<4x16384xf32, #tpu.memory_space<vmem>>) dst(%dma_wait3A_1352 : memref<4x16384xf32, #tpu.memory_space<any>>)
    %dma_wait3A_1353 = arith.constant 776 : i32
    %dma_wait3A_1354 = arith.constant 0 : i32
    %dma_wait3A_1355 = tpu.memref_slice %arg1[%dma_wait3A_1353, %dma_wait3A_1354] : memref<1024x16384xf32, #tpu.memory_space<any>> -> memref<4x16384xf32, #tpu.memory_space<any>>
    tpu.wait_dma2 semaphore(%arg3 : memref<!tpu.dma_semaphore, #tpu.memory_space<semaphore_mem>>) src(%arg2 : memref<4x16384xf32, #tpu.memory_space<vmem>>) dst(%dma_wait3A_1355 : memref<4x16384xf32, #tpu.memory_space<any>>)
    %dma_wait3A_1356 = arith.constant 780 : i32
    %dma_wait3A_1357 = arith.constant 0 : i32
    %dma_wait3A_1358 = tpu.memref_slice %arg1[%dma_wait3A_1356, %dma_wait3A_1357] : memref<1024x16384xf32, #tpu.memory_space<any>> -> memref<4x16384xf32, #tpu.memory_space<any>>
    tpu.wait_dma2 semaphore(%arg3 : memref<!tpu.dma_semaphore, #tpu.memory_space<semaphore_mem>>) src(%arg2 : memref<4x16384xf32, #tpu.memory_space<vmem>>) dst(%dma_wait3A_1358 : memref<4x16384xf32, #tpu.memory_space<any>>)
    %dma_wait3A_1359 = arith.constant 784 : i32
    %dma_wait3A_1360 = arith.constant 0 : i32
    %dma_wait3A_1361 = tpu.memref_slice %arg1[%dma_wait3A_1359, %dma_wait3A_1360] : memref<1024x16384xf32, #tpu.memory_space<any>> -> memref<4x16384xf32, #tpu.memory_space<any>>
    tpu.wait_dma2 semaphore(%arg3 : memref<!tpu.dma_semaphore, #tpu.memory_space<semaphore_mem>>) src(%arg2 : memref<4x16384xf32, #tpu.memory_space<vmem>>) dst(%dma_wait3A_1361 : memref<4x16384xf32, #tpu.memory_space<any>>)
    %dma_wait3A_1362 = arith.constant 788 : i32
    %dma_wait3A_1363 = arith.constant 0 : i32
    %dma_wait3A_1364 = tpu.memref_slice %arg1[%dma_wait3A_1362, %dma_wait3A_1363] : memref<1024x16384xf32, #tpu.memory_space<any>> -> memref<4x16384xf32, #tpu.memory_space<any>>
    tpu.wait_dma2 semaphore(%arg3 : memref<!tpu.dma_semaphore, #tpu.memory_space<semaphore_mem>>) src(%arg2 : memref<4x16384xf32, #tpu.memory_space<vmem>>) dst(%dma_wait3A_1364 : memref<4x16384xf32, #tpu.memory_space<any>>)
    %dma_wait3A_1365 = arith.constant 792 : i32
    %dma_wait3A_1366 = arith.constant 0 : i32
    %dma_wait3A_1367 = tpu.memref_slice %arg1[%dma_wait3A_1365, %dma_wait3A_1366] : memref<1024x16384xf32, #tpu.memory_space<any>> -> memref<4x16384xf32, #tpu.memory_space<any>>
    tpu.wait_dma2 semaphore(%arg3 : memref<!tpu.dma_semaphore, #tpu.memory_space<semaphore_mem>>) src(%arg2 : memref<4x16384xf32, #tpu.memory_space<vmem>>) dst(%dma_wait3A_1367 : memref<4x16384xf32, #tpu.memory_space<any>>)
    %dma_wait3A_1368 = arith.constant 796 : i32
    %dma_wait3A_1369 = arith.constant 0 : i32
    %dma_wait3A_1370 = tpu.memref_slice %arg1[%dma_wait3A_1368, %dma_wait3A_1369] : memref<1024x16384xf32, #tpu.memory_space<any>> -> memref<4x16384xf32, #tpu.memory_space<any>>
    tpu.wait_dma2 semaphore(%arg3 : memref<!tpu.dma_semaphore, #tpu.memory_space<semaphore_mem>>) src(%arg2 : memref<4x16384xf32, #tpu.memory_space<vmem>>) dst(%dma_wait3A_1370 : memref<4x16384xf32, #tpu.memory_space<any>>)
    %dma_wait3A_1371 = arith.constant 800 : i32
    %dma_wait3A_1372 = arith.constant 0 : i32
    %dma_wait3A_1373 = tpu.memref_slice %arg1[%dma_wait3A_1371, %dma_wait3A_1372] : memref<1024x16384xf32, #tpu.memory_space<any>> -> memref<4x16384xf32, #tpu.memory_space<any>>
    tpu.wait_dma2 semaphore(%arg3 : memref<!tpu.dma_semaphore, #tpu.memory_space<semaphore_mem>>) src(%arg2 : memref<4x16384xf32, #tpu.memory_space<vmem>>) dst(%dma_wait3A_1373 : memref<4x16384xf32, #tpu.memory_space<any>>)
    %dma_wait3A_1374 = arith.constant 804 : i32
    %dma_wait3A_1375 = arith.constant 0 : i32
    %dma_wait3A_1376 = tpu.memref_slice %arg1[%dma_wait3A_1374, %dma_wait3A_1375] : memref<1024x16384xf32, #tpu.memory_space<any>> -> memref<4x16384xf32, #tpu.memory_space<any>>
    tpu.wait_dma2 semaphore(%arg3 : memref<!tpu.dma_semaphore, #tpu.memory_space<semaphore_mem>>) src(%arg2 : memref<4x16384xf32, #tpu.memory_space<vmem>>) dst(%dma_wait3A_1376 : memref<4x16384xf32, #tpu.memory_space<any>>)
    %dma_wait3A_1377 = arith.constant 808 : i32
    %dma_wait3A_1378 = arith.constant 0 : i32
    %dma_wait3A_1379 = tpu.memref_slice %arg1[%dma_wait3A_1377, %dma_wait3A_1378] : memref<1024x16384xf32, #tpu.memory_space<any>> -> memref<4x16384xf32, #tpu.memory_space<any>>
    tpu.wait_dma2 semaphore(%arg3 : memref<!tpu.dma_semaphore, #tpu.memory_space<semaphore_mem>>) src(%arg2 : memref<4x16384xf32, #tpu.memory_space<vmem>>) dst(%dma_wait3A_1379 : memref<4x16384xf32, #tpu.memory_space<any>>)
    %dma_wait3A_1380 = arith.constant 812 : i32
    %dma_wait3A_1381 = arith.constant 0 : i32
    %dma_wait3A_1382 = tpu.memref_slice %arg1[%dma_wait3A_1380, %dma_wait3A_1381] : memref<1024x16384xf32, #tpu.memory_space<any>> -> memref<4x16384xf32, #tpu.memory_space<any>>
    tpu.wait_dma2 semaphore(%arg3 : memref<!tpu.dma_semaphore, #tpu.memory_space<semaphore_mem>>) src(%arg2 : memref<4x16384xf32, #tpu.memory_space<vmem>>) dst(%dma_wait3A_1382 : memref<4x16384xf32, #tpu.memory_space<any>>)
    %dma_wait3A_1383 = arith.constant 816 : i32
    %dma_wait3A_1384 = arith.constant 0 : i32
    %dma_wait3A_1385 = tpu.memref_slice %arg1[%dma_wait3A_1383, %dma_wait3A_1384] : memref<1024x16384xf32, #tpu.memory_space<any>> -> memref<4x16384xf32, #tpu.memory_space<any>>
    tpu.wait_dma2 semaphore(%arg3 : memref<!tpu.dma_semaphore, #tpu.memory_space<semaphore_mem>>) src(%arg2 : memref<4x16384xf32, #tpu.memory_space<vmem>>) dst(%dma_wait3A_1385 : memref<4x16384xf32, #tpu.memory_space<any>>)
    %dma_wait3A_1386 = arith.constant 820 : i32
    %dma_wait3A_1387 = arith.constant 0 : i32
    %dma_wait3A_1388 = tpu.memref_slice %arg1[%dma_wait3A_1386, %dma_wait3A_1387] : memref<1024x16384xf32, #tpu.memory_space<any>> -> memref<4x16384xf32, #tpu.memory_space<any>>
    tpu.wait_dma2 semaphore(%arg3 : memref<!tpu.dma_semaphore, #tpu.memory_space<semaphore_mem>>) src(%arg2 : memref<4x16384xf32, #tpu.memory_space<vmem>>) dst(%dma_wait3A_1388 : memref<4x16384xf32, #tpu.memory_space<any>>)
    %dma_wait3A_1389 = arith.constant 824 : i32
    %dma_wait3A_1390 = arith.constant 0 : i32
    %dma_wait3A_1391 = tpu.memref_slice %arg1[%dma_wait3A_1389, %dma_wait3A_1390] : memref<1024x16384xf32, #tpu.memory_space<any>> -> memref<4x16384xf32, #tpu.memory_space<any>>
    tpu.wait_dma2 semaphore(%arg3 : memref<!tpu.dma_semaphore, #tpu.memory_space<semaphore_mem>>) src(%arg2 : memref<4x16384xf32, #tpu.memory_space<vmem>>) dst(%dma_wait3A_1391 : memref<4x16384xf32, #tpu.memory_space<any>>)
    %dma_wait3A_1392 = arith.constant 828 : i32
    %dma_wait3A_1393 = arith.constant 0 : i32
    %dma_wait3A_1394 = tpu.memref_slice %arg1[%dma_wait3A_1392, %dma_wait3A_1393] : memref<1024x16384xf32, #tpu.memory_space<any>> -> memref<4x16384xf32, #tpu.memory_space<any>>
    tpu.wait_dma2 semaphore(%arg3 : memref<!tpu.dma_semaphore, #tpu.memory_space<semaphore_mem>>) src(%arg2 : memref<4x16384xf32, #tpu.memory_space<vmem>>) dst(%dma_wait3A_1394 : memref<4x16384xf32, #tpu.memory_space<any>>)
    %dma_wait3A_1395 = arith.constant 832 : i32
    %dma_wait3A_1396 = arith.constant 0 : i32
    %dma_wait3A_1397 = tpu.memref_slice %arg1[%dma_wait3A_1395, %dma_wait3A_1396] : memref<1024x16384xf32, #tpu.memory_space<any>> -> memref<4x16384xf32, #tpu.memory_space<any>>
    tpu.wait_dma2 semaphore(%arg3 : memref<!tpu.dma_semaphore, #tpu.memory_space<semaphore_mem>>) src(%arg2 : memref<4x16384xf32, #tpu.memory_space<vmem>>) dst(%dma_wait3A_1397 : memref<4x16384xf32, #tpu.memory_space<any>>)
    %dma_wait3A_1398 = arith.constant 836 : i32
    %dma_wait3A_1399 = arith.constant 0 : i32
    %dma_wait3A_1400 = tpu.memref_slice %arg1[%dma_wait3A_1398, %dma_wait3A_1399] : memref<1024x16384xf32, #tpu.memory_space<any>> -> memref<4x16384xf32, #tpu.memory_space<any>>
    tpu.wait_dma2 semaphore(%arg3 : memref<!tpu.dma_semaphore, #tpu.memory_space<semaphore_mem>>) src(%arg2 : memref<4x16384xf32, #tpu.memory_space<vmem>>) dst(%dma_wait3A_1400 : memref<4x16384xf32, #tpu.memory_space<any>>)
    %dma_wait3A_1401 = arith.constant 840 : i32
    %dma_wait3A_1402 = arith.constant 0 : i32
    %dma_wait3A_1403 = tpu.memref_slice %arg1[%dma_wait3A_1401, %dma_wait3A_1402] : memref<1024x16384xf32, #tpu.memory_space<any>> -> memref<4x16384xf32, #tpu.memory_space<any>>
    tpu.wait_dma2 semaphore(%arg3 : memref<!tpu.dma_semaphore, #tpu.memory_space<semaphore_mem>>) src(%arg2 : memref<4x16384xf32, #tpu.memory_space<vmem>>) dst(%dma_wait3A_1403 : memref<4x16384xf32, #tpu.memory_space<any>>)
    %dma_wait3A_1404 = arith.constant 844 : i32
    %dma_wait3A_1405 = arith.constant 0 : i32
    %dma_wait3A_1406 = tpu.memref_slice %arg1[%dma_wait3A_1404, %dma_wait3A_1405] : memref<1024x16384xf32, #tpu.memory_space<any>> -> memref<4x16384xf32, #tpu.memory_space<any>>
    tpu.wait_dma2 semaphore(%arg3 : memref<!tpu.dma_semaphore, #tpu.memory_space<semaphore_mem>>) src(%arg2 : memref<4x16384xf32, #tpu.memory_space<vmem>>) dst(%dma_wait3A_1406 : memref<4x16384xf32, #tpu.memory_space<any>>)
    %dma_wait3A_1407 = arith.constant 848 : i32
    %dma_wait3A_1408 = arith.constant 0 : i32
    %dma_wait3A_1409 = tpu.memref_slice %arg1[%dma_wait3A_1407, %dma_wait3A_1408] : memref<1024x16384xf32, #tpu.memory_space<any>> -> memref<4x16384xf32, #tpu.memory_space<any>>
    tpu.wait_dma2 semaphore(%arg3 : memref<!tpu.dma_semaphore, #tpu.memory_space<semaphore_mem>>) src(%arg2 : memref<4x16384xf32, #tpu.memory_space<vmem>>) dst(%dma_wait3A_1409 : memref<4x16384xf32, #tpu.memory_space<any>>)
    %dma_wait3A_1410 = arith.constant 852 : i32
    %dma_wait3A_1411 = arith.constant 0 : i32
    %dma_wait3A_1412 = tpu.memref_slice %arg1[%dma_wait3A_1410, %dma_wait3A_1411] : memref<1024x16384xf32, #tpu.memory_space<any>> -> memref<4x16384xf32, #tpu.memory_space<any>>
    tpu.wait_dma2 semaphore(%arg3 : memref<!tpu.dma_semaphore, #tpu.memory_space<semaphore_mem>>) src(%arg2 : memref<4x16384xf32, #tpu.memory_space<vmem>>) dst(%dma_wait3A_1412 : memref<4x16384xf32, #tpu.memory_space<any>>)
    %dma_wait3A_1413 = arith.constant 856 : i32
    %dma_wait3A_1414 = arith.constant 0 : i32
    %dma_wait3A_1415 = tpu.memref_slice %arg1[%dma_wait3A_1413, %dma_wait3A_1414] : memref<1024x16384xf32, #tpu.memory_space<any>> -> memref<4x16384xf32, #tpu.memory_space<any>>
    tpu.wait_dma2 semaphore(%arg3 : memref<!tpu.dma_semaphore, #tpu.memory_space<semaphore_mem>>) src(%arg2 : memref<4x16384xf32, #tpu.memory_space<vmem>>) dst(%dma_wait3A_1415 : memref<4x16384xf32, #tpu.memory_space<any>>)
    %dma_wait3A_1416 = arith.constant 860 : i32
    %dma_wait3A_1417 = arith.constant 0 : i32
    %dma_wait3A_1418 = tpu.memref_slice %arg1[%dma_wait3A_1416, %dma_wait3A_1417] : memref<1024x16384xf32, #tpu.memory_space<any>> -> memref<4x16384xf32, #tpu.memory_space<any>>
    tpu.wait_dma2 semaphore(%arg3 : memref<!tpu.dma_semaphore, #tpu.memory_space<semaphore_mem>>) src(%arg2 : memref<4x16384xf32, #tpu.memory_space<vmem>>) dst(%dma_wait3A_1418 : memref<4x16384xf32, #tpu.memory_space<any>>)
    %dma_wait3A_1419 = arith.constant 864 : i32
    %dma_wait3A_1420 = arith.constant 0 : i32
    %dma_wait3A_1421 = tpu.memref_slice %arg1[%dma_wait3A_1419, %dma_wait3A_1420] : memref<1024x16384xf32, #tpu.memory_space<any>> -> memref<4x16384xf32, #tpu.memory_space<any>>
    tpu.wait_dma2 semaphore(%arg3 : memref<!tpu.dma_semaphore, #tpu.memory_space<semaphore_mem>>) src(%arg2 : memref<4x16384xf32, #tpu.memory_space<vmem>>) dst(%dma_wait3A_1421 : memref<4x16384xf32, #tpu.memory_space<any>>)
    %dma_wait3A_1422 = arith.constant 868 : i32
    %dma_wait3A_1423 = arith.constant 0 : i32
    %dma_wait3A_1424 = tpu.memref_slice %arg1[%dma_wait3A_1422, %dma_wait3A_1423] : memref<1024x16384xf32, #tpu.memory_space<any>> -> memref<4x16384xf32, #tpu.memory_space<any>>
    tpu.wait_dma2 semaphore(%arg3 : memref<!tpu.dma_semaphore, #tpu.memory_space<semaphore_mem>>) src(%arg2 : memref<4x16384xf32, #tpu.memory_space<vmem>>) dst(%dma_wait3A_1424 : memref<4x16384xf32, #tpu.memory_space<any>>)
    %dma_wait3A_1425 = arith.constant 872 : i32
    %dma_wait3A_1426 = arith.constant 0 : i32
    %dma_wait3A_1427 = tpu.memref_slice %arg1[%dma_wait3A_1425, %dma_wait3A_1426] : memref<1024x16384xf32, #tpu.memory_space<any>> -> memref<4x16384xf32, #tpu.memory_space<any>>
    tpu.wait_dma2 semaphore(%arg3 : memref<!tpu.dma_semaphore, #tpu.memory_space<semaphore_mem>>) src(%arg2 : memref<4x16384xf32, #tpu.memory_space<vmem>>) dst(%dma_wait3A_1427 : memref<4x16384xf32, #tpu.memory_space<any>>)
    %dma_wait3A_1428 = arith.constant 876 : i32
    %dma_wait3A_1429 = arith.constant 0 : i32
    %dma_wait3A_1430 = tpu.memref_slice %arg1[%dma_wait3A_1428, %dma_wait3A_1429] : memref<1024x16384xf32, #tpu.memory_space<any>> -> memref<4x16384xf32, #tpu.memory_space<any>>
    tpu.wait_dma2 semaphore(%arg3 : memref<!tpu.dma_semaphore, #tpu.memory_space<semaphore_mem>>) src(%arg2 : memref<4x16384xf32, #tpu.memory_space<vmem>>) dst(%dma_wait3A_1430 : memref<4x16384xf32, #tpu.memory_space<any>>)
    %dma_wait3A_1431 = arith.constant 880 : i32
    %dma_wait3A_1432 = arith.constant 0 : i32
    %dma_wait3A_1433 = tpu.memref_slice %arg1[%dma_wait3A_1431, %dma_wait3A_1432] : memref<1024x16384xf32, #tpu.memory_space<any>> -> memref<4x16384xf32, #tpu.memory_space<any>>
    tpu.wait_dma2 semaphore(%arg3 : memref<!tpu.dma_semaphore, #tpu.memory_space<semaphore_mem>>) src(%arg2 : memref<4x16384xf32, #tpu.memory_space<vmem>>) dst(%dma_wait3A_1433 : memref<4x16384xf32, #tpu.memory_space<any>>)
    %dma_wait3A_1434 = arith.constant 884 : i32
    %dma_wait3A_1435 = arith.constant 0 : i32
    %dma_wait3A_1436 = tpu.memref_slice %arg1[%dma_wait3A_1434, %dma_wait3A_1435] : memref<1024x16384xf32, #tpu.memory_space<any>> -> memref<4x16384xf32, #tpu.memory_space<any>>
    tpu.wait_dma2 semaphore(%arg3 : memref<!tpu.dma_semaphore, #tpu.memory_space<semaphore_mem>>) src(%arg2 : memref<4x16384xf32, #tpu.memory_space<vmem>>) dst(%dma_wait3A_1436 : memref<4x16384xf32, #tpu.memory_space<any>>)
    %dma_wait3A_1437 = arith.constant 888 : i32
    %dma_wait3A_1438 = arith.constant 0 : i32
    %dma_wait3A_1439 = tpu.memref_slice %arg1[%dma_wait3A_1437, %dma_wait3A_1438] : memref<1024x16384xf32, #tpu.memory_space<any>> -> memref<4x16384xf32, #tpu.memory_space<any>>
    tpu.wait_dma2 semaphore(%arg3 : memref<!tpu.dma_semaphore, #tpu.memory_space<semaphore_mem>>) src(%arg2 : memref<4x16384xf32, #tpu.memory_space<vmem>>) dst(%dma_wait3A_1439 : memref<4x16384xf32, #tpu.memory_space<any>>)
    %dma_wait3A_1440 = arith.constant 892 : i32
    %dma_wait3A_1441 = arith.constant 0 : i32
    %dma_wait3A_1442 = tpu.memref_slice %arg1[%dma_wait3A_1440, %dma_wait3A_1441] : memref<1024x16384xf32, #tpu.memory_space<any>> -> memref<4x16384xf32, #tpu.memory_space<any>>
    tpu.wait_dma2 semaphore(%arg3 : memref<!tpu.dma_semaphore, #tpu.memory_space<semaphore_mem>>) src(%arg2 : memref<4x16384xf32, #tpu.memory_space<vmem>>) dst(%dma_wait3A_1442 : memref<4x16384xf32, #tpu.memory_space<any>>)
    %dma_wait3A_1443 = arith.constant 896 : i32
    %dma_wait3A_1444 = arith.constant 0 : i32
    %dma_wait3A_1445 = tpu.memref_slice %arg1[%dma_wait3A_1443, %dma_wait3A_1444] : memref<1024x16384xf32, #tpu.memory_space<any>> -> memref<4x16384xf32, #tpu.memory_space<any>>
    tpu.wait_dma2 semaphore(%arg3 : memref<!tpu.dma_semaphore, #tpu.memory_space<semaphore_mem>>) src(%arg2 : memref<4x16384xf32, #tpu.memory_space<vmem>>) dst(%dma_wait3A_1445 : memref<4x16384xf32, #tpu.memory_space<any>>)
    %dma_wait3A_1446 = arith.constant 900 : i32
    %dma_wait3A_1447 = arith.constant 0 : i32
    %dma_wait3A_1448 = tpu.memref_slice %arg1[%dma_wait3A_1446, %dma_wait3A_1447] : memref<1024x16384xf32, #tpu.memory_space<any>> -> memref<4x16384xf32, #tpu.memory_space<any>>
    tpu.wait_dma2 semaphore(%arg3 : memref<!tpu.dma_semaphore, #tpu.memory_space<semaphore_mem>>) src(%arg2 : memref<4x16384xf32, #tpu.memory_space<vmem>>) dst(%dma_wait3A_1448 : memref<4x16384xf32, #tpu.memory_space<any>>)
    %dma_wait3A_1449 = arith.constant 904 : i32
    %dma_wait3A_1450 = arith.constant 0 : i32
    %dma_wait3A_1451 = tpu.memref_slice %arg1[%dma_wait3A_1449, %dma_wait3A_1450] : memref<1024x16384xf32, #tpu.memory_space<any>> -> memref<4x16384xf32, #tpu.memory_space<any>>
    tpu.wait_dma2 semaphore(%arg3 : memref<!tpu.dma_semaphore, #tpu.memory_space<semaphore_mem>>) src(%arg2 : memref<4x16384xf32, #tpu.memory_space<vmem>>) dst(%dma_wait3A_1451 : memref<4x16384xf32, #tpu.memory_space<any>>)
    %dma_wait3A_1452 = arith.constant 908 : i32
    %dma_wait3A_1453 = arith.constant 0 : i32
    %dma_wait3A_1454 = tpu.memref_slice %arg1[%dma_wait3A_1452, %dma_wait3A_1453] : memref<1024x16384xf32, #tpu.memory_space<any>> -> memref<4x16384xf32, #tpu.memory_space<any>>
    tpu.wait_dma2 semaphore(%arg3 : memref<!tpu.dma_semaphore, #tpu.memory_space<semaphore_mem>>) src(%arg2 : memref<4x16384xf32, #tpu.memory_space<vmem>>) dst(%dma_wait3A_1454 : memref<4x16384xf32, #tpu.memory_space<any>>)
    %dma_wait3A_1455 = arith.constant 912 : i32
    %dma_wait3A_1456 = arith.constant 0 : i32
    %dma_wait3A_1457 = tpu.memref_slice %arg1[%dma_wait3A_1455, %dma_wait3A_1456] : memref<1024x16384xf32, #tpu.memory_space<any>> -> memref<4x16384xf32, #tpu.memory_space<any>>
    tpu.wait_dma2 semaphore(%arg3 : memref<!tpu.dma_semaphore, #tpu.memory_space<semaphore_mem>>) src(%arg2 : memref<4x16384xf32, #tpu.memory_space<vmem>>) dst(%dma_wait3A_1457 : memref<4x16384xf32, #tpu.memory_space<any>>)
    %dma_wait3A_1458 = arith.constant 916 : i32
    %dma_wait3A_1459 = arith.constant 0 : i32
    %dma_wait3A_1460 = tpu.memref_slice %arg1[%dma_wait3A_1458, %dma_wait3A_1459] : memref<1024x16384xf32, #tpu.memory_space<any>> -> memref<4x16384xf32, #tpu.memory_space<any>>
    tpu.wait_dma2 semaphore(%arg3 : memref<!tpu.dma_semaphore, #tpu.memory_space<semaphore_mem>>) src(%arg2 : memref<4x16384xf32, #tpu.memory_space<vmem>>) dst(%dma_wait3A_1460 : memref<4x16384xf32, #tpu.memory_space<any>>)
    %dma_wait3A_1461 = arith.constant 920 : i32
    %dma_wait3A_1462 = arith.constant 0 : i32
    %dma_wait3A_1463 = tpu.memref_slice %arg1[%dma_wait3A_1461, %dma_wait3A_1462] : memref<1024x16384xf32, #tpu.memory_space<any>> -> memref<4x16384xf32, #tpu.memory_space<any>>
    tpu.wait_dma2 semaphore(%arg3 : memref<!tpu.dma_semaphore, #tpu.memory_space<semaphore_mem>>) src(%arg2 : memref<4x16384xf32, #tpu.memory_space<vmem>>) dst(%dma_wait3A_1463 : memref<4x16384xf32, #tpu.memory_space<any>>)
    %dma_wait3A_1464 = arith.constant 924 : i32
    %dma_wait3A_1465 = arith.constant 0 : i32
    %dma_wait3A_1466 = tpu.memref_slice %arg1[%dma_wait3A_1464, %dma_wait3A_1465] : memref<1024x16384xf32, #tpu.memory_space<any>> -> memref<4x16384xf32, #tpu.memory_space<any>>
    tpu.wait_dma2 semaphore(%arg3 : memref<!tpu.dma_semaphore, #tpu.memory_space<semaphore_mem>>) src(%arg2 : memref<4x16384xf32, #tpu.memory_space<vmem>>) dst(%dma_wait3A_1466 : memref<4x16384xf32, #tpu.memory_space<any>>)
    %dma_wait3A_1467 = arith.constant 928 : i32
    %dma_wait3A_1468 = arith.constant 0 : i32
    %dma_wait3A_1469 = tpu.memref_slice %arg1[%dma_wait3A_1467, %dma_wait3A_1468] : memref<1024x16384xf32, #tpu.memory_space<any>> -> memref<4x16384xf32, #tpu.memory_space<any>>
    tpu.wait_dma2 semaphore(%arg3 : memref<!tpu.dma_semaphore, #tpu.memory_space<semaphore_mem>>) src(%arg2 : memref<4x16384xf32, #tpu.memory_space<vmem>>) dst(%dma_wait3A_1469 : memref<4x16384xf32, #tpu.memory_space<any>>)
    %dma_wait3A_1470 = arith.constant 932 : i32
    %dma_wait3A_1471 = arith.constant 0 : i32
    %dma_wait3A_1472 = tpu.memref_slice %arg1[%dma_wait3A_1470, %dma_wait3A_1471] : memref<1024x16384xf32, #tpu.memory_space<any>> -> memref<4x16384xf32, #tpu.memory_space<any>>
    tpu.wait_dma2 semaphore(%arg3 : memref<!tpu.dma_semaphore, #tpu.memory_space<semaphore_mem>>) src(%arg2 : memref<4x16384xf32, #tpu.memory_space<vmem>>) dst(%dma_wait3A_1472 : memref<4x16384xf32, #tpu.memory_space<any>>)
    %dma_wait3A_1473 = arith.constant 936 : i32
    %dma_wait3A_1474 = arith.constant 0 : i32
    %dma_wait3A_1475 = tpu.memref_slice %arg1[%dma_wait3A_1473, %dma_wait3A_1474] : memref<1024x16384xf32, #tpu.memory_space<any>> -> memref<4x16384xf32, #tpu.memory_space<any>>
    tpu.wait_dma2 semaphore(%arg3 : memref<!tpu.dma_semaphore, #tpu.memory_space<semaphore_mem>>) src(%arg2 : memref<4x16384xf32, #tpu.memory_space<vmem>>) dst(%dma_wait3A_1475 : memref<4x16384xf32, #tpu.memory_space<any>>)
    %dma_wait3A_1476 = arith.constant 940 : i32
    %dma_wait3A_1477 = arith.constant 0 : i32
    %dma_wait3A_1478 = tpu.memref_slice %arg1[%dma_wait3A_1476, %dma_wait3A_1477] : memref<1024x16384xf32, #tpu.memory_space<any>> -> memref<4x16384xf32, #tpu.memory_space<any>>
    tpu.wait_dma2 semaphore(%arg3 : memref<!tpu.dma_semaphore, #tpu.memory_space<semaphore_mem>>) src(%arg2 : memref<4x16384xf32, #tpu.memory_space<vmem>>) dst(%dma_wait3A_1478 : memref<4x16384xf32, #tpu.memory_space<any>>)
    %dma_wait3A_1479 = arith.constant 944 : i32
    %dma_wait3A_1480 = arith.constant 0 : i32
    %dma_wait3A_1481 = tpu.memref_slice %arg1[%dma_wait3A_1479, %dma_wait3A_1480] : memref<1024x16384xf32, #tpu.memory_space<any>> -> memref<4x16384xf32, #tpu.memory_space<any>>
    tpu.wait_dma2 semaphore(%arg3 : memref<!tpu.dma_semaphore, #tpu.memory_space<semaphore_mem>>) src(%arg2 : memref<4x16384xf32, #tpu.memory_space<vmem>>) dst(%dma_wait3A_1481 : memref<4x16384xf32, #tpu.memory_space<any>>)
    %dma_wait3A_1482 = arith.constant 948 : i32
    %dma_wait3A_1483 = arith.constant 0 : i32
    %dma_wait3A_1484 = tpu.memref_slice %arg1[%dma_wait3A_1482, %dma_wait3A_1483] : memref<1024x16384xf32, #tpu.memory_space<any>> -> memref<4x16384xf32, #tpu.memory_space<any>>
    tpu.wait_dma2 semaphore(%arg3 : memref<!tpu.dma_semaphore, #tpu.memory_space<semaphore_mem>>) src(%arg2 : memref<4x16384xf32, #tpu.memory_space<vmem>>) dst(%dma_wait3A_1484 : memref<4x16384xf32, #tpu.memory_space<any>>)
    %dma_wait3A_1485 = arith.constant 952 : i32
    %dma_wait3A_1486 = arith.constant 0 : i32
    %dma_wait3A_1487 = tpu.memref_slice %arg1[%dma_wait3A_1485, %dma_wait3A_1486] : memref<1024x16384xf32, #tpu.memory_space<any>> -> memref<4x16384xf32, #tpu.memory_space<any>>
    tpu.wait_dma2 semaphore(%arg3 : memref<!tpu.dma_semaphore, #tpu.memory_space<semaphore_mem>>) src(%arg2 : memref<4x16384xf32, #tpu.memory_space<vmem>>) dst(%dma_wait3A_1487 : memref<4x16384xf32, #tpu.memory_space<any>>)
    %dma_wait3A_1488 = arith.constant 956 : i32
    %dma_wait3A_1489 = arith.constant 0 : i32
    %dma_wait3A_1490 = tpu.memref_slice %arg1[%dma_wait3A_1488, %dma_wait3A_1489] : memref<1024x16384xf32, #tpu.memory_space<any>> -> memref<4x16384xf32, #tpu.memory_space<any>>
    tpu.wait_dma2 semaphore(%arg3 : memref<!tpu.dma_semaphore, #tpu.memory_space<semaphore_mem>>) src(%arg2 : memref<4x16384xf32, #tpu.memory_space<vmem>>) dst(%dma_wait3A_1490 : memref<4x16384xf32, #tpu.memory_space<any>>)
    %dma_wait3A_1491 = arith.constant 960 : i32
    %dma_wait3A_1492 = arith.constant 0 : i32
    %dma_wait3A_1493 = tpu.memref_slice %arg1[%dma_wait3A_1491, %dma_wait3A_1492] : memref<1024x16384xf32, #tpu.memory_space<any>> -> memref<4x16384xf32, #tpu.memory_space<any>>
    tpu.wait_dma2 semaphore(%arg3 : memref<!tpu.dma_semaphore, #tpu.memory_space<semaphore_mem>>) src(%arg2 : memref<4x16384xf32, #tpu.memory_space<vmem>>) dst(%dma_wait3A_1493 : memref<4x16384xf32, #tpu.memory_space<any>>)
    %dma_wait3A_1494 = arith.constant 964 : i32
    %dma_wait3A_1495 = arith.constant 0 : i32
    %dma_wait3A_1496 = tpu.memref_slice %arg1[%dma_wait3A_1494, %dma_wait3A_1495] : memref<1024x16384xf32, #tpu.memory_space<any>> -> memref<4x16384xf32, #tpu.memory_space<any>>
    tpu.wait_dma2 semaphore(%arg3 : memref<!tpu.dma_semaphore, #tpu.memory_space<semaphore_mem>>) src(%arg2 : memref<4x16384xf32, #tpu.memory_space<vmem>>) dst(%dma_wait3A_1496 : memref<4x16384xf32, #tpu.memory_space<any>>)
    %dma_wait3A_1497 = arith.constant 968 : i32
    %dma_wait3A_1498 = arith.constant 0 : i32
    %dma_wait3A_1499 = tpu.memref_slice %arg1[%dma_wait3A_1497, %dma_wait3A_1498] : memref<1024x16384xf32, #tpu.memory_space<any>> -> memref<4x16384xf32, #tpu.memory_space<any>>
    tpu.wait_dma2 semaphore(%arg3 : memref<!tpu.dma_semaphore, #tpu.memory_space<semaphore_mem>>) src(%arg2 : memref<4x16384xf32, #tpu.memory_space<vmem>>) dst(%dma_wait3A_1499 : memref<4x16384xf32, #tpu.memory_space<any>>)
    %dma_wait3A_1500 = arith.constant 972 : i32
    %dma_wait3A_1501 = arith.constant 0 : i32
    %dma_wait3A_1502 = tpu.memref_slice %arg1[%dma_wait3A_1500, %dma_wait3A_1501] : memref<1024x16384xf32, #tpu.memory_space<any>> -> memref<4x16384xf32, #tpu.memory_space<any>>
    tpu.wait_dma2 semaphore(%arg3 : memref<!tpu.dma_semaphore, #tpu.memory_space<semaphore_mem>>) src(%arg2 : memref<4x16384xf32, #tpu.memory_space<vmem>>) dst(%dma_wait3A_1502 : memref<4x16384xf32, #tpu.memory_space<any>>)
    %dma_wait3A_1503 = arith.constant 976 : i32
    %dma_wait3A_1504 = arith.constant 0 : i32
    %dma_wait3A_1505 = tpu.memref_slice %arg1[%dma_wait3A_1503, %dma_wait3A_1504] : memref<1024x16384xf32, #tpu.memory_space<any>> -> memref<4x16384xf32, #tpu.memory_space<any>>
    tpu.wait_dma2 semaphore(%arg3 : memref<!tpu.dma_semaphore, #tpu.memory_space<semaphore_mem>>) src(%arg2 : memref<4x16384xf32, #tpu.memory_space<vmem>>) dst(%dma_wait3A_1505 : memref<4x16384xf32, #tpu.memory_space<any>>)
    %dma_wait3A_1506 = arith.constant 980 : i32
    %dma_wait3A_1507 = arith.constant 0 : i32
    %dma_wait3A_1508 = tpu.memref_slice %arg1[%dma_wait3A_1506, %dma_wait3A_1507] : memref<1024x16384xf32, #tpu.memory_space<any>> -> memref<4x16384xf32, #tpu.memory_space<any>>
    tpu.wait_dma2 semaphore(%arg3 : memref<!tpu.dma_semaphore, #tpu.memory_space<semaphore_mem>>) src(%arg2 : memref<4x16384xf32, #tpu.memory_space<vmem>>) dst(%dma_wait3A_1508 : memref<4x16384xf32, #tpu.memory_space<any>>)
    %dma_wait3A_1509 = arith.constant 984 : i32
    %dma_wait3A_1510 = arith.constant 0 : i32
    %dma_wait3A_1511 = tpu.memref_slice %arg1[%dma_wait3A_1509, %dma_wait3A_1510] : memref<1024x16384xf32, #tpu.memory_space<any>> -> memref<4x16384xf32, #tpu.memory_space<any>>
    tpu.wait_dma2 semaphore(%arg3 : memref<!tpu.dma_semaphore, #tpu.memory_space<semaphore_mem>>) src(%arg2 : memref<4x16384xf32, #tpu.memory_space<vmem>>) dst(%dma_wait3A_1511 : memref<4x16384xf32, #tpu.memory_space<any>>)
    %dma_wait3A_1512 = arith.constant 988 : i32
    %dma_wait3A_1513 = arith.constant 0 : i32
    %dma_wait3A_1514 = tpu.memref_slice %arg1[%dma_wait3A_1512, %dma_wait3A_1513] : memref<1024x16384xf32, #tpu.memory_space<any>> -> memref<4x16384xf32, #tpu.memory_space<any>>
    tpu.wait_dma2 semaphore(%arg3 : memref<!tpu.dma_semaphore, #tpu.memory_space<semaphore_mem>>) src(%arg2 : memref<4x16384xf32, #tpu.memory_space<vmem>>) dst(%dma_wait3A_1514 : memref<4x16384xf32, #tpu.memory_space<any>>)
    %dma_wait3A_1515 = arith.constant 992 : i32
    %dma_wait3A_1516 = arith.constant 0 : i32
    %dma_wait3A_1517 = tpu.memref_slice %arg1[%dma_wait3A_1515, %dma_wait3A_1516] : memref<1024x16384xf32, #tpu.memory_space<any>> -> memref<4x16384xf32, #tpu.memory_space<any>>
    tpu.wait_dma2 semaphore(%arg3 : memref<!tpu.dma_semaphore, #tpu.memory_space<semaphore_mem>>) src(%arg2 : memref<4x16384xf32, #tpu.memory_space<vmem>>) dst(%dma_wait3A_1517 : memref<4x16384xf32, #tpu.memory_space<any>>)
    %dma_wait3A_1518 = arith.constant 996 : i32
    %dma_wait3A_1519 = arith.constant 0 : i32
    %dma_wait3A_1520 = tpu.memref_slice %arg1[%dma_wait3A_1518, %dma_wait3A_1519] : memref<1024x16384xf32, #tpu.memory_space<any>> -> memref<4x16384xf32, #tpu.memory_space<any>>
    tpu.wait_dma2 semaphore(%arg3 : memref<!tpu.dma_semaphore, #tpu.memory_space<semaphore_mem>>) src(%arg2 : memref<4x16384xf32, #tpu.memory_space<vmem>>) dst(%dma_wait3A_1520 : memref<4x16384xf32, #tpu.memory_space<any>>)
    %dma_wait3A_1521 = arith.constant 1000 : i32
    %dma_wait3A_1522 = arith.constant 0 : i32
    %dma_wait3A_1523 = tpu.memref_slice %arg1[%dma_wait3A_1521, %dma_wait3A_1522] : memref<1024x16384xf32, #tpu.memory_space<any>> -> memref<4x16384xf32, #tpu.memory_space<any>>
    tpu.wait_dma2 semaphore(%arg3 : memref<!tpu.dma_semaphore, #tpu.memory_space<semaphore_mem>>) src(%arg2 : memref<4x16384xf32, #tpu.memory_space<vmem>>) dst(%dma_wait3A_1523 : memref<4x16384xf32, #tpu.memory_space<any>>)
    %dma_wait3A_1524 = arith.constant 1004 : i32
    %dma_wait3A_1525 = arith.constant 0 : i32
    %dma_wait3A_1526 = tpu.memref_slice %arg1[%dma_wait3A_1524, %dma_wait3A_1525] : memref<1024x16384xf32, #tpu.memory_space<any>> -> memref<4x16384xf32, #tpu.memory_space<any>>
    tpu.wait_dma2 semaphore(%arg3 : memref<!tpu.dma_semaphore, #tpu.memory_space<semaphore_mem>>) src(%arg2 : memref<4x16384xf32, #tpu.memory_space<vmem>>) dst(%dma_wait3A_1526 : memref<4x16384xf32, #tpu.memory_space<any>>)
    %dma_wait3A_1527 = arith.constant 1008 : i32
    %dma_wait3A_1528 = arith.constant 0 : i32
    %dma_wait3A_1529 = tpu.memref_slice %arg1[%dma_wait3A_1527, %dma_wait3A_1528] : memref<1024x16384xf32, #tpu.memory_space<any>> -> memref<4x16384xf32, #tpu.memory_space<any>>
    tpu.wait_dma2 semaphore(%arg3 : memref<!tpu.dma_semaphore, #tpu.memory_space<semaphore_mem>>) src(%arg2 : memref<4x16384xf32, #tpu.memory_space<vmem>>) dst(%dma_wait3A_1529 : memref<4x16384xf32, #tpu.memory_space<any>>)
    %dma_wait3A_1530 = arith.constant 1012 : i32
    %dma_wait3A_1531 = arith.constant 0 : i32
    %dma_wait3A_1532 = tpu.memref_slice %arg1[%dma_wait3A_1530, %dma_wait3A_1531] : memref<1024x16384xf32, #tpu.memory_space<any>> -> memref<4x16384xf32, #tpu.memory_space<any>>
    tpu.wait_dma2 semaphore(%arg3 : memref<!tpu.dma_semaphore, #tpu.memory_space<semaphore_mem>>) src(%arg2 : memref<4x16384xf32, #tpu.memory_space<vmem>>) dst(%dma_wait3A_1532 : memref<4x16384xf32, #tpu.memory_space<any>>)
    %dma_wait3A_1533 = arith.constant 1016 : i32
    %dma_wait3A_1534 = arith.constant 0 : i32
    %dma_wait3A_1535 = tpu.memref_slice %arg1[%dma_wait3A_1533, %dma_wait3A_1534] : memref<1024x16384xf32, #tpu.memory_space<any>> -> memref<4x16384xf32, #tpu.memory_space<any>>
    tpu.wait_dma2 semaphore(%arg3 : memref<!tpu.dma_semaphore, #tpu.memory_space<semaphore_mem>>) src(%arg2 : memref<4x16384xf32, #tpu.memory_space<vmem>>) dst(%dma_wait3A_1535 : memref<4x16384xf32, #tpu.memory_space<any>>)
    %dma_wait3A_1536 = arith.constant 1020 : i32
    %dma_wait3A_1537 = arith.constant 0 : i32
    %dma_wait3A_1538 = tpu.memref_slice %arg1[%dma_wait3A_1536, %dma_wait3A_1537] : memref<1024x16384xf32, #tpu.memory_space<any>> -> memref<4x16384xf32, #tpu.memory_space<any>>
    tpu.wait_dma2 semaphore(%arg3 : memref<!tpu.dma_semaphore, #tpu.memory_space<semaphore_mem>>) src(%arg2 : memref<4x16384xf32, #tpu.memory_space<vmem>>) dst(%dma_wait3A_1538 : memref<4x16384xf32, #tpu.memory_space<any>>)
    return
  }
}

</mosaic_0001>

<sc_bundles>
// kernel: kernel.4.cloned.1.call-start
scs
__scs_entry_jumppad:
0x0: {  	(pc) =	sbr.rel $0x88, $3  }
0x1: {  	(tag) =	ssettag $0x0;
	lr =	simm.s32 $0x1  }
0x2: {  	[smem:$0x3F9F] =	sst lr;
	_ =	strace $0xD0000000  }
0x3: {  	_ = 	snop  }
0x4: {  	_ = 	snop  }
0x5: {  	_ = 	snop  }
0x6: {  	_ = 	snop  }
0x7: {  	_ = 	snop  }
__scs_overlays_trampoline_lowered:
0x8: {  	[smem:$0x3FAE] =	sst s0  }
0x9: {  	[smem:$0x3FAF] =	sst s1  }
0xa: {  	[smem:$0x3FB0] =	sst s2  }
0xb: {  	[smem:$0x3FB1] =	sst s3  }
0xc: {  	[smem:$0x3FB2] =	sst s4  }
0xd: {  	[smem:$0x3FB3] =	sst s5  }
0xe: {  	[smem:$0x3FB4] =	sst s6  }
0xf: {  	[smem:$0x3FB5] =	sst s7  }
0x10: {  	[smem:$0x3FB6] =	sst s8  }
0x11: {  	[smem:$0x3FB7] =	sst s9;
	s0 =	simm.s32 @!p0 $0x0  }
0x12: {  	s1 =	sld [smem:$0x3F9D];
	s0 =	simm.s32 @p0 $0x1  }
0x13: {  	[smem:$0x3FB8] =	sst s0;
	s0 =	simm.s32 @!p1 $0x0  }
0x14: {  	s2 =	sld [smem:$0x3F9C];
	s0 =	simm.s32 @p1 $0x1  }
0x15: {  	[smem:$0x3FB9] =	sst s0;
	s0 =	simm.s32 @!p2 $0x0  }
0x16: {  	s3 =	sld [smem:$0x3FDB];
	s0 =	simm.s32 @p2 $0x1  }
0x17: {  	s4 =	simm.s32 $0x1BF5;
	[smem:$0x3FBB] =	sst s0  }
0x18: {  	s0 =	sld [smem:$0x3F9E];
	_ =	swait.ge [sflag:s4], $0x0  }
0x19: {  	s7 =	sld [smem:$0x3F9F]  }
0x1a: {  	s8 =	sadd.s32 $0xFFFFE003, lr  }
0x1b: {  	s9 =	sadd.s32 $0xFFFFFEF7, lr;
	s5 =	simm.s32 $0xFFFFFFFF;
	p2 =	slt.u32 s8, $0xFFFFF086  }
0x1c: {  	p1 =	slt.u32 s9, $0xF7A;
	s5 =	simm.s32 @!p2 $0x0  }
0x1d: {  	s5 =	simm.s32 @p1 $0x1;
	p0 =	seq.s32 s7, s2  }
0x1e: {  	s7 =	smul.u32 @!p0 $0xF7A, s2;
	p2 =	seq.s32 @!p0 s5, $0x0  }
0x1f: {  	s9 =	smul.u32 $0xF7A, s1;
	s8 =	simm.s32 @!p0 $0x1BF5;
	p2 =	por !p2, p0  }
0x20: {  	[sflag:s8] =	ssyncset.s32 @!p0 $0xFFFFF086;
	s6 =	sadd.s32 @!p0 s3, s7;
	s7 =	simm.s32 @!p0 $0x108  }
0x21: {  	s3 =	sadd.s32 s3, s9;
	s6 =	sadd.s32 @!p0 $0x88, s6;
	s7 =	simm.s32 @p2 $0x1082  }
0x22: {  	[simem:s7], [sflag:s8] =	dma.local @!p0 [hbm:s6], $0xF7A  }
0x23: {  	s9 =	sor.u32 $0xD0000000, s2;
	s6 =	simm.s32 $0x108;
	_ =	swait.ge @!p0 [sflag:s8], $0x0  }
0x24: {  	s3 =	sadd.s32 $0x88, s3;
	s6 =	simm.s32 @!p1 $0x1082;
	[sflag:s4] =	ssyncset.s32 $0xFFFFF086  }
0x25: {  	[simem:s6], [sflag:s4] =	dma.local [hbm:s3], $0xF7A  }
0x26: {  	[smem:$0x3F9F] =	sst s1;
	(tag) =	ssettag s2;
	_ =	strace s9  }
0x27: {  	s1 =	sld [smem:$0x3FAF]  }
0x28: {  	s2 =	sld [smem:$0x3FB0]  }
0x29: {  	s4 =	sld [smem:$0x3FB2]  }
0x2a: {  	p0 =	seq.s32 s5, $0x0;
	s5 =	sld [smem:$0x3FB3]  }
0x2b: {  	s6 =	sld [smem:$0x3FB4]  }
0x2c: {  	s7 =	sld [smem:$0x3FB5]  }
0x2d: {  	s3 =	simm.s32 $0x108;
	s8 =	sld [smem:$0x3FB6]  }
0x2e: {  	s3 =	simm.s32 @!p0 $0x1082;
	s9 =	sld [smem:$0x3FB7]  }
0x2f: {  	lr =	sadd.s32 s0, s3;
	s0 =	sld [smem:$0x3FAE]  }
0x30: {  	s3 =	sld [smem:$0x3FB1]  }
0x31: {  	[smem:$0x3FBA] =	sst s10  }
0x32: {  	s10 =	sld [smem:$0x3FB8];
	_ =	sdelay $0x3  }
0x33: {  	p0 =	seq.s32 s10, $0x1;
	s10 =	sld [smem:$0x3FBA];
	_ =	sdelay $0x3  }
0x34: {  	[smem:$0x3FBA] =	sst s10  }
0x35: {  	s10 =	sld [smem:$0x3FB9];
	_ =	sdelay $0x3  }
0x36: {  	p1 =	seq.s32 s10, $0x1;
	s10 =	sld [smem:$0x3FBA];
	_ =	sdelay $0x3  }
0x37: {  	[smem:$0x3FBA] =	sst s10  }
0x38: {  	s10 =	sld [smem:$0x3FBB]  }
0x39: {  	_ = 	snop;
	(pc) =	sbr.ind lr, $3  }
0x3a: {  	_ = 	snop  }
0x3b: {  	_ = 	snop  }
0x3c: {  	p2 =	seq.s32 s10, $0x1;
	s10 =	sld [smem:$0x3FBA]  }
0x3d: {  	_ =	shalt  }
0x3e: {  	_ =	shalt  }
0x3f: {  	_ =	shalt  }
0x40: {  	_ =	shalt  }
0x41: {  	_ =	shalt  }
0x42: {  	_ =	shalt  }
0x43: {  	_ =	shalt  }
0x44: {  	_ =	shalt  }
0x45: {  	_ =	shalt  }
0x46: {  	_ =	shalt  }
0x47: {  	_ =	shalt  }
0x48: {  	_ =	shalt  }
0x49: {  	_ =	shalt  }
0x4a: {  	_ =	shalt  }
0x4b: {  	_ =	shalt  }
0x4c: {  	_ =	shalt  }
0x4d: {  	_ =	shalt  }
0x4e: {  	_ =	shalt  }
0x4f: {  	_ =	shalt  }
0x50: {  	_ =	shalt  }
0x51: {  	_ =	shalt  }
0x52: {  	_ =	shalt  }
0x53: {  	_ =	shalt  }
0x54: {  	_ =	shalt  }
0x55: {  	_ =	shalt  }
0x56: {  	_ =	shalt  }
0x57: {  	_ =	shalt  }
0x58: {  	_ =	shalt  }
0x59: {  	_ =	shalt  }
0x5a: {  	_ =	shalt  }
0x5b: {  	_ =	shalt  }
0x5c: {  	_ =	shalt  }
0x5d: {  	_ =	shalt  }
0x5e: {  	_ =	shalt  }
0x5f: {  	_ =	shalt  }
0x60: {  	_ =	shalt  }
0x61: {  	_ =	shalt  }
0x62: {  	_ =	shalt  }
0x63: {  	_ =	shalt  }
0x64: {  	_ =	shalt  }
0x65: {  	_ =	shalt  }
0x66: {  	_ =	shalt  }
0x67: {  	_ =	shalt  }
0x68: {  	_ =	shalt  }
0x69: {  	_ =	shalt  }
0x6a: {  	_ =	shalt  }
0x6b: {  	_ =	shalt  }
0x6c: {  	_ =	shalt  }
0x6d: {  	_ =	shalt  }
0x6e: {  	_ =	shalt  }
0x6f: {  	_ =	shalt  }
0x70: {  	_ =	shalt  }
0x71: {  	_ =	shalt  }
0x72: {  	_ =	shalt  }
0x73: {  	_ =	shalt  }
0x74: {  	_ =	shalt  }
0x75: {  	_ =	shalt  }
0x76: {  	_ =	shalt  }
0x77: {  	_ =	shalt  }
0x78: {  	_ =	shalt  }
0x79: {  	_ =	shalt  }
0x7a: {  	_ =	shalt  }
0x7b: {  	_ =	shalt  }
0x7c: {  	_ =	shalt  }
0x7d: {  	_ =	shalt  }
0x7e: {  	_ =	shalt  }
0x7f: {  	_ =	shalt  }
0x80: {  	_ =	shalt  }
0x81: {  	_ =	shalt  }
0x82: {  	_ =	shalt  }
0x83: {  	_ =	shalt  }
0x84: {  	_ =	shalt  }
0x85: {  	_ =	shalt  }
0x86: {  	_ =	shalt  }
0x87: {  	_ =	shalt  }
.Lfunc_end0:
.L_simem_size_0:
called_computation_lowered:
.L_overlay_start_0:
0x88: {  	s2 =	sld [smem:$0x3FD9]  }
0x89: {  	s3 =	sld [smem:$0x3FFE];
	_ =	sdelay $0x1  }
0x8a: {  	s1 =	srdreg.scid  }
0x8b: {  	s0 =	sand.u32 $0x1, s1  }
0x8c: {  	s18 =	sshll.u32 s0, $0xA;
	s2 =	sadd.s32 s3, s2  }
0x8d: {  	s2 =	sadd.s32 s2, s18  }
0x8e: {  	[smem:$0x3FC6] =	sst s2  }
0x8f: {  	_ = 	snop  }
0x90: {  	s2 =	sld [smem:$0x3FC9]  }
0x91: {  	s19 =	sld [smem:$0x3FC8]  }
0x92: {  	s4 =	sld [smem:$0x3FD0];
	(tm) =	ssettm $0x1  }
0x93: {  	s5 =	sld [smem:$0x3FFB];
	_ =	sdelay $0x3  }
0x94: {  	_ =	strace s5  }
0x95: {  	s5 =	sld [smem:$0x3FFC];
	_ =	sdelay $0x3  }
0x96: {  	_ =	strace s5  }
0x97: {  	s5 =	sld [smem:$0x3FFD];
	_ =	sdelay $0x3  }
0x98: {  	_ =	strace s5  }
0x99: {  	_ =	strace $0x8FFFFFFF  }
0x9a: {  	s20 =	sld [smem:$0x3FDB];
	_ =	sdelay $0x1  }
0x9b: {  	s6 =	simm.s32 $_scs_section_size  }
0x9c: {  	s7 =	simm.s32 $_size__tile_overlayer_lowered;
	s8 =	simm.s32 $_tile_overlayer_lowered  }
0x9d: {  	s23 =	simm.s32 $0x1BFF;
	s22 =	sshll.u32 s8, $0x1;
	s5 =	sadd.s32 s6, s20  }
0x9e: {  	s9 =	simm.s32 $0x0;
	s21 =	sshll.u32 s7, $0x1;
	s7 =	sadd.s32 s22, s5  }
0x9f: {  	[timem:s9], [sflag:s23] =	dma.local [hbm:s7], s21  }
0xa0: {  	_ =	swait.ge [sflag:s23], s21  }
0xa1: {  	s6 =	ssub.s32 $0x0, s21;
	[sflag:s23] =	ssyncset.done $0x0  }
0xa2: {  	[sflag:s23] =	ssyncadd.s32 s6;
	_ =	sdelay $0x1  }
0xa3: {  	s24 =	simm.s32 $0x1B8B  }
0xa4: {  	_ =	swait.ge [sflag:s24], $0x1  }
0xa5: {  	[sflag:s24] =	ssyncset.done $0x0  }
0xa6: {  	s25 =	simm.s32 $0x1B8E;
	[sflag:s24] =	ssyncadd.s32 $0xFFFFFFFF  }
0xa7: {  	s26 =	simm.s32 $execute0_lowered;
	[smem:$0x3FD2] =	sst s25  }
0xa8: {  	s6 =	sshll.u32 s26, $0x1;
	_ =	strace $0x80000046;
	[dreg:$0x1] =	wrdreg $0xFFFFFFFF  }
0xa9: {  	s28 =	simm.s32 $_size_execute0_lowered;
	s5 =	sadd.s32 s5, s6;
	[dreg:$0x0] =	wrdreg $0x0  }
0xaa: {  	s6 =	sshll.u32 s28, $0x1;
	[dreg:$0x2] =	wrdreg s5  }
0xab: {  	[dreg:$0x3] =	wrdreg s6  }
0xac: {  	[dreg:$0x4] =	wrdreg $0xC0  }
0xad: {  	_ =	task [dreg:s9], $0x5FFFF  }
0xae: {  	[dreg:$0x1] =	wrdreg $0xFFFFFFFF  }
0xaf: {  	[dreg:$0x0] =	wrdreg $0x60  }
0xb0: {  	[dreg:$0x2] =	wrdreg s19  }
0xb1: {  	[dreg:$0x3] =	wrdreg s2  }
0xb2: {  	[dreg:$0x4] =	wrdreg s4  }
0xb3: {  	[dreg:$0x5] =	wrdreg $0x9  }
0xb4: {  	_ =	task.clear_ibuf [dreg:s9], $0x6FFFF;
	_ =	strace $0x90000046  }
0xb5: {  	s29 =	simm.s32 $0x9;
	_ =	strace $0x80000048  }
0xb6: {  	_ =	swait.ge [sflag:s29], $0x1  }
0xb7: {  	[sflag:s29] =	ssyncadd.s32 $0xFFFFFFFF  }
0xb8: {  	_ =	strace $0x90000048  }
0xb9: {  	_ =	sfence  }
0xba: {  	s30 =	sld [smem:$0x0];
	_ =	sdelay $0x2  }
0xbb: {  	s31 =	sshll.u32 s1, $0xD;
	s1 =	sshrl.u32 s1, $0x2  }
0xbc: {  	s3 =	sand.u32 $0x4000, s31;
	s1 =	sadd.s32 s1, s30  }
0xbd: {  	s0 =	sor.u32 s3, s0;
	s1 =	sshll.u32 s1, $0x11  }
0xbe: {  	s0 =	sor.u32 s1, s0  }
0xbf: {  	s0 =	sadd.s32 $0x8F2B, s0  }
0xc0: {  	[sflag:s0] =	ssyncadd.remote.s32 $0x1  }
0xc1: {  	_ =	sfence.sel $0xFFFF  }
0xc2: {  	[dreg:$0x0] =	wrdreg $0xFFFFFFFF;
	(pc) =	sbr.abs _section_cstart, $3  }
0xc3: {  	[dreg:$0x1] =	wrdreg $0xFFFFFFFF  }
0xc4: {  	_ =	task.clear_ibuf [dreg:s9], $0x2FFFF;
	_ =	strace $0x9FFFFFFF  }
0xc5: {  	(tm) =	ssettm $0x7FFFFFFF  }
tec
execute0_lowered:
.L_overlay_start_1:
0x0: {  	(tag) =	ssettag $0x1  }
0x1: {  	s2 =	rddreg [dreg:$0x0]  }
0x2: {  	s4 =	rddreg [dreg:$0x1]  }
0x3: {  	s14 =	rddreg [dreg:$0x2];
	s3 =	srdreg.scid  }
0x4: {  	s0 =	rddreg [dreg:$0x3];
	s1 =	stileid.u32;
	s19 =	sand.u32 $0x1, s3  }
0x5: {  	s3 =	simm.s32 $0x0;
	s5 =	sshll.u32 s1, $0x7;
	s6 =	sshll.u32 s19, $0x6  }
0x6: {  	[smem:$0x7FF] =	sst s3;
	s15 =	sor.u32 s6, s5  }
0x7: {  	_ =	strace $0x80000047;
	s5 =	simm.s32 $0x3;
	s4 =	sadd.s32 s4, s15  }
0x8: {  	[tilespmem:s3], [sflag:$0x3] =	stream.linear.gather [hbm4b:s4+s3], $0x200, $0x38;
	[tilespmem:$0x400] =	vst v63  }
0x9: {  	_ =	swait.ge [sflag:s5], $0x200  }
0xa: {  	[sflag:s5] =	ssyncset.done $0x0  }
0xb: {  	s7 =	simm.s32 $0x200;
	s6 =	simm.s32 $0x80;
	[sflag:s5] =	ssyncadd.s32 $0xFFFFFE00  }
0xc: {  	[tilespmem:s7], [sflag:$0x1] =	stream.indirect.gather [hbm4b:s2+s6], $0x1, s3, s6, $0xb8;
	[tilespmem:$0x400] =	vst v63  }
0xd: {  	s8 =	simm.s32 $0x280  }
0xe: {  	[tilespmem:s8], [sflag:$0x1] =	stream.indirect.gather [hbm4b:s2+s6], $0x1, s6, s6, $0xb8;
	[tilespmem:$0x400] =	vst v63  }
0xf: {  	s9 =	simm.s32 $0x100;
	s10 =	simm.s32 $0x300  }
0x10: {  	[tilespmem:s10], [sflag:$0x1] =	stream.indirect.gather [hbm4b:s2+s6], $0x1, s9, s6, $0xb8;
	[tilespmem:$0x400] =	vst v63  }
0x11: {  	s11 =	simm.s32 $0x180;
	s12 =	simm.s32 $0x380;
	s13 =	simm.s32 $0x1  }
0x12: {  	[tilespmem:s12], [sflag:$0x1] =	stream.indirect.gather [hbm4b:s2+s6], $0x1, s11, s6, $0xb8;
	[tilespmem:$0x400] =	vst v63  }
0x13: {  	_ =	swait.ge [sflag:s13], $0x80  }
0x14: {  	[sflag:s13] =	ssyncset.done $0x0  }
0x15: {  	s14 =	sadd.s32 s14, s15;
	[sflag:s13] =	ssyncadd.s32 $0xFFFFFF80  }
0x16: {  	[hbm4b:s14+s3] =	stream.linear.scatter [tilespmem:s7], [sflag:$0x2], $0x80, $0x38;
	[tilespmem:$0x400] =	vst v63  }
0x17: {  	_ =	swait.ge [sflag:s13], $0x80  }
0x18: {  	[sflag:s13] =	ssyncset.done $0x0  }
0x19: {  	s15 =	sadd.s32 $0x10, s14;
	[sflag:s13] =	ssyncadd.s32 $0xFFFFFF80  }
0x1a: {  	[hbm4b:s15+s3] =	stream.linear.scatter [tilespmem:s8], [sflag:$0x2], $0x80, $0x38;
	[tilespmem:$0x400] =	vst v63  }
0x1b: {  	_ =	swait.ge [sflag:s13], $0x80  }
0x1c: {  	[sflag:s13] =	ssyncset.done $0x0  }
0x1d: {  	s16 =	sadd.s32 $0x20, s14;
	[sflag:s13] =	ssyncadd.s32 $0xFFFFFF80  }
0x1e: {  	[hbm4b:s16+s3] =	stream.linear.scatter [tilespmem:s10], [sflag:$0x2], $0x80, $0x38;
	[tilespmem:$0x400] =	vst v63  }
0x1f: {  	_ =	swait.ge [sflag:s13], $0x80  }
0x20: {  	[sflag:s13] =	ssyncset.done $0x0  }
0x21: {  	s17 =	simm.s32 $0x2;
	s18 =	sadd.s32 $0x30, s14;
	[sflag:s13] =	ssyncadd.s32 $0xFFFFFF80  }
0x22: {  	[hbm4b:s18+s3] =	stream.linear.scatter [tilespmem:s12], [sflag:$0x2], $0x80, $0x38;
	[tilespmem:$0x400] =	vst v63  }
0x23: {  	_ =	swait.ge [sflag:s17], $0x80  }
0x24: {  	s19 =	ssub.s32 $0x2, s19;
	[sflag:s17] =	ssyncset.done $0x0  }
0x25: {  	s20 =	sshrl.u32 s19, $0x1;
	[sflag:s17] =	ssyncadd.s32 $0xFFFFFF80  }
0x26: {  	s19 =	ssub.s32 s19, s20;
	_ =	swait.ge [sflag:s17], $0x80  }
0x27: {  	s19 =	smax.u32 s19, $0x1;
	[sflag:s17] =	ssyncset.done $0x0  }
0x28: {  	p0 =	sne.s32 s19, $0x1;
	[sflag:s17] =	ssyncadd.s32 $0xFFFFFF80  }
.Ltmp0:
0x29: {  	_ =	swait.ge [sflag:s17], $0x80;
	(pc) =	sbr.rel @!p0 .LBB2_2-.Ltmp0, $4  }
0x2a: {  	[sflag:s17] =	ssyncset.done $0x0  }
0x2b: {  	[sflag:s17] =	ssyncadd.s32 $0xFFFFFF80  }
0x2c: {  	_ =	swait.ge [sflag:s17], $0x80  }
0x2d: {  	s19 =	sadd.s32 $0xFFFFFFFF, s19;
	[sflag:s17] =	ssyncset.done $0x0  }
.LBB2_1:
0x2e: {  	p0 =	sne.s32 s19, $0x1;
	s19 =	sadd.s32 $0xFFFFFFFF, s19;
	[sflag:s17] =	ssyncadd.s32 $0xFFFFFF80  }
0x2f: {  	[tilespmem:s3], [sflag:$0x3] =	stream.linear.gather [hbm4b:s4+s3], $0x200, $0x38;
	[tilespmem:$0x400] =	vst v63  }
0x30: {  	_ =	swait.ge [sflag:s5], $0x200  }
0x31: {  	[sflag:s5] =	ssyncset.done $0x0  }
0x32: {  	[sflag:s5] =	ssyncadd.s32 $0xFFFFFE00  }
0x33: {  	[tilespmem:s7], [sflag:$0x1] =	stream.indirect.gather [hbm4b:s2+s6], $0x1, s3, s6, $0xb8;
	[tilespmem:$0x400] =	vst v63  }
0x34: {  	_ = 	snop  }
0x35: {  	[tilespmem:s8], [sflag:$0x1] =	stream.indirect.gather [hbm4b:s2+s6], $0x1, s6, s6, $0xb8;
	[tilespmem:$0x400] =	vst v63  }
0x36: {  	_ = 	snop  }
0x37: {  	[tilespmem:s10], [sflag:$0x1] =	stream.indirect.gather [hbm4b:s2+s6], $0x1, s9, s6, $0xb8;
	[tilespmem:$0x400] =	vst v63  }
0x38: {  	_ = 	snop  }
0x39: {  	[tilespmem:s12], [sflag:$0x1] =	stream.indirect.gather [hbm4b:s2+s6], $0x1, s11, s6, $0xb8;
	[tilespmem:$0x400] =	vst v63  }
0x3a: {  	_ =	swait.ge [sflag:s13], $0x80  }
0x3b: {  	[sflag:s13] =	ssyncset.done $0x0  }
0x3c: {  	[sflag:s13] =	ssyncadd.s32 $0xFFFFFF80  }
0x3d: {  	[hbm4b:s14+s3] =	stream.linear.scatter [tilespmem:s7], [sflag:$0x2], $0x80, $0x38;
	[tilespmem:$0x400] =	vst v63  }
0x3e: {  	_ =	swait.ge [sflag:s13], $0x80  }
0x3f: {  	[sflag:s13] =	ssyncset.done $0x0  }
0x40: {  	[sflag:s13] =	ssyncadd.s32 $0xFFFFFF80  }
0x41: {  	[hbm4b:s15+s3] =	stream.linear.scatter [tilespmem:s8], [sflag:$0x2], $0x80, $0x38;
	[tilespmem:$0x400] =	vst v63  }
0x42: {  	_ =	swait.ge [sflag:s13], $0x80  }
0x43: {  	[sflag:s13] =	ssyncset.done $0x0  }
0x44: {  	[sflag:s13] =	ssyncadd.s32 $0xFFFFFF80  }
0x45: {  	[hbm4b:s16+s3] =	stream.linear.scatter [tilespmem:s10], [sflag:$0x2], $0x80, $0x38;
	[tilespmem:$0x400] =	vst v63  }
0x46: {  	_ =	swait.ge [sflag:s13], $0x80  }
0x47: {  	[sflag:s13] =	ssyncset.done $0x0  }
0x48: {  	[sflag:s13] =	ssyncadd.s32 $0xFFFFFF80  }
0x49: {  	[hbm4b:s18+s3] =	stream.linear.scatter [tilespmem:s12], [sflag:$0x2], $0x80, $0x38;
	[tilespmem:$0x400] =	vst v63  }
0x4a: {  	_ =	swait.ge [sflag:s17], $0x80  }
0x4b: {  	[sflag:s17] =	ssyncset.done $0x0  }
0x4c: {  	[sflag:s17] =	ssyncadd.s32 $0xFFFFFF80  }
0x4d: {  	_ =	swait.ge [sflag:s17], $0x80  }
0x4e: {  	[sflag:s17] =	ssyncset.done $0x0  }
0x4f: {  	[sflag:s17] =	ssyncadd.s32 $0xFFFFFF80  }
.Ltmp1:
0x50: {  	_ =	swait.ge [sflag:s17], $0x80;
	(pc) =	sbr.rel @p0 .LBB2_1-.Ltmp1, $4  }
0x51: {  	[sflag:s17] =	ssyncset.done $0x0  }
0x52: {  	[sflag:s17] =	ssyncadd.s32 $0xFFFFFF80  }
0x53: {  	_ =	swait.ge [sflag:s17], $0x80  }
0x54: {  	[sflag:s17] =	ssyncset.done $0x0  }
.LBB2_2:
0x55: {  	[sflag:s17] =	ssyncadd.s32 $0xFFFFFF80  }
0x56: {  	_ =	sfence.sel $0x180000  }
0x57: {  	[bflag:$0x0] =	sbarrier.arrive $0xFFFF  }
0x58: {  	p0 =	sne.s32 s1, $0x0;
	_ =	strace $0x90000047  }
0x59: {  	s0 =	sadd.s32 @!p0 $0x100000, s0;
	[bflag:$0x2] =	sbarrier.arrive $0xFFFF  }
0x5a: {  	[sflag:s0] =	ssyncadd.tile.s32 @!p0 $0x1;
	_ =	shalt  }
.Lfunc_end2:
_tile_overlayer_lowered:
.L_overlay_start_2:
0x5b: {  	(tag) =	ssettag $0x2  }
0x5c: {  	s0 =	rddreg [dreg:$0x0];
	s2 =	stileid.u32  }
0x5d: {  	s1 =	rddreg [dreg:$0x1];
	p0 =	sne.s32 s2, $0x0  }
0x5e: {  	s3 =	rddreg [dreg:$0x2];
	[bflag:$0x3] =	sbarrier.arrive $0xFFFF;
	s2 =	simm.s32 @!p0 $0x1C03  }
0x5f: {  	[timem:s3], [sflag:s2] =	dma.local @!p0 [hbm:s0], s1  }
0x60: {  	s0 =	simm.s32 @!p0 $0x3  }
0x61: {  	_ =	swait.ge @!p0 [sflag:s0], s1  }
0x62: {  	s1 =	ssub.s32 @!p0 $0x0, s1;
	[sflag:s0] =	ssyncset.done @!p0 $0x0  }
0x63: {  	[sflag:s0] =	ssyncadd.s32 @!p0 s1  }
0x64: {  	[bflag:$0x3] =	sbarrier.arrive $0xFFFF  }
0x65: {  	_ =	shalt  }

</sc_bundles>
